<compile_context>
chip_gen: v7x
topology: tpu7x:2x2x1
jax: 0.10.2.dev20260603
libtpu: 0.0.44.dev20260713+nightly
codegen_flags: <defaults>
</compile_context>

<pallas_src>
import functools

import jax
import jax.numpy as jnp
from jax import lax
from jax.experimental import pallas as pl
from jax.experimental.pallas import tpu as pltpu
from jax.experimental.pallas import tpu_sc as plsc

NC = 2
NS = 16
NW = NC * NS
NB = 32


def _sc_gather_kernel(Bpad, D, nnei, cpw):
    nl = 1 + nnei
    IL = nl * NB
    mesh = plsc.VectorSubcoreMesh(
        core_axis_name="c", subcore_axis_name="s", num_cores=NC, num_subcores=NS
    )

    @functools.partial(
        pl.kernel,
        mesh=mesh,
        out_type=[
            jax.ShapeDtypeStruct((Bpad, D), jnp.float32),
            jax.ShapeDtypeStruct((Bpad, D), jnp.float32),
        ],
        scratch_types=[
            pltpu.VMEM((2 * IL,), jnp.int32),
            pltpu.VMEM((2, NB), jnp.int32),
            pltpu.VMEM((nl, NB, D), jnp.float32),
            pltpu.VMEM_SHARED((NS * 2 * NB, D), jnp.float32),
            pltpu.SemaphoreType.DMA((nl,)),
            pltpu.SemaphoreType.DMA((nl,)),
            pltpu.SemaphoreType.DMA,
            pltpu.SemaphoreType.DMA,
        ],
    )
    def sc_k(idx_hbm, ident_hbm, table_hbm, self_out, nsum_out,
             idx_v, ident_v, rows_v, acc_sh, sem_g, sem_a, sem_i, sem_w):
        cid = lax.axis_index("c")
        sid = lax.axis_index("s")
        wid = sid * NC + cid
        for p in range(2):
            pltpu.sync_copy(
                ident_hbm.at[pl.ds((sid * 2 + p) * NB, NB)], ident_v.at[p]
            )

        def gather(c, jj, issue):
            poff = (c % 2) * IL
            mk = pltpu.async_copy if issue else pltpu.make_async_copy
            return mk(
                table_hbm.at[idx_v.at[pl.ds(poff + jj * NB, NB)]],
                rows_v.at[jj],
                sem_g.at[jj],
            )

        def idx_load(c, issue):
            poff = (c % 2) * IL
            mk = pltpu.async_copy if issue else pltpu.make_async_copy
            return mk(
                idx_hbm.at[pl.ds((wid * cpw + c) * IL, IL)],
                idx_v.at[pl.ds(poff, IL)],
                sem_i,
            )

        idx_load(0, True).wait()
        for jj in range(nl):
            gather(0, jj, True)

        @pl.loop(0, cpw)
        def chunk(c):
            base = (wid * cpw + c) * NB
            par = c % 2
            roff = (sid * 2 + par) * NB
            cp_i = idx_load(c + 1, True)
            gather(c, 1, False).wait()
            cp_ov = pltpu.async_copy(
                rows_v.at[1], acc_sh.at[pl.ds(roff, NB)], sem_a.at[1]
            )
            gather(c, 0, False).wait()
            cp_w = pltpu.async_copy(rows_v.at[0], self_out.at[pl.ds(base, NB)], sem_w)
            cp_ov.wait()
            cp_i.wait()
            adds = []
            for jj in range(2, nl):
                gather(c, jj, False).wait()
                adds.append(
                    pltpu.async_copy(
                        rows_v.at[jj], acc_sh.at[ident_v.at[par]], sem_a.at[jj],
                        add=True,
                    )
                )
            for jj, cp in zip(range(2, nl), adds):
                cp.wait()
                gather(c + 1, jj, True)
            cp_w.wait()
            gather(c + 1, 0, True)
            gather(c + 1, 1, True)
            cm1 = jnp.maximum(c - 1, 0)
            pltpu.sync_copy(
                acc_sh.at[pl.ds((sid * 2 + cm1 % 2) * NB, NB)],
                nsum_out.at[pl.ds((wid * cpw + cm1) * NB, NB)],
            )

        pltpu.sync_copy(
            acc_sh.at[pl.ds((sid * 2 + (cpw - 1) % 2) * NB, NB)],
            nsum_out.at[pl.ds((wid * cpw + cpw - 1) * NB, NB)],
        )
        for jj in range(nl):
            gather(cpw, jj, False).wait()

    return sc_k


def _tc_matmul(self_rows, nsum_rows, weight, inv_n):
    Bpad, D = self_rows.shape
    E = weight.shape[0]
    bs = 2048
    grid = Bpad // bs

    def tc_k(s_ref, m_ref, w_ref, o_ref):
        ws = w_ref[:, :D]
        wn = w_ref[:, D:]
        dn = (((1,), (1,)), ((), ()))
        acc = lax.dot_general(ws, s_ref[...], dn, preferred_element_type=jnp.float32)
        acc += inv_n * lax.dot_general(wn, m_ref[...], dn, preferred_element_type=jnp.float32)
        o_ref[...] = jnp.maximum(acc, 0.0)

    return pl.pallas_call(
        tc_k,
        grid=(grid,),
        in_specs=[
            pl.BlockSpec((bs, D), lambda i: (i, 0)),
            pl.BlockSpec((bs, D), lambda i: (i, 0)),
            pl.BlockSpec((E, 2 * D), lambda i: (0, 0)),
        ],
        out_specs=pl.BlockSpec((E, bs), lambda i: (0, i)),
        out_shape=jax.ShapeDtypeStruct((E, Bpad), jnp.float32),
    )(self_rows, nsum_rows, weight)


def kernel(nodes, neigh_idx, features_table, weight):
    B = nodes.shape[0]
    nnei = neigh_idx.shape[1]
    N, D = features_table.shape

    blk = NW * NB
    cpw = -(-B // blk)
    Bpad = blk * cpw

    idx_all = jnp.concatenate([nodes[:, None], neigh_idx], axis=1)
    idx_all = jnp.pad(idx_all, ((0, Bpad - B), (0, 0)))
    idx_flat = (
        idx_all.reshape(NW, cpw, NB, 1 + nnei).transpose(0, 1, 3, 2).reshape(-1)
    )
    idx_flat = jnp.pad(idx_flat, (0, (1 + nnei) * NB))
    ident = jnp.arange(NS * 2 * NB, dtype=jnp.int32)

    self_rows, nsum_rows = _sc_gather_kernel(Bpad, D, nnei, cpw)(
        idx_flat, ident, features_table
    )
    out = _tc_matmul(self_rows, nsum_rows, weight, 1.0 / nnei)
    return out[:, :B]

# --- scband reference (transcript-rebuilt; emitter-appended) ---
"""Pipeline reference for scband-encoder-30099130811052 (READ-ONLY COPY).

The authoritative reference and input builder live on the scoring server;
editing this copy changes nothing except your own understanding.
"""

import jax, jax.numpy as jnp
import numpy as np

N_NODES = 100000
FEAT_DIM = 128
EMBED_DIM = 128
BATCH = 50000
NUM_SAMPLE = 10


def setup_inputs(seed: int = 0) -> dict:
    key = jax.random.key(seed)
    k1, k2, k3, k4 = jax.random.split(key, 4)
    features_table = jax.random.normal(k1, (N_NODES, FEAT_DIM), dtype=jnp.float32)
    nodes = jax.random.randint(k2, (BATCH,), 0, N_NODES, dtype=jnp.int32)
    neigh_idx = jax.random.randint(k3, (BATCH, NUM_SAMPLE), 0, N_NODES, dtype=jnp.int32)
    # xavier-uniform-ish init for weight [embed_dim, 2*feat_dim]
    limit = float(np.sqrt(6.0 / (EMBED_DIM + 2 * FEAT_DIM)))
    weight = jax.random.uniform(k4, (EMBED_DIM, 2 * FEAT_DIM), dtype=jnp.float32, minval=-limit, maxval=limit)
    return {"nodes": nodes, "neigh_idx": neigh_idx, "features_table": features_table, "weight": weight}


def reference(nodes, neigh_idx, features_table, weight):
    # aggregator.forward(nodes): mean of sampled neighbor features (MeanAggregator)
    neigh_feats = jnp.take(features_table, neigh_idx, axis=0)  # [B, S, D]
    neigh_feats = jnp.mean(neigh_feats, axis=1)                # [B, D]
    # self features: self.features(nodes)
    self_feats = jnp.take(features_table, nodes, axis=0)       # [B, D]
    # gcn=False branch: concat self and neighbor feats
    combined = jnp.concatenate([self_feats, neigh_feats], axis=1)  # [B, 2D]
    # combined = relu(W @ combined.T) -> [embed_dim, B]
    out = jax.nn.relu(jnp.matmul(weight, combined.T))
    return out

if __name__ == "__main__":
    import jax
    _d = setup_inputs()
    print(jax.jit(kernel)(*tuple(_d.values())))

</pallas_src>

<mosaic_0001>
#map = affine_map<(d0, d1) -> (0)>
#map1 = affine_map<(d0, d1) -> (0, 0)>
module attributes {stable_mosaic.version = 14 : i64} {
  func.func @sc_k(%arg0: i32, %arg1: i32, %arg2: memref<552288xi32, #tpu.memory_space<hbm>>, %arg3: memref<1024xi32, #tpu.memory_space<hbm>>, %arg4: memref<100000x128xf32, #tpu.memory_space<hbm>>, %arg5: memref<50176x128xf32, #tpu.memory_space<hbm>>, %arg6: memref<50176x128xf32, #tpu.memory_space<hbm>>, %arg7: memref<704xi32, #tpu.memory_space<vmem>>, %arg8: memref<2x32xi32, #tpu.memory_space<vmem>>, %arg9: memref<11x32x128xf32, #tpu.memory_space<vmem>>, %arg10: memref<1024x128xf32, #tpu.memory_space<vmem_shared>>, %arg11: memref<11x!tpu.dma_semaphore, #tpu.memory_space<semaphore_mem>>, %arg12: memref<11x!tpu.dma_semaphore, #tpu.memory_space<semaphore_mem>>, %arg13: memref<!tpu.dma_semaphore, #tpu.memory_space<semaphore_mem>>, %arg14: memref<!tpu.dma_semaphore, #tpu.memory_space<semaphore_mem>>) attributes {dimension_semantics = [#tpu.dimension_semantics<core_parallel>, #tpu.dimension_semantics<subcore_parallel>], iteration_bounds = array<i64: 2, 16>, scalar_prefetch = 0 : i64, scratch_operands = 8 : i64, tpu.core_type = #tpu.core_type<sc_vector_subcore>, window_params = [{transform_indices = #map}, {transform_indices = #map}, {transform_indices = #map1}, {transform_indices = #map1}, {transform_indices = #map1}]} {
    %mul3A = arith.constant 2 : i32
    %mul3A_0 = arith.muli %arg1, %mul3A : i32
    %add3A = arith.addi %mul3A_0, %arg0 : i32
    %mul3A_1 = arith.constant 2 : i32
    %mul3A_2 = arith.muli %arg1, %mul3A_1 : i32
    %add3A_3 = arith.constant 0 : i32
    %add3A_4 = arith.addi %mul3A_2, %add3A_3 : i32
    %mul3A_5 = arith.constant 32 : i32
    %mul3A_6 = arith.muli %add3A_4, %mul3A_5 : i32
    %run_scoped3A = arith.constant 0 : i32
    "tpu.region"() ({
      %run_scoped3A_333 = tpu.sem_alloc : memref<!tpu.dma_semaphore, #tpu.memory_space<semaphore_mem>>
      %dma_start3A_334 = arith.constant 0 : i32
      %dma_start3A_335 = tpu.memref_slice %arg8[%run_scoped3A, %dma_start3A_334] : memref<2x32xi32, #tpu.memory_space<vmem>> -> memref<1x32xi32, #tpu.memory_space<vmem>>
      %dma_start3A_336 = tpu.memref_squeeze %dma_start3A_335 : memref<1x32xi32, #tpu.memory_space<vmem>> -> memref<32xi32, #tpu.memory_space<vmem>>
      %dma_start3A_337 = tpu.memref_slice %arg3[%mul3A_6] : memref<1024xi32, #tpu.memory_space<hbm>> -> memref<32xi32, #tpu.memory_space<hbm>>
      %dma_start3A_338 = arith.constant 0 : i32
      %dma_start3A_339 = tpu.memref_slice %arg8[%run_scoped3A, %dma_start3A_338] : memref<2x32xi32, #tpu.memory_space<vmem>> -> memref<1x32xi32, #tpu.memory_space<vmem>>
      %dma_start3A_340 = tpu.memref_squeeze %dma_start3A_339 : memref<1x32xi32, #tpu.memory_space<vmem>> -> memref<32xi32, #tpu.memory_space<vmem>>
      %dma_start3A_341 = tpu.memref_slice %arg3[%mul3A_6] : memref<1024xi32, #tpu.memory_space<hbm>> -> memref<32xi32, #tpu.memory_space<hbm>>
      tpu.enqueue_dma source(%dma_start3A_341 : memref<32xi32, #tpu.memory_space<hbm>>) target(%dma_start3A_340 : memref<32xi32, #tpu.memory_space<vmem>>) target_semaphore(%run_scoped3A_333 : memref<!tpu.dma_semaphore, #tpu.memory_space<semaphore_mem>>)
      %dma_wait3A_342 = arith.constant 0 : i32
      %dma_wait3A_343 = tpu.memref_slice %arg8[%run_scoped3A, %dma_wait3A_342] : memref<2x32xi32, #tpu.memory_space<vmem>> -> memref<1x32xi32, #tpu.memory_space<vmem>>
      %dma_wait3A_344 = tpu.memref_squeeze %dma_wait3A_343 : memref<1x32xi32, #tpu.memory_space<vmem>> -> memref<32xi32, #tpu.memory_space<vmem>>
      %dma_wait3A_345 = tpu.memref_slice %arg3[%mul3A_6] : memref<1024xi32, #tpu.memory_space<hbm>> -> memref<32xi32, #tpu.memory_space<hbm>>
      %dma_wait3A_346 = arith.constant 0 : i32
      %dma_wait3A_347 = tpu.memref_slice %arg8[%run_scoped3A, %dma_wait3A_346] : memref<2x32xi32, #tpu.memory_space<vmem>> -> memref<1x32xi32, #tpu.memory_space<vmem>>
      %dma_wait3A_348 = tpu.memref_squeeze %dma_wait3A_347 : memref<1x32xi32, #tpu.memory_space<vmem>> -> memref<32xi32, #tpu.memory_space<vmem>>
      %dma_wait3A_349 = tpu.memref_slice %arg3[%mul3A_6] : memref<1024xi32, #tpu.memory_space<hbm>> -> memref<32xi32, #tpu.memory_space<hbm>>
      tpu.wait_dma2 semaphore(%run_scoped3A_333 : memref<!tpu.dma_semaphore, #tpu.memory_space<semaphore_mem>>) src(%dma_wait3A_349 : memref<32xi32, #tpu.memory_space<hbm>>) dst(%dma_wait3A_348 : memref<32xi32, #tpu.memory_space<vmem>>)
      tpu.yield
    }) : () -> ()
    %mul3A_7 = arith.constant 2 : i32
    %mul3A_8 = arith.muli %arg1, %mul3A_7 : i32
    %add3A_9 = arith.constant 1 : i32
    %add3A_10 = arith.addi %mul3A_8, %add3A_9 : i32
    %mul3A_11 = arith.constant 32 : i32
    %mul3A_12 = arith.muli %add3A_10, %mul3A_11 : i32
    %run_scoped3A_13 = arith.constant 1 : i32
    "tpu.region"() ({
      %run_scoped3A_333 = tpu.sem_alloc : memref<!tpu.dma_semaphore, #tpu.memory_space<semaphore_mem>>
      %dma_start3A_334 = arith.constant 0 : i32
      %dma_start3A_335 = tpu.memref_slice %arg8[%run_scoped3A_13, %dma_start3A_334] : memref<2x32xi32, #tpu.memory_space<vmem>> -> memref<1x32xi32, #tpu.memory_space<vmem>>
      %dma_start3A_336 = tpu.memref_squeeze %dma_start3A_335 : memref<1x32xi32, #tpu.memory_space<vmem>> -> memref<32xi32, #tpu.memory_space<vmem>>
      %dma_start3A_337 = tpu.memref_slice %arg3[%mul3A_12] : memref<1024xi32, #tpu.memory_space<hbm>> -> memref<32xi32, #tpu.memory_space<hbm>>
      %dma_start3A_338 = arith.constant 0 : i32
      %dma_start3A_339 = tpu.memref_slice %arg8[%run_scoped3A_13, %dma_start3A_338] : memref<2x32xi32, #tpu.memory_space<vmem>> -> memref<1x32xi32, #tpu.memory_space<vmem>>
      %dma_start3A_340 = tpu.memref_squeeze %dma_start3A_339 : memref<1x32xi32, #tpu.memory_space<vmem>> -> memref<32xi32, #tpu.memory_space<vmem>>
      %dma_start3A_341 = tpu.memref_slice %arg3[%mul3A_12] : memref<1024xi32, #tpu.memory_space<hbm>> -> memref<32xi32, #tpu.memory_space<hbm>>
      tpu.enqueue_dma source(%dma_start3A_341 : memref<32xi32, #tpu.memory_space<hbm>>) target(%dma_start3A_340 : memref<32xi32, #tpu.memory_space<vmem>>) target_semaphore(%run_scoped3A_333 : memref<!tpu.dma_semaphore, #tpu.memory_space<semaphore_mem>>)
      %dma_wait3A_342 = arith.constant 0 : i32
      %dma_wait3A_343 = tpu.memref_slice %arg8[%run_scoped3A_13, %dma_wait3A_342] : memref<2x32xi32, #tpu.memory_space<vmem>> -> memref<1x32xi32, #tpu.memory_space<vmem>>
      %dma_wait3A_344 = tpu.memref_squeeze %dma_wait3A_343 : memref<1x32xi32, #tpu.memory_space<vmem>> -> memref<32xi32, #tpu.memory_space<vmem>>
      %dma_wait3A_345 = tpu.memref_slice %arg3[%mul3A_12] : memref<1024xi32, #tpu.memory_space<hbm>> -> memref<32xi32, #tpu.memory_space<hbm>>
      %dma_wait3A_346 = arith.constant 0 : i32
      %dma_wait3A_347 = tpu.memref_slice %arg8[%run_scoped3A_13, %dma_wait3A_346] : memref<2x32xi32, #tpu.memory_space<vmem>> -> memref<1x32xi32, #tpu.memory_space<vmem>>
      %dma_wait3A_348 = tpu.memref_squeeze %dma_wait3A_347 : memref<1x32xi32, #tpu.memory_space<vmem>> -> memref<32xi32, #tpu.memory_space<vmem>>
      %dma_wait3A_349 = tpu.memref_slice %arg3[%mul3A_12] : memref<1024xi32, #tpu.memory_space<hbm>> -> memref<32xi32, #tpu.memory_space<hbm>>
      tpu.wait_dma2 semaphore(%run_scoped3A_333 : memref<!tpu.dma_semaphore, #tpu.memory_space<semaphore_mem>>) src(%dma_wait3A_349 : memref<32xi32, #tpu.memory_space<hbm>>) dst(%dma_wait3A_348 : memref<32xi32, #tpu.memory_space<vmem>>)
      tpu.yield
    }) : () -> ()
    %mul3A_14 = arith.constant 49 : i32
    %mul3A_15 = arith.muli %add3A, %mul3A_14 : i32
    %add3A_16 = arith.constant 0 : i32
    %add3A_17 = arith.addi %mul3A_15, %add3A_16 : i32
    %mul3A_18 = arith.constant 352 : i32
    %mul3A_19 = arith.muli %add3A_17, %mul3A_18 : i32
    %dma_start3A = arith.constant 0 : i32
    %dma_start3A_20 = tpu.memref_slice %arg7[%dma_start3A] : memref<704xi32, #tpu.memory_space<vmem>> -> memref<352xi32, #tpu.memory_space<vmem>>
    %dma_start3A_21 = tpu.memref_slice %arg2[%mul3A_19] : memref<552288xi32, #tpu.memory_space<hbm>> -> memref<352xi32, #tpu.memory_space<hbm>>
    %dma_start3A_22 = arith.constant 0 : i32
    %dma_start3A_23 = tpu.memref_slice %arg7[%dma_start3A_22] : memref<704xi32, #tpu.memory_space<vmem>> -> memref<352xi32, #tpu.memory_space<vmem>>
    %dma_start3A_24 = tpu.memref_slice %arg2[%mul3A_19] : memref<552288xi32, #tpu.memory_space<hbm>> -> memref<352xi32, #tpu.memory_space<hbm>>
    tpu.enqueue_dma source(%dma_start3A_24 : memref<352xi32, #tpu.memory_space<hbm>>) target(%dma_start3A_23 : memref<352xi32, #tpu.memory_space<vmem>>) target_semaphore(%arg13 : memref<!tpu.dma_semaphore, #tpu.memory_space<semaphore_mem>>)
    %dma_wait3A = arith.constant 0 : i32
    %dma_wait3A_25 = tpu.memref_slice %arg7[%dma_wait3A] : memref<704xi32, #tpu.memory_space<vmem>> -> memref<352xi32, #tpu.memory_space<vmem>>
    %dma_wait3A_26 = tpu.memref_slice %arg2[%mul3A_19] : memref<552288xi32, #tpu.memory_space<hbm>> -> memref<352xi32, #tpu.memory_space<hbm>>
    %dma_wait3A_27 = arith.constant 0 : i32
    %dma_wait3A_28 = tpu.memref_slice %arg7[%dma_wait3A_27] : memref<704xi32, #tpu.memory_space<vmem>> -> memref<352xi32, #tpu.memory_space<vmem>>
    %dma_wait3A_29 = tpu.memref_slice %arg2[%mul3A_19] : memref<552288xi32, #tpu.memory_space<hbm>> -> memref<352xi32, #tpu.memory_space<hbm>>
    tpu.wait_dma2 semaphore(%arg13 : memref<!tpu.dma_semaphore, #tpu.memory_space<semaphore_mem>>) src(%dma_wait3A_29 : memref<352xi32, #tpu.memory_space<hbm>>) dst(%dma_wait3A_28 : memref<352xi32, #tpu.memory_space<vmem>>)
    %dma_start3A_30 = arith.constant 0 : i32
    %dma_start3A_31 = arith.constant 0 : i32
    %dma_start3A_32 = arith.constant 0 : i32
    %dma_start3A_33 = arith.constant 0 : i32
    %dma_start3A_34 = tpu.memref_slice %arg9[%dma_start3A_30, %dma_start3A_32, %dma_start3A_33] : memref<11x32x128xf32, #tpu.memory_space<vmem>> -> memref<1x32x128xf32, #tpu.memory_space<vmem>>
    %dma_start3A_35 = tpu.memref_squeeze %dma_start3A_34 : memref<1x32x128xf32, #tpu.memory_space<vmem>> -> memref<32x128xf32, #tpu.memory_space<vmem>>
    %dma_start3A_36 = arith.constant 0 : i32
    %dma_start3A_37 = tpu.memref_slice %arg7[%dma_start3A_36] : memref<704xi32, #tpu.memory_space<vmem>> -> memref<32xi32, #tpu.memory_space<vmem>>
    %dma_start3A_38 = arith.constant 0 : i32
    %dma_start3A_39 = arith.constant 0 : i32
    %dma_start3A_40 = tpu.memref_slice %arg4[%dma_start3A_38, %dma_start3A_39] : memref<100000x128xf32, #tpu.memory_space<hbm>> -> memref<100000x128xf32, #tpu.memory_space<hbm>>
    %dma_start3A_41 = tpu.memref_slice %arg11[%dma_start3A_31] : memref<11x!tpu.dma_semaphore, #tpu.memory_space<semaphore_mem>> -> memref<1x!tpu.dma_semaphore, #tpu.memory_space<semaphore_mem>>
    %dma_start3A_42 = tpu.memref_squeeze %dma_start3A_41 : memref<1x!tpu.dma_semaphore, #tpu.memory_space<semaphore_mem>> -> memref<!tpu.dma_semaphore, #tpu.memory_space<semaphore_mem>>
    tpu.enqueue_indirect_dma source(%dma_start3A_40 : memref<100000x128xf32, #tpu.memory_space<hbm>>) target(%dma_start3A_35 : memref<32x128xf32, #tpu.memory_space<vmem>>) offsets(%dma_start3A_37 : memref<32xi32, #tpu.memory_space<vmem>>) semaphore(%dma_start3A_42 : memref<!tpu.dma_semaphore, #tpu.memory_space<semaphore_mem>>)
    %dma_start3A_43 = arith.constant 1 : i32
    %dma_start3A_44 = arith.constant 1 : i32
    %dma_start3A_45 = arith.constant 0 : i32
    %dma_start3A_46 = arith.constant 0 : i32
    %dma_start3A_47 = tpu.memref_slice %arg9[%dma_start3A_43, %dma_start3A_45, %dma_start3A_46] : memref<11x32x128xf32, #tpu.memory_space<vmem>> -> memref<1x32x128xf32, #tpu.memory_space<vmem>>
    %dma_start3A_48 = tpu.memref_squeeze %dma_start3A_47 : memref<1x32x128xf32, #tpu.memory_space<vmem>> -> memref<32x128xf32, #tpu.memory_space<vmem>>
    %dma_start3A_49 = arith.constant 32 : i32
    %dma_start3A_50 = tpu.memref_slice %arg7[%dma_start3A_49] : memref<704xi32, #tpu.memory_space<vmem>> -> memref<32xi32, #tpu.memory_space<vmem>>
    %dma_start3A_51 = arith.constant 0 : i32
    %dma_start3A_52 = arith.constant 0 : i32
    %dma_start3A_53 = tpu.memref_slice %arg4[%dma_start3A_51, %dma_start3A_52] : memref<100000x128xf32, #tpu.memory_space<hbm>> -> memref<100000x128xf32, #tpu.memory_space<hbm>>
    %dma_start3A_54 = tpu.memref_slice %arg11[%dma_start3A_44] : memref<11x!tpu.dma_semaphore, #tpu.memory_space<semaphore_mem>> -> memref<1x!tpu.dma_semaphore, #tpu.memory_space<semaphore_mem>>
    %dma_start3A_55 = tpu.memref_squeeze %dma_start3A_54 : memref<1x!tpu.dma_semaphore, #tpu.memory_space<semaphore_mem>> -> memref<!tpu.dma_semaphore, #tpu.memory_space<semaphore_mem>>
    tpu.enqueue_indirect_dma source(%dma_start3A_53 : memref<100000x128xf32, #tpu.memory_space<hbm>>) target(%dma_start3A_48 : memref<32x128xf32, #tpu.memory_space<vmem>>) offsets(%dma_start3A_50 : memref<32xi32, #tpu.memory_space<vmem>>) semaphore(%dma_start3A_55 : memref<!tpu.dma_semaphore, #tpu.memory_space<semaphore_mem>>)
    %dma_start3A_56 = arith.constant 2 : i32
    %dma_start3A_57 = arith.constant 2 : i32
    %dma_start3A_58 = arith.constant 0 : i32
    %dma_start3A_59 = arith.constant 0 : i32
    %dma_start3A_60 = tpu.memref_slice %arg9[%dma_start3A_56, %dma_start3A_58, %dma_start3A_59] : memref<11x32x128xf32, #tpu.memory_space<vmem>> -> memref<1x32x128xf32, #tpu.memory_space<vmem>>
    %dma_start3A_61 = tpu.memref_squeeze %dma_start3A_60 : memref<1x32x128xf32, #tpu.memory_space<vmem>> -> memref<32x128xf32, #tpu.memory_space<vmem>>
    %dma_start3A_62 = arith.constant 64 : i32
    %dma_start3A_63 = tpu.memref_slice %arg7[%dma_start3A_62] : memref<704xi32, #tpu.memory_space<vmem>> -> memref<32xi32, #tpu.memory_space<vmem>>
    %dma_start3A_64 = arith.constant 0 : i32
    %dma_start3A_65 = arith.constant 0 : i32
    %dma_start3A_66 = tpu.memref_slice %arg4[%dma_start3A_64, %dma_start3A_65] : memref<100000x128xf32, #tpu.memory_space<hbm>> -> memref<100000x128xf32, #tpu.memory_space<hbm>>
    %dma_start3A_67 = tpu.memref_slice %arg11[%dma_start3A_57] : memref<11x!tpu.dma_semaphore, #tpu.memory_space<semaphore_mem>> -> memref<1x!tpu.dma_semaphore, #tpu.memory_space<semaphore_mem>>
    %dma_start3A_68 = tpu.memref_squeeze %dma_start3A_67 : memref<1x!tpu.dma_semaphore, #tpu.memory_space<semaphore_mem>> -> memref<!tpu.dma_semaphore, #tpu.memory_space<semaphore_mem>>
    tpu.enqueue_indirect_dma source(%dma_start3A_66 : memref<100000x128xf32, #tpu.memory_space<hbm>>) target(%dma_start3A_61 : memref<32x128xf32, #tpu.memory_space<vmem>>) offsets(%dma_start3A_63 : memref<32xi32, #tpu.memory_space<vmem>>) semaphore(%dma_start3A_68 : memref<!tpu.dma_semaphore, #tpu.memory_space<semaphore_mem>>)
    %dma_start3A_69 = arith.constant 3 : i32
    %dma_start3A_70 = arith.constant 3 : i32
    %dma_start3A_71 = arith.constant 0 : i32
    %dma_start3A_72 = arith.constant 0 : i32
    %dma_start3A_73 = tpu.memref_slice %arg9[%dma_start3A_69, %dma_start3A_71, %dma_start3A_72] : memref<11x32x128xf32, #tpu.memory_space<vmem>> -> memref<1x32x128xf32, #tpu.memory_space<vmem>>
    %dma_start3A_74 = tpu.memref_squeeze %dma_start3A_73 : memref<1x32x128xf32, #tpu.memory_space<vmem>> -> memref<32x128xf32, #tpu.memory_space<vmem>>
    %dma_start3A_75 = arith.constant 96 : i32
    %dma_start3A_76 = tpu.memref_slice %arg7[%dma_start3A_75] : memref<704xi32, #tpu.memory_space<vmem>> -> memref<32xi32, #tpu.memory_space<vmem>>
    %dma_start3A_77 = arith.constant 0 : i32
    %dma_start3A_78 = arith.constant 0 : i32
    %dma_start3A_79 = tpu.memref_slice %arg4[%dma_start3A_77, %dma_start3A_78] : memref<100000x128xf32, #tpu.memory_space<hbm>> -> memref<100000x128xf32, #tpu.memory_space<hbm>>
    %dma_start3A_80 = tpu.memref_slice %arg11[%dma_start3A_70] : memref<11x!tpu.dma_semaphore, #tpu.memory_space<semaphore_mem>> -> memref<1x!tpu.dma_semaphore, #tpu.memory_space<semaphore_mem>>
    %dma_start3A_81 = tpu.memref_squeeze %dma_start3A_80 : memref<1x!tpu.dma_semaphore, #tpu.memory_space<semaphore_mem>> -> memref<!tpu.dma_semaphore, #tpu.memory_space<semaphore_mem>>
    tpu.enqueue_indirect_dma source(%dma_start3A_79 : memref<100000x128xf32, #tpu.memory_space<hbm>>) target(%dma_start3A_74 : memref<32x128xf32, #tpu.memory_space<vmem>>) offsets(%dma_start3A_76 : memref<32xi32, #tpu.memory_space<vmem>>) semaphore(%dma_start3A_81 : memref<!tpu.dma_semaphore, #tpu.memory_space<semaphore_mem>>)
    %dma_start3A_82 = arith.constant 4 : i32
    %dma_start3A_83 = arith.constant 4 : i32
    %dma_start3A_84 = arith.constant 0 : i32
    %dma_start3A_85 = arith.constant 0 : i32
    %dma_start3A_86 = tpu.memref_slice %arg9[%dma_start3A_82, %dma_start3A_84, %dma_start3A_85] : memref<11x32x128xf32, #tpu.memory_space<vmem>> -> memref<1x32x128xf32, #tpu.memory_space<vmem>>
    %dma_start3A_87 = tpu.memref_squeeze %dma_start3A_86 : memref<1x32x128xf32, #tpu.memory_space<vmem>> -> memref<32x128xf32, #tpu.memory_space<vmem>>
    %dma_start3A_88 = arith.constant 128 : i32
    %dma_start3A_89 = tpu.memref_slice %arg7[%dma_start3A_88] : memref<704xi32, #tpu.memory_space<vmem>> -> memref<32xi32, #tpu.memory_space<vmem>>
    %dma_start3A_90 = arith.constant 0 : i32
    %dma_start3A_91 = arith.constant 0 : i32
    %dma_start3A_92 = tpu.memref_slice %arg4[%dma_start3A_90, %dma_start3A_91] : memref<100000x128xf32, #tpu.memory_space<hbm>> -> memref<100000x128xf32, #tpu.memory_space<hbm>>
    %dma_start3A_93 = tpu.memref_slice %arg11[%dma_start3A_83] : memref<11x!tpu.dma_semaphore, #tpu.memory_space<semaphore_mem>> -> memref<1x!tpu.dma_semaphore, #tpu.memory_space<semaphore_mem>>
    %dma_start3A_94 = tpu.memref_squeeze %dma_start3A_93 : memref<1x!tpu.dma_semaphore, #tpu.memory_space<semaphore_mem>> -> memref<!tpu.dma_semaphore, #tpu.memory_space<semaphore_mem>>
    tpu.enqueue_indirect_dma source(%dma_start3A_92 : memref<100000x128xf32, #tpu.memory_space<hbm>>) target(%dma_start3A_87 : memref<32x128xf32, #tpu.memory_space<vmem>>) offsets(%dma_start3A_89 : memref<32xi32, #tpu.memory_space<vmem>>) semaphore(%dma_start3A_94 : memref<!tpu.dma_semaphore, #tpu.memory_space<semaphore_mem>>)
    %dma_start3A_95 = arith.constant 5 : i32
    %dma_start3A_96 = arith.constant 5 : i32
    %dma_start3A_97 = arith.constant 0 : i32
    %dma_start3A_98 = arith.constant 0 : i32
    %dma_start3A_99 = tpu.memref_slice %arg9[%dma_start3A_95, %dma_start3A_97, %dma_start3A_98] : memref<11x32x128xf32, #tpu.memory_space<vmem>> -> memref<1x32x128xf32, #tpu.memory_space<vmem>>
    %dma_start3A_100 = tpu.memref_squeeze %dma_start3A_99 : memref<1x32x128xf32, #tpu.memory_space<vmem>> -> memref<32x128xf32, #tpu.memory_space<vmem>>
    %dma_start3A_101 = arith.constant 160 : i32
    %dma_start3A_102 = tpu.memref_slice %arg7[%dma_start3A_101] : memref<704xi32, #tpu.memory_space<vmem>> -> memref<32xi32, #tpu.memory_space<vmem>>
    %dma_start3A_103 = arith.constant 0 : i32
    %dma_start3A_104 = arith.constant 0 : i32
    %dma_start3A_105 = tpu.memref_slice %arg4[%dma_start3A_103, %dma_start3A_104] : memref<100000x128xf32, #tpu.memory_space<hbm>> -> memref<100000x128xf32, #tpu.memory_space<hbm>>
    %dma_start3A_106 = tpu.memref_slice %arg11[%dma_start3A_96] : memref<11x!tpu.dma_semaphore, #tpu.memory_space<semaphore_mem>> -> memref<1x!tpu.dma_semaphore, #tpu.memory_space<semaphore_mem>>
    %dma_start3A_107 = tpu.memref_squeeze %dma_start3A_106 : memref<1x!tpu.dma_semaphore, #tpu.memory_space<semaphore_mem>> -> memref<!tpu.dma_semaphore, #tpu.memory_space<semaphore_mem>>
    tpu.enqueue_indirect_dma source(%dma_start3A_105 : memref<100000x128xf32, #tpu.memory_space<hbm>>) target(%dma_start3A_100 : memref<32x128xf32, #tpu.memory_space<vmem>>) offsets(%dma_start3A_102 : memref<32xi32, #tpu.memory_space<vmem>>) semaphore(%dma_start3A_107 : memref<!tpu.dma_semaphore, #tpu.memory_space<semaphore_mem>>)
    %dma_start3A_108 = arith.constant 6 : i32
    %dma_start3A_109 = arith.constant 6 : i32
    %dma_start3A_110 = arith.constant 0 : i32
    %dma_start3A_111 = arith.constant 0 : i32
    %dma_start3A_112 = tpu.memref_slice %arg9[%dma_start3A_108, %dma_start3A_110, %dma_start3A_111] : memref<11x32x128xf32, #tpu.memory_space<vmem>> -> memref<1x32x128xf32, #tpu.memory_space<vmem>>
    %dma_start3A_113 = tpu.memref_squeeze %dma_start3A_112 : memref<1x32x128xf32, #tpu.memory_space<vmem>> -> memref<32x128xf32, #tpu.memory_space<vmem>>
    %dma_start3A_114 = arith.constant 192 : i32
    %dma_start3A_115 = tpu.memref_slice %arg7[%dma_start3A_114] : memref<704xi32, #tpu.memory_space<vmem>> -> memref<32xi32, #tpu.memory_space<vmem>>
    %dma_start3A_116 = arith.constant 0 : i32
    %dma_start3A_117 = arith.constant 0 : i32
    %dma_start3A_118 = tpu.memref_slice %arg4[%dma_start3A_116, %dma_start3A_117] : memref<100000x128xf32, #tpu.memory_space<hbm>> -> memref<100000x128xf32, #tpu.memory_space<hbm>>
    %dma_start3A_119 = tpu.memref_slice %arg11[%dma_start3A_109] : memref<11x!tpu.dma_semaphore, #tpu.memory_space<semaphore_mem>> -> memref<1x!tpu.dma_semaphore, #tpu.memory_space<semaphore_mem>>
    %dma_start3A_120 = tpu.memref_squeeze %dma_start3A_119 : memref<1x!tpu.dma_semaphore, #tpu.memory_space<semaphore_mem>> -> memref<!tpu.dma_semaphore, #tpu.memory_space<semaphore_mem>>
    tpu.enqueue_indirect_dma source(%dma_start3A_118 : memref<100000x128xf32, #tpu.memory_space<hbm>>) target(%dma_start3A_113 : memref<32x128xf32, #tpu.memory_space<vmem>>) offsets(%dma_start3A_115 : memref<32xi32, #tpu.memory_space<vmem>>) semaphore(%dma_start3A_120 : memref<!tpu.dma_semaphore, #tpu.memory_space<semaphore_mem>>)
    %dma_start3A_121 = arith.constant 7 : i32
    %dma_start3A_122 = arith.constant 7 : i32
    %dma_start3A_123 = arith.constant 0 : i32
    %dma_start3A_124 = arith.constant 0 : i32
    %dma_start3A_125 = tpu.memref_slice %arg9[%dma_start3A_121, %dma_start3A_123, %dma_start3A_124] : memref<11x32x128xf32, #tpu.memory_space<vmem>> -> memref<1x32x128xf32, #tpu.memory_space<vmem>>
    %dma_start3A_126 = tpu.memref_squeeze %dma_start3A_125 : memref<1x32x128xf32, #tpu.memory_space<vmem>> -> memref<32x128xf32, #tpu.memory_space<vmem>>
    %dma_start3A_127 = arith.constant 224 : i32
    %dma_start3A_128 = tpu.memref_slice %arg7[%dma_start3A_127] : memref<704xi32, #tpu.memory_space<vmem>> -> memref<32xi32, #tpu.memory_space<vmem>>
    %dma_start3A_129 = arith.constant 0 : i32
    %dma_start3A_130 = arith.constant 0 : i32
    %dma_start3A_131 = tpu.memref_slice %arg4[%dma_start3A_129, %dma_start3A_130] : memref<100000x128xf32, #tpu.memory_space<hbm>> -> memref<100000x128xf32, #tpu.memory_space<hbm>>
    %dma_start3A_132 = tpu.memref_slice %arg11[%dma_start3A_122] : memref<11x!tpu.dma_semaphore, #tpu.memory_space<semaphore_mem>> -> memref<1x!tpu.dma_semaphore, #tpu.memory_space<semaphore_mem>>
    %dma_start3A_133 = tpu.memref_squeeze %dma_start3A_132 : memref<1x!tpu.dma_semaphore, #tpu.memory_space<semaphore_mem>> -> memref<!tpu.dma_semaphore, #tpu.memory_space<semaphore_mem>>
    tpu.enqueue_indirect_dma source(%dma_start3A_131 : memref<100000x128xf32, #tpu.memory_space<hbm>>) target(%dma_start3A_126 : memref<32x128xf32, #tpu.memory_space<vmem>>) offsets(%dma_start3A_128 : memref<32xi32, #tpu.memory_space<vmem>>) semaphore(%dma_start3A_133 : memref<!tpu.dma_semaphore, #tpu.memory_space<semaphore_mem>>)
    %dma_start3A_134 = arith.constant 8 : i32
    %dma_start3A_135 = arith.constant 8 : i32
    %dma_start3A_136 = arith.constant 0 : i32
    %dma_start3A_137 = arith.constant 0 : i32
    %dma_start3A_138 = tpu.memref_slice %arg9[%dma_start3A_134, %dma_start3A_136, %dma_start3A_137] : memref<11x32x128xf32, #tpu.memory_space<vmem>> -> memref<1x32x128xf32, #tpu.memory_space<vmem>>
    %dma_start3A_139 = tpu.memref_squeeze %dma_start3A_138 : memref<1x32x128xf32, #tpu.memory_space<vmem>> -> memref<32x128xf32, #tpu.memory_space<vmem>>
    %dma_start3A_140 = arith.constant 256 : i32
    %dma_start3A_141 = tpu.memref_slice %arg7[%dma_start3A_140] : memref<704xi32, #tpu.memory_space<vmem>> -> memref<32xi32, #tpu.memory_space<vmem>>
    %dma_start3A_142 = arith.constant 0 : i32
    %dma_start3A_143 = arith.constant 0 : i32
    %dma_start3A_144 = tpu.memref_slice %arg4[%dma_start3A_142, %dma_start3A_143] : memref<100000x128xf32, #tpu.memory_space<hbm>> -> memref<100000x128xf32, #tpu.memory_space<hbm>>
    %dma_start3A_145 = tpu.memref_slice %arg11[%dma_start3A_135] : memref<11x!tpu.dma_semaphore, #tpu.memory_space<semaphore_mem>> -> memref<1x!tpu.dma_semaphore, #tpu.memory_space<semaphore_mem>>
    %dma_start3A_146 = tpu.memref_squeeze %dma_start3A_145 : memref<1x!tpu.dma_semaphore, #tpu.memory_space<semaphore_mem>> -> memref<!tpu.dma_semaphore, #tpu.memory_space<semaphore_mem>>
    tpu.enqueue_indirect_dma source(%dma_start3A_144 : memref<100000x128xf32, #tpu.memory_space<hbm>>) target(%dma_start3A_139 : memref<32x128xf32, #tpu.memory_space<vmem>>) offsets(%dma_start3A_141 : memref<32xi32, #tpu.memory_space<vmem>>) semaphore(%dma_start3A_146 : memref<!tpu.dma_semaphore, #tpu.memory_space<semaphore_mem>>)
    %dma_start3A_147 = arith.constant 9 : i32
    %dma_start3A_148 = arith.constant 9 : i32
    %dma_start3A_149 = arith.constant 0 : i32
    %dma_start3A_150 = arith.constant 0 : i32
    %dma_start3A_151 = tpu.memref_slice %arg9[%dma_start3A_147, %dma_start3A_149, %dma_start3A_150] : memref<11x32x128xf32, #tpu.memory_space<vmem>> -> memref<1x32x128xf32, #tpu.memory_space<vmem>>
    %dma_start3A_152 = tpu.memref_squeeze %dma_start3A_151 : memref<1x32x128xf32, #tpu.memory_space<vmem>> -> memref<32x128xf32, #tpu.memory_space<vmem>>
    %dma_start3A_153 = arith.constant 288 : i32
    %dma_start3A_154 = tpu.memref_slice %arg7[%dma_start3A_153] : memref<704xi32, #tpu.memory_space<vmem>> -> memref<32xi32, #tpu.memory_space<vmem>>
    %dma_start3A_155 = arith.constant 0 : i32
    %dma_start3A_156 = arith.constant 0 : i32
    %dma_start3A_157 = tpu.memref_slice %arg4[%dma_start3A_155, %dma_start3A_156] : memref<100000x128xf32, #tpu.memory_space<hbm>> -> memref<100000x128xf32, #tpu.memory_space<hbm>>
    %dma_start3A_158 = tpu.memref_slice %arg11[%dma_start3A_148] : memref<11x!tpu.dma_semaphore, #tpu.memory_space<semaphore_mem>> -> memref<1x!tpu.dma_semaphore, #tpu.memory_space<semaphore_mem>>
    %dma_start3A_159 = tpu.memref_squeeze %dma_start3A_158 : memref<1x!tpu.dma_semaphore, #tpu.memory_space<semaphore_mem>> -> memref<!tpu.dma_semaphore, #tpu.memory_space<semaphore_mem>>
    tpu.enqueue_indirect_dma source(%dma_start3A_157 : memref<100000x128xf32, #tpu.memory_space<hbm>>) target(%dma_start3A_152 : memref<32x128xf32, #tpu.memory_space<vmem>>) offsets(%dma_start3A_154 : memref<32xi32, #tpu.memory_space<vmem>>) semaphore(%dma_start3A_159 : memref<!tpu.dma_semaphore, #tpu.memory_space<semaphore_mem>>)
    %dma_start3A_160 = arith.constant 10 : i32
    %dma_start3A_161 = arith.constant 10 : i32
    %dma_start3A_162 = arith.constant 0 : i32
    %dma_start3A_163 = arith.constant 0 : i32
    %dma_start3A_164 = tpu.memref_slice %arg9[%dma_start3A_160, %dma_start3A_162, %dma_start3A_163] : memref<11x32x128xf32, #tpu.memory_space<vmem>> -> memref<1x32x128xf32, #tpu.memory_space<vmem>>
    %dma_start3A_165 = tpu.memref_squeeze %dma_start3A_164 : memref<1x32x128xf32, #tpu.memory_space<vmem>> -> memref<32x128xf32, #tpu.memory_space<vmem>>
    %dma_start3A_166 = arith.constant 320 : i32
    %dma_start3A_167 = tpu.memref_slice %arg7[%dma_start3A_166] : memref<704xi32, #tpu.memory_space<vmem>> -> memref<32xi32, #tpu.memory_space<vmem>>
    %dma_start3A_168 = arith.constant 0 : i32
    %dma_start3A_169 = arith.constant 0 : i32
    %dma_start3A_170 = tpu.memref_slice %arg4[%dma_start3A_168, %dma_start3A_169] : memref<100000x128xf32, #tpu.memory_space<hbm>> -> memref<100000x128xf32, #tpu.memory_space<hbm>>
    %dma_start3A_171 = tpu.memref_slice %arg11[%dma_start3A_161] : memref<11x!tpu.dma_semaphore, #tpu.memory_space<semaphore_mem>> -> memref<1x!tpu.dma_semaphore, #tpu.memory_space<semaphore_mem>>
    %dma_start3A_172 = tpu.memref_squeeze %dma_start3A_171 : memref<1x!tpu.dma_semaphore, #tpu.memory_space<semaphore_mem>> -> memref<!tpu.dma_semaphore, #tpu.memory_space<semaphore_mem>>
    tpu.enqueue_indirect_dma source(%dma_start3A_170 : memref<100000x128xf32, #tpu.memory_space<hbm>>) target(%dma_start3A_165 : memref<32x128xf32, #tpu.memory_space<vmem>>) offsets(%dma_start3A_167 : memref<32xi32, #tpu.memory_space<vmem>>) semaphore(%dma_start3A_172 : memref<!tpu.dma_semaphore, #tpu.memory_space<semaphore_mem>>)
    %scan3A = arith.constant 0 : i32
    %scan3A_173 = arith.constant 49 : i32
    %scan3A_174 = arith.addi %scan3A, %scan3A_173 : i32
    %scan3A_175 = arith.constant 1 : i32
    scf.for %scan3A_333 = %scan3A to %scan3A_174 step %scan3A_175  : i32 {
      %mul3A_334 = arith.constant 1 : i32
      %mul3A_335 = arith.muli %scan3A_333, %mul3A_334 : i32
      %add3A_336 = arith.constant 0 : i32
      %add3A_337 = arith.addi %add3A_336, %mul3A_335 : i32
      %mul3A_338 = arith.constant 49 : i32
      %mul3A_339 = arith.muli %add3A, %mul3A_338 : i32
      %add3A_340 = arith.addi %mul3A_339, %add3A_337 : i32
      %mul3A_341 = arith.constant 32 : i32
      %mul3A_342 = arith.muli %add3A_340, %mul3A_341 : i32
      %jit3A = arith.constant 2 : i32
      %eq3A = arith.constant 0 : i32
      %eq3A_343 = arith.cmpi eq, %jit3A, %eq3A : i32
      %jit3A_344 = arith.constant 1 : i32
      %select_n3A = arith.select %eq3A_343, %jit3A_344, %jit3A : i32
      %rem3A = arith.remsi %add3A_337, %select_n3A : i32
      %ne3A = arith.constant 0 : i32
      %ne3A_345 = arith.cmpi ne, %rem3A, %ne3A : i32
      %lt3A = arith.constant 0 : i32
      %lt3A_346 = arith.cmpi slt, %rem3A, %lt3A : i32
      %lt3A_347 = arith.constant 0 : i32
      %lt3A_348 = arith.cmpi slt, %select_n3A, %lt3A_347 : i32
      %ne3A_349 = arith.xori %lt3A_346, %lt3A_348 : i1
      %and3A = arith.andi %ne3A_349, %ne3A_345 : i1
      %add3A_350 = arith.addi %rem3A, %select_n3A : i32
      %select_n3A_351 = arith.select %and3A, %add3A_350, %rem3A : i32
      %mul3A_352 = arith.constant 2 : i32
      %mul3A_353 = arith.muli %arg1, %mul3A_352 : i32
      %add3A_354 = arith.addi %mul3A_353, %select_n3A_351 : i32
      %mul3A_355 = arith.constant 32 : i32
      %mul3A_356 = arith.muli %add3A_354, %mul3A_355 : i32
      %add3A_357 = arith.constant 1 : i32
      %add3A_358 = arith.addi %add3A_337, %add3A_357 : i32
      %jit3A_359 = arith.constant 2 : i32
      %eq3A_360 = arith.constant 0 : i32
      %eq3A_361 = arith.cmpi eq, %jit3A_359, %eq3A_360 : i32
      %jit3A_362 = arith.constant 1 : i32
      %select_n3A_363 = arith.select %eq3A_361, %jit3A_362, %jit3A_359 : i32
      %rem3A_364 = arith.remsi %add3A_358, %select_n3A_363 : i32
      %ne3A_365 = arith.constant 0 : i32
      %ne3A_366 = arith.cmpi ne, %rem3A_364, %ne3A_365 : i32
      %lt3A_367 = arith.constant 0 : i32
      %lt3A_368 = arith.cmpi slt, %rem3A_364, %lt3A_367 : i32
      %lt3A_369 = arith.constant 0 : i32
      %lt3A_370 = arith.cmpi slt, %select_n3A_363, %lt3A_369 : i32
      %ne3A_371 = arith.xori %lt3A_368, %lt3A_370 : i1
      %and3A_372 = arith.andi %ne3A_371, %ne3A_366 : i1
      %add3A_373 = arith.addi %rem3A_364, %select_n3A_363 : i32
      %select_n3A_374 = arith.select %and3A_372, %add3A_373, %rem3A_364 : i32
      %mul3A_375 = arith.constant 352 : i32
      %mul3A_376 = arith.muli %select_n3A_374, %mul3A_375 : i32
      %mul3A_377 = arith.constant 49 : i32
      %mul3A_378 = arith.muli %add3A, %mul3A_377 : i32
      %add3A_379 = arith.addi %mul3A_378, %add3A_358 : i32
      %mul3A_380 = arith.constant 352 : i32
      %mul3A_381 = arith.muli %add3A_379, %mul3A_380 : i32
      %dma_start3A_382 = tpu.memref_slice %arg7[%mul3A_376] : memref<704xi32, #tpu.memory_space<vmem>> -> memref<352xi32, #tpu.memory_space<vmem>>
      %dma_start3A_383 = tpu.memref_slice %arg2[%mul3A_381] : memref<552288xi32, #tpu.memory_space<hbm>> -> memref<352xi32, #tpu.memory_space<hbm>>
      %dma_start3A_384 = tpu.memref_slice %arg7[%mul3A_376] : memref<704xi32, #tpu.memory_space<vmem>> -> memref<352xi32, #tpu.memory_space<vmem>>
      %dma_start3A_385 = tpu.memref_slice %arg2[%mul3A_381] : memref<552288xi32, #tpu.memory_space<hbm>> -> memref<352xi32, #tpu.memory_space<hbm>>
      tpu.enqueue_dma source(%dma_start3A_385 : memref<352xi32, #tpu.memory_space<hbm>>) target(%dma_start3A_384 : memref<352xi32, #tpu.memory_space<vmem>>) target_semaphore(%arg13 : memref<!tpu.dma_semaphore, #tpu.memory_space<semaphore_mem>>)
      %jit3A_386 = arith.constant 2 : i32
      %eq3A_387 = arith.constant 0 : i32
      %eq3A_388 = arith.cmpi eq, %jit3A_386, %eq3A_387 : i32
      %jit3A_389 = arith.constant 1 : i32
      %select_n3A_390 = arith.select %eq3A_388, %jit3A_389, %jit3A_386 : i32
      %rem3A_391 = arith.remsi %add3A_337, %select_n3A_390 : i32
      %ne3A_392 = arith.constant 0 : i32
      %ne3A_393 = arith.cmpi ne, %rem3A_391, %ne3A_392 : i32
      %lt3A_394 = arith.constant 0 : i32
      %lt3A_395 = arith.cmpi slt, %rem3A_391, %lt3A_394 : i32
      %lt3A_396 = arith.constant 0 : i32
      %lt3A_397 = arith.cmpi slt, %select_n3A_390, %lt3A_396 : i32
      %ne3A_398 = arith.xori %lt3A_395, %lt3A_397 : i1
      %and3A_399 = arith.andi %ne3A_398, %ne3A_393 : i1
      %add3A_400 = arith.addi %rem3A_391, %select_n3A_390 : i32
      %select_n3A_401 = arith.select %and3A_399, %add3A_400, %rem3A_391 : i32
      %mul3A_402 = arith.constant 352 : i32
      %mul3A_403 = arith.muli %select_n3A_401, %mul3A_402 : i32
      %add3A_404 = arith.constant 32 : i32
      %add3A_405 = arith.addi %mul3A_403, %add3A_404 : i32
      %dma_wait3A_406 = arith.constant 1 : i32
      %dma_wait3A_407 = arith.constant 1 : i32
      %dma_wait3A_408 = arith.constant 0 : i32
      %dma_wait3A_409 = arith.constant 0 : i32
      %dma_wait3A_410 = tpu.memref_slice %arg9[%dma_wait3A_406, %dma_wait3A_408, %dma_wait3A_409] : memref<11x32x128xf32, #tpu.memory_space<vmem>> -> memref<1x32x128xf32, #tpu.memory_space<vmem>>
      %dma_wait3A_411 = tpu.memref_squeeze %dma_wait3A_410 : memref<1x32x128xf32, #tpu.memory_space<vmem>> -> memref<32x128xf32, #tpu.memory_space<vmem>>
      %dma_wait3A_412 = tpu.memref_slice %arg7[%add3A_405] : memref<704xi32, #tpu.memory_space<vmem>> -> memref<32xi32, #tpu.memory_space<vmem>>
      %dma_wait3A_413 = arith.constant 0 : i32
      %dma_wait3A_414 = arith.constant 0 : i32
      %dma_wait3A_415 = tpu.memref_slice %arg4[%dma_wait3A_413, %dma_wait3A_414] : memref<100000x128xf32, #tpu.memory_space<hbm>> -> memref<100000x128xf32, #tpu.memory_space<hbm>>
      %dma_wait3A_416 = tpu.memref_slice %arg11[%dma_wait3A_407] : memref<11x!tpu.dma_semaphore, #tpu.memory_space<semaphore_mem>> -> memref<1x!tpu.dma_semaphore, #tpu.memory_space<semaphore_mem>>
      %dma_wait3A_417 = tpu.memref_squeeze %dma_wait3A_416 : memref<1x!tpu.dma_semaphore, #tpu.memory_space<semaphore_mem>> -> memref<!tpu.dma_semaphore, #tpu.memory_space<semaphore_mem>>
      tpu.wait_indirect_dma semaphore(%dma_wait3A_417 : memref<!tpu.dma_semaphore, #tpu.memory_space<semaphore_mem>>) src(%dma_wait3A_415 : memref<100000x128xf32, #tpu.memory_space<hbm>>) dst(%dma_wait3A_411 : memref<32x128xf32, #tpu.memory_space<vmem>>)
      %dma_start3A_418 = arith.constant 1 : i32
      %dma_start3A_419 = arith.constant 1 : i32
      %dma_start3A_420 = arith.constant 0 : i32
      %dma_start3A_421 = arith.constant 0 : i32
      %dma_start3A_422 = tpu.memref_slice %arg9[%dma_start3A_418, %dma_start3A_420, %dma_start3A_421] : memref<11x32x128xf32, #tpu.memory_space<vmem>> -> memref<1x32x128xf32, #tpu.memory_space<vmem>>
      %dma_start3A_423 = tpu.memref_squeeze %dma_start3A_422 : memref<1x32x128xf32, #tpu.memory_space<vmem>> -> memref<32x128xf32, #tpu.memory_space<vmem>>
      %dma_start3A_424 = arith.constant 0 : i32
      %dma_start3A_425 = tpu.memref_slice %arg10[%mul3A_356, %dma_start3A_424] : memref<1024x128xf32, #tpu.memory_space<vmem_shared>> -> memref<32x128xf32, #tpu.memory_space<vmem_shared>>
      %dma_start3A_426 = tpu.memref_slice %arg12[%dma_start3A_419] : memref<11x!tpu.dma_semaphore, #tpu.memory_space<semaphore_mem>> -> memref<1x!tpu.dma_semaphore, #tpu.memory_space<semaphore_mem>>
      %dma_start3A_427 = tpu.memref_squeeze %dma_start3A_426 : memref<1x!tpu.dma_semaphore, #tpu.memory_space<semaphore_mem>> -> memref<!tpu.dma_semaphore, #tpu.memory_space<semaphore_mem>>
      %dma_start3A_428 = arith.constant 0 : i32
      %dma_start3A_429 = tpu.memref_slice %arg10[%mul3A_356, %dma_start3A_428] : memref<1024x128xf32, #tpu.memory_space<vmem_shared>> -> memref<32x128xf32, #tpu.memory_space<vmem_shared>>
      %dma_start3A_430 = arith.constant 0 : i32
      %dma_start3A_431 = arith.constant 0 : i32
      %dma_start3A_432 = tpu.memref_slice %arg9[%dma_start3A_418, %dma_start3A_430, %dma_start3A_431] : memref<11x32x128xf32, #tpu.memory_space<vmem>> -> memref<1x32x128xf32, #tpu.memory_space<vmem>>
      %dma_start3A_433 = tpu.memref_squeeze %dma_start3A_432 : memref<1x32x128xf32, #tpu.memory_space<vmem>> -> memref<32x128xf32, #tpu.memory_space<vmem>>
      tpu.enqueue_dma source(%dma_start3A_433 : memref<32x128xf32, #tpu.memory_space<vmem>>) target(%dma_start3A_429 : memref<32x128xf32, #tpu.memory_space<vmem_shared>>) target_semaphore(%dma_start3A_427 : memref<!tpu.dma_semaphore, #tpu.memory_space<semaphore_mem>>)
      %jit3A_434 = arith.constant 2 : i32
      %eq3A_435 = arith.constant 0 : i32
      %eq3A_436 = arith.cmpi eq, %jit3A_434, %eq3A_435 : i32
      %jit3A_437 = arith.constant 1 : i32
      %select_n3A_438 = arith.select %eq3A_436, %jit3A_437, %jit3A_434 : i32
      %rem3A_439 = arith.remsi %add3A_337, %select_n3A_438 : i32
      %ne3A_440 = arith.constant 0 : i32
      %ne3A_441 = arith.cmpi ne, %rem3A_439, %ne3A_440 : i32
      %lt3A_442 = arith.constant 0 : i32
      %lt3A_443 = arith.cmpi slt, %rem3A_439, %lt3A_442 : i32
      %lt3A_444 = arith.constant 0 : i32
      %lt3A_445 = arith.cmpi slt, %select_n3A_438, %lt3A_444 : i32
      %ne3A_446 = arith.xori %lt3A_443, %lt3A_445 : i1
      %and3A_447 = arith.andi %ne3A_446, %ne3A_441 : i1
      %add3A_448 = arith.addi %rem3A_439, %select_n3A_438 : i32
      %select_n3A_449 = arith.select %and3A_447, %add3A_448, %rem3A_439 : i32
      %mul3A_450 = arith.constant 352 : i32
      %mul3A_451 = arith.muli %select_n3A_449, %mul3A_450 : i32
      %add3A_452 = arith.constant 0 : i32
      %add3A_453 = arith.addi %mul3A_451, %add3A_452 : i32
      %dma_wait3A_454 = arith.constant 0 : i32
      %dma_wait3A_455 = arith.constant 0 : i32
      %dma_wait3A_456 = arith.constant 0 : i32
      %dma_wait3A_457 = arith.constant 0 : i32
      %dma_wait3A_458 = tpu.memref_slice %arg9[%dma_wait3A_454, %dma_wait3A_456, %dma_wait3A_457] : memref<11x32x128xf32, #tpu.memory_space<vmem>> -> memref<1x32x128xf32, #tpu.memory_space<vmem>>
      %dma_wait3A_459 = tpu.memref_squeeze %dma_wait3A_458 : memref<1x32x128xf32, #tpu.memory_space<vmem>> -> memref<32x128xf32, #tpu.memory_space<vmem>>
      %dma_wait3A_460 = tpu.memref_slice %arg7[%add3A_453] : memref<704xi32, #tpu.memory_space<vmem>> -> memref<32xi32, #tpu.memory_space<vmem>>
      %dma_wait3A_461 = arith.constant 0 : i32
      %dma_wait3A_462 = arith.constant 0 : i32
      %dma_wait3A_463 = tpu.memref_slice %arg4[%dma_wait3A_461, %dma_wait3A_462] : memref<100000x128xf32, #tpu.memory_space<hbm>> -> memref<100000x128xf32, #tpu.memory_space<hbm>>
      %dma_wait3A_464 = tpu.memref_slice %arg11[%dma_wait3A_455] : memref<11x!tpu.dma_semaphore, #tpu.memory_space<semaphore_mem>> -> memref<1x!tpu.dma_semaphore, #tpu.memory_space<semaphore_mem>>
      %dma_wait3A_465 = tpu.memref_squeeze %dma_wait3A_464 : memref<1x!tpu.dma_semaphore, #tpu.memory_space<semaphore_mem>> -> memref<!tpu.dma_semaphore, #tpu.memory_space<semaphore_mem>>
      tpu.wait_indirect_dma semaphore(%dma_wait3A_465 : memref<!tpu.dma_semaphore, #tpu.memory_space<semaphore_mem>>) src(%dma_wait3A_463 : memref<100000x128xf32, #tpu.memory_space<hbm>>) dst(%dma_wait3A_459 : memref<32x128xf32, #tpu.memory_space<vmem>>)
      %dma_start3A_466 = arith.constant 0 : i32
      %dma_start3A_467 = arith.constant 0 : i32
      %dma_start3A_468 = arith.constant 0 : i32
      %dma_start3A_469 = tpu.memref_slice %arg9[%dma_start3A_466, %dma_start3A_467, %dma_start3A_468] : memref<11x32x128xf32, #tpu.memory_space<vmem>> -> memref<1x32x128xf32, #tpu.memory_space<vmem>>
      %dma_start3A_470 = tpu.memref_squeeze %dma_start3A_469 : memref<1x32x128xf32, #tpu.memory_space<vmem>> -> memref<32x128xf32, #tpu.memory_space<vmem>>
      %dma_start3A_471 = arith.constant 0 : i32
      %dma_start3A_472 = tpu.memref_slice %arg5[%mul3A_342, %dma_start3A_471] : memref<50176x128xf32, #tpu.memory_space<hbm>> -> memref<32x128xf32, #tpu.memory_space<hbm>>
      %dma_start3A_473 = arith.constant 0 : i32
      %dma_start3A_474 = tpu.memref_slice %arg5[%mul3A_342, %dma_start3A_473] : memref<50176x128xf32, #tpu.memory_space<hbm>> -> memref<32x128xf32, #tpu.memory_space<hbm>>
      %dma_start3A_475 = arith.constant 0 : i32
      %dma_start3A_476 = arith.constant 0 : i32
      %dma_start3A_477 = tpu.memref_slice %arg9[%dma_start3A_466, %dma_start3A_475, %dma_start3A_476] : memref<11x32x128xf32, #tpu.memory_space<vmem>> -> memref<1x32x128xf32, #tpu.memory_space<vmem>>
      %dma_start3A_478 = tpu.memref_squeeze %dma_start3A_477 : memref<1x32x128xf32, #tpu.memory_space<vmem>> -> memref<32x128xf32, #tpu.memory_space<vmem>>
      tpu.enqueue_dma source(%dma_start3A_478 : memref<32x128xf32, #tpu.memory_space<vmem>>) target(%dma_start3A_474 : memref<32x128xf32, #tpu.memory_space<hbm>>) target_semaphore(%arg14 : memref<!tpu.dma_semaphore, #tpu.memory_space<semaphore_mem>>)
      %dma_wait3A_479 = arith.constant 1 : i32
      %dma_wait3A_480 = arith.constant 1 : i32
      %dma_wait3A_481 = arith.constant 0 : i32
      %dma_wait3A_482 = arith.constant 0 : i32
      %dma_wait3A_483 = tpu.memref_slice %arg9[%dma_wait3A_479, %dma_wait3A_481, %dma_wait3A_482] : memref<11x32x128xf32, #tpu.memory_space<vmem>> -> memref<1x32x128xf32, #tpu.memory_space<vmem>>
      %dma_wait3A_484 = tpu.memref_squeeze %dma_wait3A_483 : memref<1x32x128xf32, #tpu.memory_space<vmem>> -> memref<32x128xf32, #tpu.memory_space<vmem>>
      %dma_wait3A_485 = arith.constant 0 : i32
      %dma_wait3A_486 = tpu.memref_slice %arg10[%mul3A_356, %dma_wait3A_485] : memref<1024x128xf32, #tpu.memory_space<vmem_shared>> -> memref<32x128xf32, #tpu.memory_space<vmem_shared>>
      %dma_wait3A_487 = tpu.memref_slice %arg12[%dma_wait3A_480] : memref<11x!tpu.dma_semaphore, #tpu.memory_space<semaphore_mem>> -> memref<1x!tpu.dma_semaphore, #tpu.memory_space<semaphore_mem>>
      %dma_wait3A_488 = tpu.memref_squeeze %dma_wait3A_487 : memref<1x!tpu.dma_semaphore, #tpu.memory_space<semaphore_mem>> -> memref<!tpu.dma_semaphore, #tpu.memory_space<semaphore_mem>>
      %dma_wait3A_489 = arith.constant 0 : i32
      %dma_wait3A_490 = tpu.memref_slice %arg10[%mul3A_356, %dma_wait3A_489] : memref<1024x128xf32, #tpu.memory_space<vmem_shared>> -> memref<32x128xf32, #tpu.memory_space<vmem_shared>>
      %dma_wait3A_491 = arith.constant 0 : i32
      %dma_wait3A_492 = arith.constant 0 : i32
      %dma_wait3A_493 = tpu.memref_slice %arg9[%dma_wait3A_479, %dma_wait3A_491, %dma_wait3A_492] : memref<11x32x128xf32, #tpu.memory_space<vmem>> -> memref<1x32x128xf32, #tpu.memory_space<vmem>>
      %dma_wait3A_494 = tpu.memref_squeeze %dma_wait3A_493 : memref<1x32x128xf32, #tpu.memory_space<vmem>> -> memref<32x128xf32, #tpu.memory_space<vmem>>
      tpu.wait_dma2 semaphore(%dma_wait3A_488 : memref<!tpu.dma_semaphore, #tpu.memory_space<semaphore_mem>>) src(%dma_wait3A_494 : memref<32x128xf32, #tpu.memory_space<vmem>>) dst(%dma_wait3A_490 : memref<32x128xf32, #tpu.memory_space<vmem_shared>>)
      %dma_wait3A_495 = tpu.memref_slice %arg7[%mul3A_376] : memref<704xi32, #tpu.memory_space<vmem>> -> memref<352xi32, #tpu.memory_space<vmem>>
      %dma_wait3A_496 = tpu.memref_slice %arg2[%mul3A_381] : memref<552288xi32, #tpu.memory_space<hbm>> -> memref<352xi32, #tpu.memory_space<hbm>>
      %dma_wait3A_497 = tpu.memref_slice %arg7[%mul3A_376] : memref<704xi32, #tpu.memory_space<vmem>> -> memref<352xi32, #tpu.memory_space<vmem>>
      %dma_wait3A_498 = tpu.memref_slice %arg2[%mul3A_381] : memref<552288xi32, #tpu.memory_space<hbm>> -> memref<352xi32, #tpu.memory_space<hbm>>
      tpu.wait_dma2 semaphore(%arg13 : memref<!tpu.dma_semaphore, #tpu.memory_space<semaphore_mem>>) src(%dma_wait3A_498 : memref<352xi32, #tpu.memory_space<hbm>>) dst(%dma_wait3A_497 : memref<352xi32, #tpu.memory_space<vmem>>)
      %jit3A_499 = arith.constant 2 : i32
      %eq3A_500 = arith.constant 0 : i32
      %eq3A_501 = arith.cmpi eq, %jit3A_499, %eq3A_500 : i32
      %jit3A_502 = arith.constant 1 : i32
      %select_n3A_503 = arith.select %eq3A_501, %jit3A_502, %jit3A_499 : i32
      %rem3A_504 = arith.remsi %add3A_337, %select_n3A_503 : i32
      %ne3A_505 = arith.constant 0 : i32
      %ne3A_506 = arith.cmpi ne, %rem3A_504, %ne3A_505 : i32
      %lt3A_507 = arith.constant 0 : i32
      %lt3A_508 = arith.cmpi slt, %rem3A_504, %lt3A_507 : i32
      %lt3A_509 = arith.constant 0 : i32
      %lt3A_510 = arith.cmpi slt, %select_n3A_503, %lt3A_509 : i32
      %ne3A_511 = arith.xori %lt3A_508, %lt3A_510 : i1
      %and3A_512 = arith.andi %ne3A_511, %ne3A_506 : i1
      %add3A_513 = arith.addi %rem3A_504, %select_n3A_503 : i32
      %select_n3A_514 = arith.select %and3A_512, %add3A_513, %rem3A_504 : i32
      %mul3A_515 = arith.constant 352 : i32
      %mul3A_516 = arith.muli %select_n3A_514, %mul3A_515 : i32
      %add3A_517 = arith.constant 64 : i32
      %add3A_518 = arith.addi %mul3A_516, %add3A_517 : i32
      %dma_wait3A_519 = arith.constant 2 : i32
      %dma_wait3A_520 = arith.constant 2 : i32
      %dma_wait3A_521 = arith.constant 0 : i32
      %dma_wait3A_522 = arith.constant 0 : i32
      %dma_wait3A_523 = tpu.memref_slice %arg9[%dma_wait3A_519, %dma_wait3A_521, %dma_wait3A_522] : memref<11x32x128xf32, #tpu.memory_space<vmem>> -> memref<1x32x128xf32, #tpu.memory_space<vmem>>
      %dma_wait3A_524 = tpu.memref_squeeze %dma_wait3A_523 : memref<1x32x128xf32, #tpu.memory_space<vmem>> -> memref<32x128xf32, #tpu.memory_space<vmem>>
      %dma_wait3A_525 = tpu.memref_slice %arg7[%add3A_518] : memref<704xi32, #tpu.memory_space<vmem>> -> memref<32xi32, #tpu.memory_space<vmem>>
      %dma_wait3A_526 = arith.constant 0 : i32
      %dma_wait3A_527 = arith.constant 0 : i32
      %dma_wait3A_528 = tpu.memref_slice %arg4[%dma_wait3A_526, %dma_wait3A_527] : memref<100000x128xf32, #tpu.memory_space<hbm>> -> memref<100000x128xf32, #tpu.memory_space<hbm>>
      %dma_wait3A_529 = tpu.memref_slice %arg11[%dma_wait3A_520] : memref<11x!tpu.dma_semaphore, #tpu.memory_space<semaphore_mem>> -> memref<1x!tpu.dma_semaphore, #tpu.memory_space<semaphore_mem>>
      %dma_wait3A_530 = tpu.memref_squeeze %dma_wait3A_529 : memref<1x!tpu.dma_semaphore, #tpu.memory_space<semaphore_mem>> -> memref<!tpu.dma_semaphore, #tpu.memory_space<semaphore_mem>>
      tpu.wait_indirect_dma semaphore(%dma_wait3A_530 : memref<!tpu.dma_semaphore, #tpu.memory_space<semaphore_mem>>) src(%dma_wait3A_528 : memref<100000x128xf32, #tpu.memory_space<hbm>>) dst(%dma_wait3A_524 : memref<32x128xf32, #tpu.memory_space<vmem>>)
      %dma_start3A_531 = arith.constant 2 : i32
      %dma_start3A_532 = arith.constant 2 : i32
      %dma_start3A_533 = arith.constant 0 : i32
      %dma_start3A_534 = arith.constant 0 : i32
      %dma_start3A_535 = tpu.memref_slice %arg9[%dma_start3A_531, %dma_start3A_533, %dma_start3A_534] : memref<11x32x128xf32, #tpu.memory_space<vmem>> -> memref<1x32x128xf32, #tpu.memory_space<vmem>>
      %dma_start3A_536 = tpu.memref_squeeze %dma_start3A_535 : memref<1x32x128xf32, #tpu.memory_space<vmem>> -> memref<32x128xf32, #tpu.memory_space<vmem>>
      %dma_start3A_537 = arith.constant 0 : i32
      %dma_start3A_538 = tpu.memref_slice %arg8[%select_n3A_351, %dma_start3A_537] : memref<2x32xi32, #tpu.memory_space<vmem>> -> memref<1x32xi32, #tpu.memory_space<vmem>>
      %dma_start3A_539 = tpu.memref_squeeze %dma_start3A_538 : memref<1x32xi32, #tpu.memory_space<vmem>> -> memref<32xi32, #tpu.memory_space<vmem>>
      %dma_start3A_540 = arith.constant 0 : i32
      %dma_start3A_541 = arith.constant 0 : i32
      %dma_start3A_542 = tpu.memref_slice %arg10[%dma_start3A_540, %dma_start3A_541] : memref<1024x128xf32, #tpu.memory_space<vmem_shared>> -> memref<1024x128xf32, #tpu.memory_space<vmem_shared>>
      %dma_start3A_543 = tpu.memref_slice %arg12[%dma_start3A_532] : memref<11x!tpu.dma_semaphore, #tpu.memory_space<semaphore_mem>> -> memref<1x!tpu.dma_semaphore, #tpu.memory_space<semaphore_mem>>
      %dma_start3A_544 = tpu.memref_squeeze %dma_start3A_543 : memref<1x!tpu.dma_semaphore, #tpu.memory_space<semaphore_mem>> -> memref<!tpu.dma_semaphore, #tpu.memory_space<semaphore_mem>>
      tpu.enqueue_indirect_dma source(%dma_start3A_536 : memref<32x128xf32, #tpu.memory_space<vmem>>) target(%dma_start3A_542 : memref<1024x128xf32, #tpu.memory_space<vmem_shared>>) offsets(%dma_start3A_539 : memref<32xi32, #tpu.memory_space<vmem>>) semaphore(%dma_start3A_544 : memref<!tpu.dma_semaphore, #tpu.memory_space<semaphore_mem>>) {add = true}
      %jit3A_545 = arith.constant 2 : i32
      %eq3A_546 = arith.constant 0 : i32
      %eq3A_547 = arith.cmpi eq, %jit3A_545, %eq3A_546 : i32
      %jit3A_548 = arith.constant 1 : i32
      %select_n3A_549 = arith.select %eq3A_547, %jit3A_548, %jit3A_545 : i32
      %rem3A_550 = arith.remsi %add3A_337, %select_n3A_549 : i32
      %ne3A_551 = arith.constant 0 : i32
      %ne3A_552 = arith.cmpi ne, %rem3A_550, %ne3A_551 : i32
      %lt3A_553 = arith.constant 0 : i32
      %lt3A_554 = arith.cmpi slt, %rem3A_550, %lt3A_553 : i32
      %lt3A_555 = arith.constant 0 : i32
      %lt3A_556 = arith.cmpi slt, %select_n3A_549, %lt3A_555 : i32
      %ne3A_557 = arith.xori %lt3A_554, %lt3A_556 : i1
      %and3A_558 = arith.andi %ne3A_557, %ne3A_552 : i1
      %add3A_559 = arith.addi %rem3A_550, %select_n3A_549 : i32
      %select_n3A_560 = arith.select %and3A_558, %add3A_559, %rem3A_550 : i32
      %mul3A_561 = arith.constant 352 : i32
      %mul3A_562 = arith.muli %select_n3A_560, %mul3A_561 : i32
      %add3A_563 = arith.constant 96 : i32
      %add3A_564 = arith.addi %mul3A_562, %add3A_563 : i32
      %dma_wait3A_565 = arith.constant 3 : i32
      %dma_wait3A_566 = arith.constant 3 : i32
      %dma_wait3A_567 = arith.constant 0 : i32
      %dma_wait3A_568 = arith.constant 0 : i32
      %dma_wait3A_569 = tpu.memref_slice %arg9[%dma_wait3A_565, %dma_wait3A_567, %dma_wait3A_568] : memref<11x32x128xf32, #tpu.memory_space<vmem>> -> memref<1x32x128xf32, #tpu.memory_space<vmem>>
      %dma_wait3A_570 = tpu.memref_squeeze %dma_wait3A_569 : memref<1x32x128xf32, #tpu.memory_space<vmem>> -> memref<32x128xf32, #tpu.memory_space<vmem>>
      %dma_wait3A_571 = tpu.memref_slice %arg7[%add3A_564] : memref<704xi32, #tpu.memory_space<vmem>> -> memref<32xi32, #tpu.memory_space<vmem>>
      %dma_wait3A_572 = arith.constant 0 : i32
      %dma_wait3A_573 = arith.constant 0 : i32
      %dma_wait3A_574 = tpu.memref_slice %arg4[%dma_wait3A_572, %dma_wait3A_573] : memref<100000x128xf32, #tpu.memory_space<hbm>> -> memref<100000x128xf32, #tpu.memory_space<hbm>>
      %dma_wait3A_575 = tpu.memref_slice %arg11[%dma_wait3A_566] : memref<11x!tpu.dma_semaphore, #tpu.memory_space<semaphore_mem>> -> memref<1x!tpu.dma_semaphore, #tpu.memory_space<semaphore_mem>>
      %dma_wait3A_576 = tpu.memref_squeeze %dma_wait3A_575 : memref<1x!tpu.dma_semaphore, #tpu.memory_space<semaphore_mem>> -> memref<!tpu.dma_semaphore, #tpu.memory_space<semaphore_mem>>
      tpu.wait_indirect_dma semaphore(%dma_wait3A_576 : memref<!tpu.dma_semaphore, #tpu.memory_space<semaphore_mem>>) src(%dma_wait3A_574 : memref<100000x128xf32, #tpu.memory_space<hbm>>) dst(%dma_wait3A_570 : memref<32x128xf32, #tpu.memory_space<vmem>>)
      %dma_start3A_577 = arith.constant 3 : i32
      %dma_start3A_578 = arith.constant 3 : i32
      %dma_start3A_579 = arith.constant 0 : i32
      %dma_start3A_580 = arith.constant 0 : i32
      %dma_start3A_581 = tpu.memref_slice %arg9[%dma_start3A_577, %dma_start3A_579, %dma_start3A_580] : memref<11x32x128xf32, #tpu.memory_space<vmem>> -> memref<1x32x128xf32, #tpu.memory_space<vmem>>
      %dma_start3A_582 = tpu.memref_squeeze %dma_start3A_581 : memref<1x32x128xf32, #tpu.memory_space<vmem>> -> memref<32x128xf32, #tpu.memory_space<vmem>>
      %dma_start3A_583 = arith.constant 0 : i32
      %dma_start3A_584 = tpu.memref_slice %arg8[%select_n3A_351, %dma_start3A_583] : memref<2x32xi32, #tpu.memory_space<vmem>> -> memref<1x32xi32, #tpu.memory_space<vmem>>
      %dma_start3A_585 = tpu.memref_squeeze %dma_start3A_584 : memref<1x32xi32, #tpu.memory_space<vmem>> -> memref<32xi32, #tpu.memory_space<vmem>>
      %dma_start3A_586 = arith.constant 0 : i32
      %dma_start3A_587 = arith.constant 0 : i32
      %dma_start3A_588 = tpu.memref_slice %arg10[%dma_start3A_586, %dma_start3A_587] : memref<1024x128xf32, #tpu.memory_space<vmem_shared>> -> memref<1024x128xf32, #tpu.memory_space<vmem_shared>>
      %dma_start3A_589 = tpu.memref_slice %arg12[%dma_start3A_578] : memref<11x!tpu.dma_semaphore, #tpu.memory_space<semaphore_mem>> -> memref<1x!tpu.dma_semaphore, #tpu.memory_space<semaphore_mem>>
      %dma_start3A_590 = tpu.memref_squeeze %dma_start3A_589 : memref<1x!tpu.dma_semaphore, #tpu.memory_space<semaphore_mem>> -> memref<!tpu.dma_semaphore, #tpu.memory_space<semaphore_mem>>
      tpu.enqueue_indirect_dma source(%dma_start3A_582 : memref<32x128xf32, #tpu.memory_space<vmem>>) target(%dma_start3A_588 : memref<1024x128xf32, #tpu.memory_space<vmem_shared>>) offsets(%dma_start3A_585 : memref<32xi32, #tpu.memory_space<vmem>>) semaphore(%dma_start3A_590 : memref<!tpu.dma_semaphore, #tpu.memory_space<semaphore_mem>>) {add = true}
      %jit3A_591 = arith.constant 2 : i32
      %eq3A_592 = arith.constant 0 : i32
      %eq3A_593 = arith.cmpi eq, %jit3A_591, %eq3A_592 : i32
      %jit3A_594 = arith.constant 1 : i32
      %select_n3A_595 = arith.select %eq3A_593, %jit3A_594, %jit3A_591 : i32
      %rem3A_596 = arith.remsi %add3A_337, %select_n3A_595 : i32
      %ne3A_597 = arith.constant 0 : i32
      %ne3A_598 = arith.cmpi ne, %rem3A_596, %ne3A_597 : i32
      %lt3A_599 = arith.constant 0 : i32
      %lt3A_600 = arith.cmpi slt, %rem3A_596, %lt3A_599 : i32
      %lt3A_601 = arith.constant 0 : i32
      %lt3A_602 = arith.cmpi slt, %select_n3A_595, %lt3A_601 : i32
      %ne3A_603 = arith.xori %lt3A_600, %lt3A_602 : i1
      %and3A_604 = arith.andi %ne3A_603, %ne3A_598 : i1
      %add3A_605 = arith.addi %rem3A_596, %select_n3A_595 : i32
      %select_n3A_606 = arith.select %and3A_604, %add3A_605, %rem3A_596 : i32
      %mul3A_607 = arith.constant 352 : i32
      %mul3A_608 = arith.muli %select_n3A_606, %mul3A_607 : i32
      %add3A_609 = arith.constant 128 : i32
      %add3A_610 = arith.addi %mul3A_608, %add3A_609 : i32
      %dma_wait3A_611 = arith.constant 4 : i32
      %dma_wait3A_612 = arith.constant 4 : i32
      %dma_wait3A_613 = arith.constant 0 : i32
      %dma_wait3A_614 = arith.constant 0 : i32
      %dma_wait3A_615 = tpu.memref_slice %arg9[%dma_wait3A_611, %dma_wait3A_613, %dma_wait3A_614] : memref<11x32x128xf32, #tpu.memory_space<vmem>> -> memref<1x32x128xf32, #tpu.memory_space<vmem>>
      %dma_wait3A_616 = tpu.memref_squeeze %dma_wait3A_615 : memref<1x32x128xf32, #tpu.memory_space<vmem>> -> memref<32x128xf32, #tpu.memory_space<vmem>>
      %dma_wait3A_617 = tpu.memref_slice %arg7[%add3A_610] : memref<704xi32, #tpu.memory_space<vmem>> -> memref<32xi32, #tpu.memory_space<vmem>>
      %dma_wait3A_618 = arith.constant 0 : i32
      %dma_wait3A_619 = arith.constant 0 : i32
      %dma_wait3A_620 = tpu.memref_slice %arg4[%dma_wait3A_618, %dma_wait3A_619] : memref<100000x128xf32, #tpu.memory_space<hbm>> -> memref<100000x128xf32, #tpu.memory_space<hbm>>
      %dma_wait3A_621 = tpu.memref_slice %arg11[%dma_wait3A_612] : memref<11x!tpu.dma_semaphore, #tpu.memory_space<semaphore_mem>> -> memref<1x!tpu.dma_semaphore, #tpu.memory_space<semaphore_mem>>
      %dma_wait3A_622 = tpu.memref_squeeze %dma_wait3A_621 : memref<1x!tpu.dma_semaphore, #tpu.memory_space<semaphore_mem>> -> memref<!tpu.dma_semaphore, #tpu.memory_space<semaphore_mem>>
      tpu.wait_indirect_dma semaphore(%dma_wait3A_622 : memref<!tpu.dma_semaphore, #tpu.memory_space<semaphore_mem>>) src(%dma_wait3A_620 : memref<100000x128xf32, #tpu.memory_space<hbm>>) dst(%dma_wait3A_616 : memref<32x128xf32, #tpu.memory_space<vmem>>)
      %dma_start3A_623 = arith.constant 4 : i32
      %dma_start3A_624 = arith.constant 4 : i32
      %dma_start3A_625 = arith.constant 0 : i32
      %dma_start3A_626 = arith.constant 0 : i32
      %dma_start3A_627 = tpu.memref_slice %arg9[%dma_start3A_623, %dma_start3A_625, %dma_start3A_626] : memref<11x32x128xf32, #tpu.memory_space<vmem>> -> memref<1x32x128xf32, #tpu.memory_space<vmem>>
      %dma_start3A_628 = tpu.memref_squeeze %dma_start3A_627 : memref<1x32x128xf32, #tpu.memory_space<vmem>> -> memref<32x128xf32, #tpu.memory_space<vmem>>
      %dma_start3A_629 = arith.constant 0 : i32
      %dma_start3A_630 = tpu.memref_slice %arg8[%select_n3A_351, %dma_start3A_629] : memref<2x32xi32, #tpu.memory_space<vmem>> -> memref<1x32xi32, #tpu.memory_space<vmem>>
      %dma_start3A_631 = tpu.memref_squeeze %dma_start3A_630 : memref<1x32xi32, #tpu.memory_space<vmem>> -> memref<32xi32, #tpu.memory_space<vmem>>
      %dma_start3A_632 = arith.constant 0 : i32
      %dma_start3A_633 = arith.constant 0 : i32
      %dma_start3A_634 = tpu.memref_slice %arg10[%dma_start3A_632, %dma_start3A_633] : memref<1024x128xf32, #tpu.memory_space<vmem_shared>> -> memref<1024x128xf32, #tpu.memory_space<vmem_shared>>
      %dma_start3A_635 = tpu.memref_slice %arg12[%dma_start3A_624] : memref<11x!tpu.dma_semaphore, #tpu.memory_space<semaphore_mem>> -> memref<1x!tpu.dma_semaphore, #tpu.memory_space<semaphore_mem>>
      %dma_start3A_636 = tpu.memref_squeeze %dma_start3A_635 : memref<1x!tpu.dma_semaphore, #tpu.memory_space<semaphore_mem>> -> memref<!tpu.dma_semaphore, #tpu.memory_space<semaphore_mem>>
      tpu.enqueue_indirect_dma source(%dma_start3A_628 : memref<32x128xf32, #tpu.memory_space<vmem>>) target(%dma_start3A_634 : memref<1024x128xf32, #tpu.memory_space<vmem_shared>>) offsets(%dma_start3A_631 : memref<32xi32, #tpu.memory_space<vmem>>) semaphore(%dma_start3A_636 : memref<!tpu.dma_semaphore, #tpu.memory_space<semaphore_mem>>) {add = true}
      %jit3A_637 = arith.constant 2 : i32
      %eq3A_638 = arith.constant 0 : i32
      %eq3A_639 = arith.cmpi eq, %jit3A_637, %eq3A_638 : i32
      %jit3A_640 = arith.constant 1 : i32
      %select_n3A_641 = arith.select %eq3A_639, %jit3A_640, %jit3A_637 : i32
      %rem3A_642 = arith.remsi %add3A_337, %select_n3A_641 : i32
      %ne3A_643 = arith.constant 0 : i32
      %ne3A_644 = arith.cmpi ne, %rem3A_642, %ne3A_643 : i32
      %lt3A_645 = arith.constant 0 : i32
      %lt3A_646 = arith.cmpi slt, %rem3A_642, %lt3A_645 : i32
      %lt3A_647 = arith.constant 0 : i32
      %lt3A_648 = arith.cmpi slt, %select_n3A_641, %lt3A_647 : i32
      %ne3A_649 = arith.xori %lt3A_646, %lt3A_648 : i1
      %and3A_650 = arith.andi %ne3A_649, %ne3A_644 : i1
      %add3A_651 = arith.addi %rem3A_642, %select_n3A_641 : i32
      %select_n3A_652 = arith.select %and3A_650, %add3A_651, %rem3A_642 : i32
      %mul3A_653 = arith.constant 352 : i32
      %mul3A_654 = arith.muli %select_n3A_652, %mul3A_653 : i32
      %add3A_655 = arith.constant 160 : i32
      %add3A_656 = arith.addi %mul3A_654, %add3A_655 : i32
      %dma_wait3A_657 = arith.constant 5 : i32
      %dma_wait3A_658 = arith.constant 5 : i32
      %dma_wait3A_659 = arith.constant 0 : i32
      %dma_wait3A_660 = arith.constant 0 : i32
      %dma_wait3A_661 = tpu.memref_slice %arg9[%dma_wait3A_657, %dma_wait3A_659, %dma_wait3A_660] : memref<11x32x128xf32, #tpu.memory_space<vmem>> -> memref<1x32x128xf32, #tpu.memory_space<vmem>>
      %dma_wait3A_662 = tpu.memref_squeeze %dma_wait3A_661 : memref<1x32x128xf32, #tpu.memory_space<vmem>> -> memref<32x128xf32, #tpu.memory_space<vmem>>
      %dma_wait3A_663 = tpu.memref_slice %arg7[%add3A_656] : memref<704xi32, #tpu.memory_space<vmem>> -> memref<32xi32, #tpu.memory_space<vmem>>
      %dma_wait3A_664 = arith.constant 0 : i32
      %dma_wait3A_665 = arith.constant 0 : i32
      %dma_wait3A_666 = tpu.memref_slice %arg4[%dma_wait3A_664, %dma_wait3A_665] : memref<100000x128xf32, #tpu.memory_space<hbm>> -> memref<100000x128xf32, #tpu.memory_space<hbm>>
      %dma_wait3A_667 = tpu.memref_slice %arg11[%dma_wait3A_658] : memref<11x!tpu.dma_semaphore, #tpu.memory_space<semaphore_mem>> -> memref<1x!tpu.dma_semaphore, #tpu.memory_space<semaphore_mem>>
      %dma_wait3A_668 = tpu.memref_squeeze %dma_wait3A_667 : memref<1x!tpu.dma_semaphore, #tpu.memory_space<semaphore_mem>> -> memref<!tpu.dma_semaphore, #tpu.memory_space<semaphore_mem>>
      tpu.wait_indirect_dma semaphore(%dma_wait3A_668 : memref<!tpu.dma_semaphore, #tpu.memory_space<semaphore_mem>>) src(%dma_wait3A_666 : memref<100000x128xf32, #tpu.memory_space<hbm>>) dst(%dma_wait3A_662 : memref<32x128xf32, #tpu.memory_space<vmem>>)
      %dma_start3A_669 = arith.constant 5 : i32
      %dma_start3A_670 = arith.constant 5 : i32
      %dma_start3A_671 = arith.constant 0 : i32
      %dma_start3A_672 = arith.constant 0 : i32
      %dma_start3A_673 = tpu.memref_slice %arg9[%dma_start3A_669, %dma_start3A_671, %dma_start3A_672] : memref<11x32x128xf32, #tpu.memory_space<vmem>> -> memref<1x32x128xf32, #tpu.memory_space<vmem>>
      %dma_start3A_674 = tpu.memref_squeeze %dma_start3A_673 : memref<1x32x128xf32, #tpu.memory_space<vmem>> -> memref<32x128xf32, #tpu.memory_space<vmem>>
      %dma_start3A_675 = arith.constant 0 : i32
      %dma_start3A_676 = tpu.memref_slice %arg8[%select_n3A_351, %dma_start3A_675] : memref<2x32xi32, #tpu.memory_space<vmem>> -> memref<1x32xi32, #tpu.memory_space<vmem>>
      %dma_start3A_677 = tpu.memref_squeeze %dma_start3A_676 : memref<1x32xi32, #tpu.memory_space<vmem>> -> memref<32xi32, #tpu.memory_space<vmem>>
      %dma_start3A_678 = arith.constant 0 : i32
      %dma_start3A_679 = arith.constant 0 : i32
      %dma_start3A_680 = tpu.memref_slice %arg10[%dma_start3A_678, %dma_start3A_679] : memref<1024x128xf32, #tpu.memory_space<vmem_shared>> -> memref<1024x128xf32, #tpu.memory_space<vmem_shared>>
      %dma_start3A_681 = tpu.memref_slice %arg12[%dma_start3A_670] : memref<11x!tpu.dma_semaphore, #tpu.memory_space<semaphore_mem>> -> memref<1x!tpu.dma_semaphore, #tpu.memory_space<semaphore_mem>>
      %dma_start3A_682 = tpu.memref_squeeze %dma_start3A_681 : memref<1x!tpu.dma_semaphore, #tpu.memory_space<semaphore_mem>> -> memref<!tpu.dma_semaphore, #tpu.memory_space<semaphore_mem>>
      tpu.enqueue_indirect_dma source(%dma_start3A_674 : memref<32x128xf32, #tpu.memory_space<vmem>>) target(%dma_start3A_680 : memref<1024x128xf32, #tpu.memory_space<vmem_shared>>) offsets(%dma_start3A_677 : memref<32xi32, #tpu.memory_space<vmem>>) semaphore(%dma_start3A_682 : memref<!tpu.dma_semaphore, #tpu.memory_space<semaphore_mem>>) {add = true}
      %jit3A_683 = arith.constant 2 : i32
      %eq3A_684 = arith.constant 0 : i32
      %eq3A_685 = arith.cmpi eq, %jit3A_683, %eq3A_684 : i32
      %jit3A_686 = arith.constant 1 : i32
      %select_n3A_687 = arith.select %eq3A_685, %jit3A_686, %jit3A_683 : i32
      %rem3A_688 = arith.remsi %add3A_337, %select_n3A_687 : i32
      %ne3A_689 = arith.constant 0 : i32
      %ne3A_690 = arith.cmpi ne, %rem3A_688, %ne3A_689 : i32
      %lt3A_691 = arith.constant 0 : i32
      %lt3A_692 = arith.cmpi slt, %rem3A_688, %lt3A_691 : i32
      %lt3A_693 = arith.constant 0 : i32
      %lt3A_694 = arith.cmpi slt, %select_n3A_687, %lt3A_693 : i32
      %ne3A_695 = arith.xori %lt3A_692, %lt3A_694 : i1
      %and3A_696 = arith.andi %ne3A_695, %ne3A_690 : i1
      %add3A_697 = arith.addi %rem3A_688, %select_n3A_687 : i32
      %select_n3A_698 = arith.select %and3A_696, %add3A_697, %rem3A_688 : i32
      %mul3A_699 = arith.constant 352 : i32
      %mul3A_700 = arith.muli %select_n3A_698, %mul3A_699 : i32
      %add3A_701 = arith.constant 192 : i32
      %add3A_702 = arith.addi %mul3A_700, %add3A_701 : i32
      %dma_wait3A_703 = arith.constant 6 : i32
      %dma_wait3A_704 = arith.constant 6 : i32
      %dma_wait3A_705 = arith.constant 0 : i32
      %dma_wait3A_706 = arith.constant 0 : i32
      %dma_wait3A_707 = tpu.memref_slice %arg9[%dma_wait3A_703, %dma_wait3A_705, %dma_wait3A_706] : memref<11x32x128xf32, #tpu.memory_space<vmem>> -> memref<1x32x128xf32, #tpu.memory_space<vmem>>
      %dma_wait3A_708 = tpu.memref_squeeze %dma_wait3A_707 : memref<1x32x128xf32, #tpu.memory_space<vmem>> -> memref<32x128xf32, #tpu.memory_space<vmem>>
      %dma_wait3A_709 = tpu.memref_slice %arg7[%add3A_702] : memref<704xi32, #tpu.memory_space<vmem>> -> memref<32xi32, #tpu.memory_space<vmem>>
      %dma_wait3A_710 = arith.constant 0 : i32
      %dma_wait3A_711 = arith.constant 0 : i32
      %dma_wait3A_712 = tpu.memref_slice %arg4[%dma_wait3A_710, %dma_wait3A_711] : memref<100000x128xf32, #tpu.memory_space<hbm>> -> memref<100000x128xf32, #tpu.memory_space<hbm>>
      %dma_wait3A_713 = tpu.memref_slice %arg11[%dma_wait3A_704] : memref<11x!tpu.dma_semaphore, #tpu.memory_space<semaphore_mem>> -> memref<1x!tpu.dma_semaphore, #tpu.memory_space<semaphore_mem>>
      %dma_wait3A_714 = tpu.memref_squeeze %dma_wait3A_713 : memref<1x!tpu.dma_semaphore, #tpu.memory_space<semaphore_mem>> -> memref<!tpu.dma_semaphore, #tpu.memory_space<semaphore_mem>>
      tpu.wait_indirect_dma semaphore(%dma_wait3A_714 : memref<!tpu.dma_semaphore, #tpu.memory_space<semaphore_mem>>) src(%dma_wait3A_712 : memref<100000x128xf32, #tpu.memory_space<hbm>>) dst(%dma_wait3A_708 : memref<32x128xf32, #tpu.memory_space<vmem>>)
      %dma_start3A_715 = arith.constant 6 : i32
      %dma_start3A_716 = arith.constant 6 : i32
      %dma_start3A_717 = arith.constant 0 : i32
      %dma_start3A_718 = arith.constant 0 : i32
      %dma_start3A_719 = tpu.memref_slice %arg9[%dma_start3A_715, %dma_start3A_717, %dma_start3A_718] : memref<11x32x128xf32, #tpu.memory_space<vmem>> -> memref<1x32x128xf32, #tpu.memory_space<vmem>>
      %dma_start3A_720 = tpu.memref_squeeze %dma_start3A_719 : memref<1x32x128xf32, #tpu.memory_space<vmem>> -> memref<32x128xf32, #tpu.memory_space<vmem>>
      %dma_start3A_721 = arith.constant 0 : i32
      %dma_start3A_722 = tpu.memref_slice %arg8[%select_n3A_351, %dma_start3A_721] : memref<2x32xi32, #tpu.memory_space<vmem>> -> memref<1x32xi32, #tpu.memory_space<vmem>>
      %dma_start3A_723 = tpu.memref_squeeze %dma_start3A_722 : memref<1x32xi32, #tpu.memory_space<vmem>> -> memref<32xi32, #tpu.memory_space<vmem>>
      %dma_start3A_724 = arith.constant 0 : i32
      %dma_start3A_725 = arith.constant 0 : i32
      %dma_start3A_726 = tpu.memref_slice %arg10[%dma_start3A_724, %dma_start3A_725] : memref<1024x128xf32, #tpu.memory_space<vmem_shared>> -> memref<1024x128xf32, #tpu.memory_space<vmem_shared>>
      %dma_start3A_727 = tpu.memref_slice %arg12[%dma_start3A_716] : memref<11x!tpu.dma_semaphore, #tpu.memory_space<semaphore_mem>> -> memref<1x!tpu.dma_semaphore, #tpu.memory_space<semaphore_mem>>
      %dma_start3A_728 = tpu.memref_squeeze %dma_start3A_727 : memref<1x!tpu.dma_semaphore, #tpu.memory_space<semaphore_mem>> -> memref<!tpu.dma_semaphore, #tpu.memory_space<semaphore_mem>>
      tpu.enqueue_indirect_dma source(%dma_start3A_720 : memref<32x128xf32, #tpu.memory_space<vmem>>) target(%dma_start3A_726 : memref<1024x128xf32, #tpu.memory_space<vmem_shared>>) offsets(%dma_start3A_723 : memref<32xi32, #tpu.memory_space<vmem>>) semaphore(%dma_start3A_728 : memref<!tpu.dma_semaphore, #tpu.memory_space<semaphore_mem>>) {add = true}
      %jit3A_729 = arith.constant 2 : i32
      %eq3A_730 = arith.constant 0 : i32
      %eq3A_731 = arith.cmpi eq, %jit3A_729, %eq3A_730 : i32
      %jit3A_732 = arith.constant 1 : i32
      %select_n3A_733 = arith.select %eq3A_731, %jit3A_732, %jit3A_729 : i32
      %rem3A_734 = arith.remsi %add3A_337, %select_n3A_733 : i32
      %ne3A_735 = arith.constant 0 : i32
      %ne3A_736 = arith.cmpi ne, %rem3A_734, %ne3A_735 : i32
      %lt3A_737 = arith.constant 0 : i32
      %lt3A_738 = arith.cmpi slt, %rem3A_734, %lt3A_737 : i32
      %lt3A_739 = arith.constant 0 : i32
      %lt3A_740 = arith.cmpi slt, %select_n3A_733, %lt3A_739 : i32
      %ne3A_741 = arith.xori %lt3A_738, %lt3A_740 : i1
      %and3A_742 = arith.andi %ne3A_741, %ne3A_736 : i1
      %add3A_743 = arith.addi %rem3A_734, %select_n3A_733 : i32
      %select_n3A_744 = arith.select %and3A_742, %add3A_743, %rem3A_734 : i32
      %mul3A_745 = arith.constant 352 : i32
      %mul3A_746 = arith.muli %select_n3A_744, %mul3A_745 : i32
      %add3A_747 = arith.constant 224 : i32
      %add3A_748 = arith.addi %mul3A_746, %add3A_747 : i32
      %dma_wait3A_749 = arith.constant 7 : i32
      %dma_wait3A_750 = arith.constant 7 : i32
      %dma_wait3A_751 = arith.constant 0 : i32
      %dma_wait3A_752 = arith.constant 0 : i32
      %dma_wait3A_753 = tpu.memref_slice %arg9[%dma_wait3A_749, %dma_wait3A_751, %dma_wait3A_752] : memref<11x32x128xf32, #tpu.memory_space<vmem>> -> memref<1x32x128xf32, #tpu.memory_space<vmem>>
      %dma_wait3A_754 = tpu.memref_squeeze %dma_wait3A_753 : memref<1x32x128xf32, #tpu.memory_space<vmem>> -> memref<32x128xf32, #tpu.memory_space<vmem>>
      %dma_wait3A_755 = tpu.memref_slice %arg7[%add3A_748] : memref<704xi32, #tpu.memory_space<vmem>> -> memref<32xi32, #tpu.memory_space<vmem>>
      %dma_wait3A_756 = arith.constant 0 : i32
      %dma_wait3A_757 = arith.constant 0 : i32
      %dma_wait3A_758 = tpu.memref_slice %arg4[%dma_wait3A_756, %dma_wait3A_757] : memref<100000x128xf32, #tpu.memory_space<hbm>> -> memref<100000x128xf32, #tpu.memory_space<hbm>>
      %dma_wait3A_759 = tpu.memref_slice %arg11[%dma_wait3A_750] : memref<11x!tpu.dma_semaphore, #tpu.memory_space<semaphore_mem>> -> memref<1x!tpu.dma_semaphore, #tpu.memory_space<semaphore_mem>>
      %dma_wait3A_760 = tpu.memref_squeeze %dma_wait3A_759 : memref<1x!tpu.dma_semaphore, #tpu.memory_space<semaphore_mem>> -> memref<!tpu.dma_semaphore, #tpu.memory_space<semaphore_mem>>
      tpu.wait_indirect_dma semaphore(%dma_wait3A_760 : memref<!tpu.dma_semaphore, #tpu.memory_space<semaphore_mem>>) src(%dma_wait3A_758 : memref<100000x128xf32, #tpu.memory_space<hbm>>) dst(%dma_wait3A_754 : memref<32x128xf32, #tpu.memory_space<vmem>>)
      %dma_start3A_761 = arith.constant 7 : i32
      %dma_start3A_762 = arith.constant 7 : i32
      %dma_start3A_763 = arith.constant 0 : i32
      %dma_start3A_764 = arith.constant 0 : i32
      %dma_start3A_765 = tpu.memref_slice %arg9[%dma_start3A_761, %dma_start3A_763, %dma_start3A_764] : memref<11x32x128xf32, #tpu.memory_space<vmem>> -> memref<1x32x128xf32, #tpu.memory_space<vmem>>
      %dma_start3A_766 = tpu.memref_squeeze %dma_start3A_765 : memref<1x32x128xf32, #tpu.memory_space<vmem>> -> memref<32x128xf32, #tpu.memory_space<vmem>>
      %dma_start3A_767 = arith.constant 0 : i32
      %dma_start3A_768 = tpu.memref_slice %arg8[%select_n3A_351, %dma_start3A_767] : memref<2x32xi32, #tpu.memory_space<vmem>> -> memref<1x32xi32, #tpu.memory_space<vmem>>
      %dma_start3A_769 = tpu.memref_squeeze %dma_start3A_768 : memref<1x32xi32, #tpu.memory_space<vmem>> -> memref<32xi32, #tpu.memory_space<vmem>>
      %dma_start3A_770 = arith.constant 0 : i32
      %dma_start3A_771 = arith.constant 0 : i32
      %dma_start3A_772 = tpu.memref_slice %arg10[%dma_start3A_770, %dma_start3A_771] : memref<1024x128xf32, #tpu.memory_space<vmem_shared>> -> memref<1024x128xf32, #tpu.memory_space<vmem_shared>>
      %dma_start3A_773 = tpu.memref_slice %arg12[%dma_start3A_762] : memref<11x!tpu.dma_semaphore, #tpu.memory_space<semaphore_mem>> -> memref<1x!tpu.dma_semaphore, #tpu.memory_space<semaphore_mem>>
      %dma_start3A_774 = tpu.memref_squeeze %dma_start3A_773 : memref<1x!tpu.dma_semaphore, #tpu.memory_space<semaphore_mem>> -> memref<!tpu.dma_semaphore, #tpu.memory_space<semaphore_mem>>
      tpu.enqueue_indirect_dma source(%dma_start3A_766 : memref<32x128xf32, #tpu.memory_space<vmem>>) target(%dma_start3A_772 : memref<1024x128xf32, #tpu.memory_space<vmem_shared>>) offsets(%dma_start3A_769 : memref<32xi32, #tpu.memory_space<vmem>>) semaphore(%dma_start3A_774 : memref<!tpu.dma_semaphore, #tpu.memory_space<semaphore_mem>>) {add = true}
      %jit3A_775 = arith.constant 2 : i32
      %eq3A_776 = arith.constant 0 : i32
      %eq3A_777 = arith.cmpi eq, %jit3A_775, %eq3A_776 : i32
      %jit3A_778 = arith.constant 1 : i32
      %select_n3A_779 = arith.select %eq3A_777, %jit3A_778, %jit3A_775 : i32
      %rem3A_780 = arith.remsi %add3A_337, %select_n3A_779 : i32
      %ne3A_781 = arith.constant 0 : i32
      %ne3A_782 = arith.cmpi ne, %rem3A_780, %ne3A_781 : i32
      %lt3A_783 = arith.constant 0 : i32
      %lt3A_784 = arith.cmpi slt, %rem3A_780, %lt3A_783 : i32
      %lt3A_785 = arith.constant 0 : i32
      %lt3A_786 = arith.cmpi slt, %select_n3A_779, %lt3A_785 : i32
      %ne3A_787 = arith.xori %lt3A_784, %lt3A_786 : i1
      %and3A_788 = arith.andi %ne3A_787, %ne3A_782 : i1
      %add3A_789 = arith.addi %rem3A_780, %select_n3A_779 : i32
      %select_n3A_790 = arith.select %and3A_788, %add3A_789, %rem3A_780 : i32
      %mul3A_791 = arith.constant 352 : i32
      %mul3A_792 = arith.muli %select_n3A_790, %mul3A_791 : i32
      %add3A_793 = arith.constant 256 : i32
      %add3A_794 = arith.addi %mul3A_792, %add3A_793 : i32
      %dma_wait3A_795 = arith.constant 8 : i32
      %dma_wait3A_796 = arith.constant 8 : i32
      %dma_wait3A_797 = arith.constant 0 : i32
      %dma_wait3A_798 = arith.constant 0 : i32
      %dma_wait3A_799 = tpu.memref_slice %arg9[%dma_wait3A_795, %dma_wait3A_797, %dma_wait3A_798] : memref<11x32x128xf32, #tpu.memory_space<vmem>> -> memref<1x32x128xf32, #tpu.memory_space<vmem>>
      %dma_wait3A_800 = tpu.memref_squeeze %dma_wait3A_799 : memref<1x32x128xf32, #tpu.memory_space<vmem>> -> memref<32x128xf32, #tpu.memory_space<vmem>>
      %dma_wait3A_801 = tpu.memref_slice %arg7[%add3A_794] : memref<704xi32, #tpu.memory_space<vmem>> -> memref<32xi32, #tpu.memory_space<vmem>>
      %dma_wait3A_802 = arith.constant 0 : i32
      %dma_wait3A_803 = arith.constant 0 : i32
      %dma_wait3A_804 = tpu.memref_slice %arg4[%dma_wait3A_802, %dma_wait3A_803] : memref<100000x128xf32, #tpu.memory_space<hbm>> -> memref<100000x128xf32, #tpu.memory_space<hbm>>
      %dma_wait3A_805 = tpu.memref_slice %arg11[%dma_wait3A_796] : memref<11x!tpu.dma_semaphore, #tpu.memory_space<semaphore_mem>> -> memref<1x!tpu.dma_semaphore, #tpu.memory_space<semaphore_mem>>
      %dma_wait3A_806 = tpu.memref_squeeze %dma_wait3A_805 : memref<1x!tpu.dma_semaphore, #tpu.memory_space<semaphore_mem>> -> memref<!tpu.dma_semaphore, #tpu.memory_space<semaphore_mem>>
      tpu.wait_indirect_dma semaphore(%dma_wait3A_806 : memref<!tpu.dma_semaphore, #tpu.memory_space<semaphore_mem>>) src(%dma_wait3A_804 : memref<100000x128xf32, #tpu.memory_space<hbm>>) dst(%dma_wait3A_800 : memref<32x128xf32, #tpu.memory_space<vmem>>)
      %dma_start3A_807 = arith.constant 8 : i32
      %dma_start3A_808 = arith.constant 8 : i32
      %dma_start3A_809 = arith.constant 0 : i32
      %dma_start3A_810 = arith.constant 0 : i32
      %dma_start3A_811 = tpu.memref_slice %arg9[%dma_start3A_807, %dma_start3A_809, %dma_start3A_810] : memref<11x32x128xf32, #tpu.memory_space<vmem>> -> memref<1x32x128xf32, #tpu.memory_space<vmem>>
      %dma_start3A_812 = tpu.memref_squeeze %dma_start3A_811 : memref<1x32x128xf32, #tpu.memory_space<vmem>> -> memref<32x128xf32, #tpu.memory_space<vmem>>
      %dma_start3A_813 = arith.constant 0 : i32
      %dma_start3A_814 = tpu.memref_slice %arg8[%select_n3A_351, %dma_start3A_813] : memref<2x32xi32, #tpu.memory_space<vmem>> -> memref<1x32xi32, #tpu.memory_space<vmem>>
      %dma_start3A_815 = tpu.memref_squeeze %dma_start3A_814 : memref<1x32xi32, #tpu.memory_space<vmem>> -> memref<32xi32, #tpu.memory_space<vmem>>
      %dma_start3A_816 = arith.constant 0 : i32
      %dma_start3A_817 = arith.constant 0 : i32
      %dma_start3A_818 = tpu.memref_slice %arg10[%dma_start3A_816, %dma_start3A_817] : memref<1024x128xf32, #tpu.memory_space<vmem_shared>> -> memref<1024x128xf32, #tpu.memory_space<vmem_shared>>
      %dma_start3A_819 = tpu.memref_slice %arg12[%dma_start3A_808] : memref<11x!tpu.dma_semaphore, #tpu.memory_space<semaphore_mem>> -> memref<1x!tpu.dma_semaphore, #tpu.memory_space<semaphore_mem>>
      %dma_start3A_820 = tpu.memref_squeeze %dma_start3A_819 : memref<1x!tpu.dma_semaphore, #tpu.memory_space<semaphore_mem>> -> memref<!tpu.dma_semaphore, #tpu.memory_space<semaphore_mem>>
      tpu.enqueue_indirect_dma source(%dma_start3A_812 : memref<32x128xf32, #tpu.memory_space<vmem>>) target(%dma_start3A_818 : memref<1024x128xf32, #tpu.memory_space<vmem_shared>>) offsets(%dma_start3A_815 : memref<32xi32, #tpu.memory_space<vmem>>) semaphore(%dma_start3A_820 : memref<!tpu.dma_semaphore, #tpu.memory_space<semaphore_mem>>) {add = true}
      %jit3A_821 = arith.constant 2 : i32
      %eq3A_822 = arith.constant 0 : i32
      %eq3A_823 = arith.cmpi eq, %jit3A_821, %eq3A_822 : i32
      %jit3A_824 = arith.constant 1 : i32
      %select_n3A_825 = arith.select %eq3A_823, %jit3A_824, %jit3A_821 : i32
      %rem3A_826 = arith.remsi %add3A_337, %select_n3A_825 : i32
      %ne3A_827 = arith.constant 0 : i32
      %ne3A_828 = arith.cmpi ne, %rem3A_826, %ne3A_827 : i32
      %lt3A_829 = arith.constant 0 : i32
      %lt3A_830 = arith.cmpi slt, %rem3A_826, %lt3A_829 : i32
      %lt3A_831 = arith.constant 0 : i32
      %lt3A_832 = arith.cmpi slt, %select_n3A_825, %lt3A_831 : i32
      %ne3A_833 = arith.xori %lt3A_830, %lt3A_832 : i1
      %and3A_834 = arith.andi %ne3A_833, %ne3A_828 : i1
      %add3A_835 = arith.addi %rem3A_826, %select_n3A_825 : i32
      %select_n3A_836 = arith.select %and3A_834, %add3A_835, %rem3A_826 : i32
      %mul3A_837 = arith.constant 352 : i32
      %mul3A_838 = arith.muli %select_n3A_836, %mul3A_837 : i32
      %add3A_839 = arith.constant 288 : i32
      %add3A_840 = arith.addi %mul3A_838, %add3A_839 : i32
      %dma_wait3A_841 = arith.constant 9 : i32
      %dma_wait3A_842 = arith.constant 9 : i32
      %dma_wait3A_843 = arith.constant 0 : i32
      %dma_wait3A_844 = arith.constant 0 : i32
      %dma_wait3A_845 = tpu.memref_slice %arg9[%dma_wait3A_841, %dma_wait3A_843, %dma_wait3A_844] : memref<11x32x128xf32, #tpu.memory_space<vmem>> -> memref<1x32x128xf32, #tpu.memory_space<vmem>>
      %dma_wait3A_846 = tpu.memref_squeeze %dma_wait3A_845 : memref<1x32x128xf32, #tpu.memory_space<vmem>> -> memref<32x128xf32, #tpu.memory_space<vmem>>
      %dma_wait3A_847 = tpu.memref_slice %arg7[%add3A_840] : memref<704xi32, #tpu.memory_space<vmem>> -> memref<32xi32, #tpu.memory_space<vmem>>
      %dma_wait3A_848 = arith.constant 0 : i32
      %dma_wait3A_849 = arith.constant 0 : i32
      %dma_wait3A_850 = tpu.memref_slice %arg4[%dma_wait3A_848, %dma_wait3A_849] : memref<100000x128xf32, #tpu.memory_space<hbm>> -> memref<100000x128xf32, #tpu.memory_space<hbm>>
      %dma_wait3A_851 = tpu.memref_slice %arg11[%dma_wait3A_842] : memref<11x!tpu.dma_semaphore, #tpu.memory_space<semaphore_mem>> -> memref<1x!tpu.dma_semaphore, #tpu.memory_space<semaphore_mem>>
      %dma_wait3A_852 = tpu.memref_squeeze %dma_wait3A_851 : memref<1x!tpu.dma_semaphore, #tpu.memory_space<semaphore_mem>> -> memref<!tpu.dma_semaphore, #tpu.memory_space<semaphore_mem>>
      tpu.wait_indirect_dma semaphore(%dma_wait3A_852 : memref<!tpu.dma_semaphore, #tpu.memory_space<semaphore_mem>>) src(%dma_wait3A_850 : memref<100000x128xf32, #tpu.memory_space<hbm>>) dst(%dma_wait3A_846 : memref<32x128xf32, #tpu.memory_space<vmem>>)
      %dma_start3A_853 = arith.constant 9 : i32
      %dma_start3A_854 = arith.constant 9 : i32
      %dma_start3A_855 = arith.constant 0 : i32
      %dma_start3A_856 = arith.constant 0 : i32
      %dma_start3A_857 = tpu.memref_slice %arg9[%dma_start3A_853, %dma_start3A_855, %dma_start3A_856] : memref<11x32x128xf32, #tpu.memory_space<vmem>> -> memref<1x32x128xf32, #tpu.memory_space<vmem>>
      %dma_start3A_858 = tpu.memref_squeeze %dma_start3A_857 : memref<1x32x128xf32, #tpu.memory_space<vmem>> -> memref<32x128xf32, #tpu.memory_space<vmem>>
      %dma_start3A_859 = arith.constant 0 : i32
      %dma_start3A_860 = tpu.memref_slice %arg8[%select_n3A_351, %dma_start3A_859] : memref<2x32xi32, #tpu.memory_space<vmem>> -> memref<1x32xi32, #tpu.memory_space<vmem>>
      %dma_start3A_861 = tpu.memref_squeeze %dma_start3A_860 : memref<1x32xi32, #tpu.memory_space<vmem>> -> memref<32xi32, #tpu.memory_space<vmem>>
      %dma_start3A_862 = arith.constant 0 : i32
      %dma_start3A_863 = arith.constant 0 : i32
      %dma_start3A_864 = tpu.memref_slice %arg10[%dma_start3A_862, %dma_start3A_863] : memref<1024x128xf32, #tpu.memory_space<vmem_shared>> -> memref<1024x128xf32, #tpu.memory_space<vmem_shared>>
      %dma_start3A_865 = tpu.memref_slice %arg12[%dma_start3A_854] : memref<11x!tpu.dma_semaphore, #tpu.memory_space<semaphore_mem>> -> memref<1x!tpu.dma_semaphore, #tpu.memory_space<semaphore_mem>>
      %dma_start3A_866 = tpu.memref_squeeze %dma_start3A_865 : memref<1x!tpu.dma_semaphore, #tpu.memory_space<semaphore_mem>> -> memref<!tpu.dma_semaphore, #tpu.memory_space<semaphore_mem>>
      tpu.enqueue_indirect_dma source(%dma_start3A_858 : memref<32x128xf32, #tpu.memory_space<vmem>>) target(%dma_start3A_864 : memref<1024x128xf32, #tpu.memory_space<vmem_shared>>) offsets(%dma_start3A_861 : memref<32xi32, #tpu.memory_space<vmem>>) semaphore(%dma_start3A_866 : memref<!tpu.dma_semaphore, #tpu.memory_space<semaphore_mem>>) {add = true}
      %jit3A_867 = arith.constant 2 : i32
      %eq3A_868 = arith.constant 0 : i32
      %eq3A_869 = arith.cmpi eq, %jit3A_867, %eq3A_868 : i32
      %jit3A_870 = arith.constant 1 : i32
      %select_n3A_871 = arith.select %eq3A_869, %jit3A_870, %jit3A_867 : i32
      %rem3A_872 = arith.remsi %add3A_337, %select_n3A_871 : i32
      %ne3A_873 = arith.constant 0 : i32
      %ne3A_874 = arith.cmpi ne, %rem3A_872, %ne3A_873 : i32
      %lt3A_875 = arith.constant 0 : i32
      %lt3A_876 = arith.cmpi slt, %rem3A_872, %lt3A_875 : i32
      %lt3A_877 = arith.constant 0 : i32
      %lt3A_878 = arith.cmpi slt, %select_n3A_871, %lt3A_877 : i32
      %ne3A_879 = arith.xori %lt3A_876, %lt3A_878 : i1
      %and3A_880 = arith.andi %ne3A_879, %ne3A_874 : i1
      %add3A_881 = arith.addi %rem3A_872, %select_n3A_871 : i32
      %select_n3A_882 = arith.select %and3A_880, %add3A_881, %rem3A_872 : i32
      %mul3A_883 = arith.constant 352 : i32
      %mul3A_884 = arith.muli %select_n3A_882, %mul3A_883 : i32
      %add3A_885 = arith.constant 320 : i32
      %add3A_886 = arith.addi %mul3A_884, %add3A_885 : i32
      %dma_wait3A_887 = arith.constant 10 : i32
      %dma_wait3A_888 = arith.constant 10 : i32
      %dma_wait3A_889 = arith.constant 0 : i32
      %dma_wait3A_890 = arith.constant 0 : i32
      %dma_wait3A_891 = tpu.memref_slice %arg9[%dma_wait3A_887, %dma_wait3A_889, %dma_wait3A_890] : memref<11x32x128xf32, #tpu.memory_space<vmem>> -> memref<1x32x128xf32, #tpu.memory_space<vmem>>
      %dma_wait3A_892 = tpu.memref_squeeze %dma_wait3A_891 : memref<1x32x128xf32, #tpu.memory_space<vmem>> -> memref<32x128xf32, #tpu.memory_space<vmem>>
      %dma_wait3A_893 = tpu.memref_slice %arg7[%add3A_886] : memref<704xi32, #tpu.memory_space<vmem>> -> memref<32xi32, #tpu.memory_space<vmem>>
      %dma_wait3A_894 = arith.constant 0 : i32
      %dma_wait3A_895 = arith.constant 0 : i32
      %dma_wait3A_896 = tpu.memref_slice %arg4[%dma_wait3A_894, %dma_wait3A_895] : memref<100000x128xf32, #tpu.memory_space<hbm>> -> memref<100000x128xf32, #tpu.memory_space<hbm>>
      %dma_wait3A_897 = tpu.memref_slice %arg11[%dma_wait3A_888] : memref<11x!tpu.dma_semaphore, #tpu.memory_space<semaphore_mem>> -> memref<1x!tpu.dma_semaphore, #tpu.memory_space<semaphore_mem>>
      %dma_wait3A_898 = tpu.memref_squeeze %dma_wait3A_897 : memref<1x!tpu.dma_semaphore, #tpu.memory_space<semaphore_mem>> -> memref<!tpu.dma_semaphore, #tpu.memory_space<semaphore_mem>>
      tpu.wait_indirect_dma semaphore(%dma_wait3A_898 : memref<!tpu.dma_semaphore, #tpu.memory_space<semaphore_mem>>) src(%dma_wait3A_896 : memref<100000x128xf32, #tpu.memory_space<hbm>>) dst(%dma_wait3A_892 : memref<32x128xf32, #tpu.memory_space<vmem>>)
      %dma_start3A_899 = arith.constant 10 : i32
      %dma_start3A_900 = arith.constant 10 : i32
      %dma_start3A_901 = arith.constant 0 : i32
      %dma_start3A_902 = arith.constant 0 : i32
      %dma_start3A_903 = tpu.memref_slice %arg9[%dma_start3A_899, %dma_start3A_901, %dma_start3A_902] : memref<11x32x128xf32, #tpu.memory_space<vmem>> -> memref<1x32x128xf32, #tpu.memory_space<vmem>>
      %dma_start3A_904 = tpu.memref_squeeze %dma_start3A_903 : memref<1x32x128xf32, #tpu.memory_space<vmem>> -> memref<32x128xf32, #tpu.memory_space<vmem>>
      %dma_start3A_905 = arith.constant 0 : i32
      %dma_start3A_906 = tpu.memref_slice %arg8[%select_n3A_351, %dma_start3A_905] : memref<2x32xi32, #tpu.memory_space<vmem>> -> memref<1x32xi32, #tpu.memory_space<vmem>>
      %dma_start3A_907 = tpu.memref_squeeze %dma_start3A_906 : memref<1x32xi32, #tpu.memory_space<vmem>> -> memref<32xi32, #tpu.memory_space<vmem>>
      %dma_start3A_908 = arith.constant 0 : i32
      %dma_start3A_909 = arith.constant 0 : i32
      %dma_start3A_910 = tpu.memref_slice %arg10[%dma_start3A_908, %dma_start3A_909] : memref<1024x128xf32, #tpu.memory_space<vmem_shared>> -> memref<1024x128xf32, #tpu.memory_space<vmem_shared>>
      %dma_start3A_911 = tpu.memref_slice %arg12[%dma_start3A_900] : memref<11x!tpu.dma_semaphore, #tpu.memory_space<semaphore_mem>> -> memref<1x!tpu.dma_semaphore, #tpu.memory_space<semaphore_mem>>
      %dma_start3A_912 = tpu.memref_squeeze %dma_start3A_911 : memref<1x!tpu.dma_semaphore, #tpu.memory_space<semaphore_mem>> -> memref<!tpu.dma_semaphore, #tpu.memory_space<semaphore_mem>>
      tpu.enqueue_indirect_dma source(%dma_start3A_904 : memref<32x128xf32, #tpu.memory_space<vmem>>) target(%dma_start3A_910 : memref<1024x128xf32, #tpu.memory_space<vmem_shared>>) offsets(%dma_start3A_907 : memref<32xi32, #tpu.memory_space<vmem>>) semaphore(%dma_start3A_912 : memref<!tpu.dma_semaphore, #tpu.memory_space<semaphore_mem>>) {add = true}
      %dma_wait3A_913 = arith.constant 2 : i32
      %dma_wait3A_914 = arith.constant 2 : i32
      %dma_wait3A_915 = arith.constant 0 : i32
      %dma_wait3A_916 = arith.constant 0 : i32
      %dma_wait3A_917 = tpu.memref_slice %arg9[%dma_wait3A_913, %dma_wait3A_915, %dma_wait3A_916] : memref<11x32x128xf32, #tpu.memory_space<vmem>> -> memref<1x32x128xf32, #tpu.memory_space<vmem>>
      %dma_wait3A_918 = tpu.memref_squeeze %dma_wait3A_917 : memref<1x32x128xf32, #tpu.memory_space<vmem>> -> memref<32x128xf32, #tpu.memory_space<vmem>>
      %dma_wait3A_919 = arith.constant 0 : i32
      %dma_wait3A_920 = tpu.memref_slice %arg8[%select_n3A_351, %dma_wait3A_919] : memref<2x32xi32, #tpu.memory_space<vmem>> -> memref<1x32xi32, #tpu.memory_space<vmem>>
      %dma_wait3A_921 = tpu.memref_squeeze %dma_wait3A_920 : memref<1x32xi32, #tpu.memory_space<vmem>> -> memref<32xi32, #tpu.memory_space<vmem>>
      %dma_wait3A_922 = arith.constant 0 : i32
      %dma_wait3A_923 = arith.constant 0 : i32
      %dma_wait3A_924 = tpu.memref_slice %arg10[%dma_wait3A_922, %dma_wait3A_923] : memref<1024x128xf32, #tpu.memory_space<vmem_shared>> -> memref<1024x128xf32, #tpu.memory_space<vmem_shared>>
      %dma_wait3A_925 = tpu.memref_slice %arg12[%dma_wait3A_914] : memref<11x!tpu.dma_semaphore, #tpu.memory_space<semaphore_mem>> -> memref<1x!tpu.dma_semaphore, #tpu.memory_space<semaphore_mem>>
      %dma_wait3A_926 = tpu.memref_squeeze %dma_wait3A_925 : memref<1x!tpu.dma_semaphore, #tpu.memory_space<semaphore_mem>> -> memref<!tpu.dma_semaphore, #tpu.memory_space<semaphore_mem>>
      tpu.wait_indirect_dma semaphore(%dma_wait3A_926 : memref<!tpu.dma_semaphore, #tpu.memory_space<semaphore_mem>>) src(%dma_wait3A_918 : memref<32x128xf32, #tpu.memory_space<vmem>>) dst(%dma_wait3A_924 : memref<1024x128xf32, #tpu.memory_space<vmem_shared>>)
      %add3A_927 = arith.constant 1 : i32
      %add3A_928 = arith.addi %add3A_337, %add3A_927 : i32
      %jit3A_929 = arith.constant 2 : i32
      %eq3A_930 = arith.constant 0 : i32
      %eq3A_931 = arith.cmpi eq, %jit3A_929, %eq3A_930 : i32
      %jit3A_932 = arith.constant 1 : i32
      %select_n3A_933 = arith.select %eq3A_931, %jit3A_932, %jit3A_929 : i32
      %rem3A_934 = arith.remsi %add3A_928, %select_n3A_933 : i32
      %ne3A_935 = arith.constant 0 : i32
      %ne3A_936 = arith.cmpi ne, %rem3A_934, %ne3A_935 : i32
      %lt3A_937 = arith.constant 0 : i32
      %lt3A_938 = arith.cmpi slt, %rem3A_934, %lt3A_937 : i32
      %lt3A_939 = arith.constant 0 : i32
      %lt3A_940 = arith.cmpi slt, %select_n3A_933, %lt3A_939 : i32
      %ne3A_941 = arith.xori %lt3A_938, %lt3A_940 : i1
      %and3A_942 = arith.andi %ne3A_941, %ne3A_936 : i1
      %add3A_943 = arith.addi %rem3A_934, %select_n3A_933 : i32
      %select_n3A_944 = arith.select %and3A_942, %add3A_943, %rem3A_934 : i32
      %mul3A_945 = arith.constant 352 : i32
      %mul3A_946 = arith.muli %select_n3A_944, %mul3A_945 : i32
      %add3A_947 = arith.constant 64 : i32
      %add3A_948 = arith.addi %mul3A_946, %add3A_947 : i32
      %dma_start3A_949 = arith.constant 2 : i32
      %dma_start3A_950 = arith.constant 2 : i32
      %dma_start3A_951 = arith.constant 0 : i32
      %dma_start3A_952 = arith.constant 0 : i32
      %dma_start3A_953 = tpu.memref_slice %arg9[%dma_start3A_949, %dma_start3A_951, %dma_start3A_952] : memref<11x32x128xf32, #tpu.memory_space<vmem>> -> memref<1x32x128xf32, #tpu.memory_space<vmem>>
      %dma_start3A_954 = tpu.memref_squeeze %dma_start3A_953 : memref<1x32x128xf32, #tpu.memory_space<vmem>> -> memref<32x128xf32, #tpu.memory_space<vmem>>
      %dma_start3A_955 = tpu.memref_slice %arg7[%add3A_948] : memref<704xi32, #tpu.memory_space<vmem>> -> memref<32xi32, #tpu.memory_space<vmem>>
      %dma_start3A_956 = arith.constant 0 : i32
      %dma_start3A_957 = arith.constant 0 : i32
      %dma_start3A_958 = tpu.memref_slice %arg4[%dma_start3A_956, %dma_start3A_957] : memref<100000x128xf32, #tpu.memory_space<hbm>> -> memref<100000x128xf32, #tpu.memory_space<hbm>>
      %dma_start3A_959 = tpu.memref_slice %arg11[%dma_start3A_950] : memref<11x!tpu.dma_semaphore, #tpu.memory_space<semaphore_mem>> -> memref<1x!tpu.dma_semaphore, #tpu.memory_space<semaphore_mem>>
      %dma_start3A_960 = tpu.memref_squeeze %dma_start3A_959 : memref<1x!tpu.dma_semaphore, #tpu.memory_space<semaphore_mem>> -> memref<!tpu.dma_semaphore, #tpu.memory_space<semaphore_mem>>
      tpu.enqueue_indirect_dma source(%dma_start3A_958 : memref<100000x128xf32, #tpu.memory_space<hbm>>) target(%dma_start3A_954 : memref<32x128xf32, #tpu.memory_space<vmem>>) offsets(%dma_start3A_955 : memref<32xi32, #tpu.memory_space<vmem>>) semaphore(%dma_start3A_960 : memref<!tpu.dma_semaphore, #tpu.memory_space<semaphore_mem>>)
      %dma_wait3A_961 = arith.constant 3 : i32
      %dma_wait3A_962 = arith.constant 3 : i32
      %dma_wait3A_963 = arith.constant 0 : i32
      %dma_wait3A_964 = arith.constant 0 : i32
      %dma_wait3A_965 = tpu.memref_slice %arg9[%dma_wait3A_961, %dma_wait3A_963, %dma_wait3A_964] : memref<11x32x128xf32, #tpu.memory_space<vmem>> -> memref<1x32x128xf32, #tpu.memory_space<vmem>>
      %dma_wait3A_966 = tpu.memref_squeeze %dma_wait3A_965 : memref<1x32x128xf32, #tpu.memory_space<vmem>> -> memref<32x128xf32, #tpu.memory_space<vmem>>
      %dma_wait3A_967 = arith.constant 0 : i32
      %dma_wait3A_968 = tpu.memref_slice %arg8[%select_n3A_351, %dma_wait3A_967] : memref<2x32xi32, #tpu.memory_space<vmem>> -> memref<1x32xi32, #tpu.memory_space<vmem>>
      %dma_wait3A_969 = tpu.memref_squeeze %dma_wait3A_968 : memref<1x32xi32, #tpu.memory_space<vmem>> -> memref<32xi32, #tpu.memory_space<vmem>>
      %dma_wait3A_970 = arith.constant 0 : i32
      %dma_wait3A_971 = arith.constant 0 : i32
      %dma_wait3A_972 = tpu.memref_slice %arg10[%dma_wait3A_970, %dma_wait3A_971] : memref<1024x128xf32, #tpu.memory_space<vmem_shared>> -> memref<1024x128xf32, #tpu.memory_space<vmem_shared>>
      %dma_wait3A_973 = tpu.memref_slice %arg12[%dma_wait3A_962] : memref<11x!tpu.dma_semaphore, #tpu.memory_space<semaphore_mem>> -> memref<1x!tpu.dma_semaphore, #tpu.memory_space<semaphore_mem>>
      %dma_wait3A_974 = tpu.memref_squeeze %dma_wait3A_973 : memref<1x!tpu.dma_semaphore, #tpu.memory_space<semaphore_mem>> -> memref<!tpu.dma_semaphore, #tpu.memory_space<semaphore_mem>>
      tpu.wait_indirect_dma semaphore(%dma_wait3A_974 : memref<!tpu.dma_semaphore, #tpu.memory_space<semaphore_mem>>) src(%dma_wait3A_966 : memref<32x128xf32, #tpu.memory_space<vmem>>) dst(%dma_wait3A_972 : memref<1024x128xf32, #tpu.memory_space<vmem_shared>>)
      %add3A_975 = arith.constant 1 : i32
      %add3A_976 = arith.addi %add3A_337, %add3A_975 : i32
      %jit3A_977 = arith.constant 2 : i32
      %eq3A_978 = arith.constant 0 : i32
      %eq3A_979 = arith.cmpi eq, %jit3A_977, %eq3A_978 : i32
      %jit3A_980 = arith.constant 1 : i32
      %select_n3A_981 = arith.select %eq3A_979, %jit3A_980, %jit3A_977 : i32
      %rem3A_982 = arith.remsi %add3A_976, %select_n3A_981 : i32
      %ne3A_983 = arith.constant 0 : i32
      %ne3A_984 = arith.cmpi ne, %rem3A_982, %ne3A_983 : i32
      %lt3A_985 = arith.constant 0 : i32
      %lt3A_986 = arith.cmpi slt, %rem3A_982, %lt3A_985 : i32
      %lt3A_987 = arith.constant 0 : i32
      %lt3A_988 = arith.cmpi slt, %select_n3A_981, %lt3A_987 : i32
      %ne3A_989 = arith.xori %lt3A_986, %lt3A_988 : i1
      %and3A_990 = arith.andi %ne3A_989, %ne3A_984 : i1
      %add3A_991 = arith.addi %rem3A_982, %select_n3A_981 : i32
      %select_n3A_992 = arith.select %and3A_990, %add3A_991, %rem3A_982 : i32
      %mul3A_993 = arith.constant 352 : i32
      %mul3A_994 = arith.muli %select_n3A_992, %mul3A_993 : i32
      %add3A_995 = arith.constant 96 : i32
      %add3A_996 = arith.addi %mul3A_994, %add3A_995 : i32
      %dma_start3A_997 = arith.constant 3 : i32
      %dma_start3A_998 = arith.constant 3 : i32
      %dma_start3A_999 = arith.constant 0 : i32
      %dma_start3A_1000 = arith.constant 0 : i32
      %dma_start3A_1001 = tpu.memref_slice %arg9[%dma_start3A_997, %dma_start3A_999, %dma_start3A_1000] : memref<11x32x128xf32, #tpu.memory_space<vmem>> -> memref<1x32x128xf32, #tpu.memory_space<vmem>>
      %dma_start3A_1002 = tpu.memref_squeeze %dma_start3A_1001 : memref<1x32x128xf32, #tpu.memory_space<vmem>> -> memref<32x128xf32, #tpu.memory_space<vmem>>
      %dma_start3A_1003 = tpu.memref_slice %arg7[%add3A_996] : memref<704xi32, #tpu.memory_space<vmem>> -> memref<32xi32, #tpu.memory_space<vmem>>
      %dma_start3A_1004 = arith.constant 0 : i32
      %dma_start3A_1005 = arith.constant 0 : i32
      %dma_start3A_1006 = tpu.memref_slice %arg4[%dma_start3A_1004, %dma_start3A_1005] : memref<100000x128xf32, #tpu.memory_space<hbm>> -> memref<100000x128xf32, #tpu.memory_space<hbm>>
      %dma_start3A_1007 = tpu.memref_slice %arg11[%dma_start3A_998] : memref<11x!tpu.dma_semaphore, #tpu.memory_space<semaphore_mem>> -> memref<1x!tpu.dma_semaphore, #tpu.memory_space<semaphore_mem>>
      %dma_start3A_1008 = tpu.memref_squeeze %dma_start3A_1007 : memref<1x!tpu.dma_semaphore, #tpu.memory_space<semaphore_mem>> -> memref<!tpu.dma_semaphore, #tpu.memory_space<semaphore_mem>>
      tpu.enqueue_indirect_dma source(%dma_start3A_1006 : memref<100000x128xf32, #tpu.memory_space<hbm>>) target(%dma_start3A_1002 : memref<32x128xf32, #tpu.memory_space<vmem>>) offsets(%dma_start3A_1003 : memref<32xi32, #tpu.memory_space<vmem>>) semaphore(%dma_start3A_1008 : memref<!tpu.dma_semaphore, #tpu.memory_space<semaphore_mem>>)
      %dma_wait3A_1009 = arith.constant 4 : i32
      %dma_wait3A_1010 = arith.constant 4 : i32
      %dma_wait3A_1011 = arith.constant 0 : i32
      %dma_wait3A_1012 = arith.constant 0 : i32
      %dma_wait3A_1013 = tpu.memref_slice %arg9[%dma_wait3A_1009, %dma_wait3A_1011, %dma_wait3A_1012] : memref<11x32x128xf32, #tpu.memory_space<vmem>> -> memref<1x32x128xf32, #tpu.memory_space<vmem>>
      %dma_wait3A_1014 = tpu.memref_squeeze %dma_wait3A_1013 : memref<1x32x128xf32, #tpu.memory_space<vmem>> -> memref<32x128xf32, #tpu.memory_space<vmem>>
      %dma_wait3A_1015 = arith.constant 0 : i32
      %dma_wait3A_1016 = tpu.memref_slice %arg8[%select_n3A_351, %dma_wait3A_1015] : memref<2x32xi32, #tpu.memory_space<vmem>> -> memref<1x32xi32, #tpu.memory_space<vmem>>
      %dma_wait3A_1017 = tpu.memref_squeeze %dma_wait3A_1016 : memref<1x32xi32, #tpu.memory_space<vmem>> -> memref<32xi32, #tpu.memory_space<vmem>>
      %dma_wait3A_1018 = arith.constant 0 : i32
      %dma_wait3A_1019 = arith.constant 0 : i32
      %dma_wait3A_1020 = tpu.memref_slice %arg10[%dma_wait3A_1018, %dma_wait3A_1019] : memref<1024x128xf32, #tpu.memory_space<vmem_shared>> -> memref<1024x128xf32, #tpu.memory_space<vmem_shared>>
      %dma_wait3A_1021 = tpu.memref_slice %arg12[%dma_wait3A_1010] : memref<11x!tpu.dma_semaphore, #tpu.memory_space<semaphore_mem>> -> memref<1x!tpu.dma_semaphore, #tpu.memory_space<semaphore_mem>>
      %dma_wait3A_1022 = tpu.memref_squeeze %dma_wait3A_1021 : memref<1x!tpu.dma_semaphore, #tpu.memory_space<semaphore_mem>> -> memref<!tpu.dma_semaphore, #tpu.memory_space<semaphore_mem>>
      tpu.wait_indirect_dma semaphore(%dma_wait3A_1022 : memref<!tpu.dma_semaphore, #tpu.memory_space<semaphore_mem>>) src(%dma_wait3A_1014 : memref<32x128xf32, #tpu.memory_space<vmem>>) dst(%dma_wait3A_1020 : memref<1024x128xf32, #tpu.memory_space<vmem_shared>>)
      %add3A_1023 = arith.constant 1 : i32
      %add3A_1024 = arith.addi %add3A_337, %add3A_1023 : i32
      %jit3A_1025 = arith.constant 2 : i32
      %eq3A_1026 = arith.constant 0 : i32
      %eq3A_1027 = arith.cmpi eq, %jit3A_1025, %eq3A_1026 : i32
      %jit3A_1028 = arith.constant 1 : i32
      %select_n3A_1029 = arith.select %eq3A_1027, %jit3A_1028, %jit3A_1025 : i32
      %rem3A_1030 = arith.remsi %add3A_1024, %select_n3A_1029 : i32
      %ne3A_1031 = arith.constant 0 : i32
      %ne3A_1032 = arith.cmpi ne, %rem3A_1030, %ne3A_1031 : i32
      %lt3A_1033 = arith.constant 0 : i32
      %lt3A_1034 = arith.cmpi slt, %rem3A_1030, %lt3A_1033 : i32
      %lt3A_1035 = arith.constant 0 : i32
      %lt3A_1036 = arith.cmpi slt, %select_n3A_1029, %lt3A_1035 : i32
      %ne3A_1037 = arith.xori %lt3A_1034, %lt3A_1036 : i1
      %and3A_1038 = arith.andi %ne3A_1037, %ne3A_1032 : i1
      %add3A_1039 = arith.addi %rem3A_1030, %select_n3A_1029 : i32
      %select_n3A_1040 = arith.select %and3A_1038, %add3A_1039, %rem3A_1030 : i32
      %mul3A_1041 = arith.constant 352 : i32
      %mul3A_1042 = arith.muli %select_n3A_1040, %mul3A_1041 : i32
      %add3A_1043 = arith.constant 128 : i32
      %add3A_1044 = arith.addi %mul3A_1042, %add3A_1043 : i32
      %dma_start3A_1045 = arith.constant 4 : i32
      %dma_start3A_1046 = arith.constant 4 : i32
      %dma_start3A_1047 = arith.constant 0 : i32
      %dma_start3A_1048 = arith.constant 0 : i32
      %dma_start3A_1049 = tpu.memref_slice %arg9[%dma_start3A_1045, %dma_start3A_1047, %dma_start3A_1048] : memref<11x32x128xf32, #tpu.memory_space<vmem>> -> memref<1x32x128xf32, #tpu.memory_space<vmem>>
      %dma_start3A_1050 = tpu.memref_squeeze %dma_start3A_1049 : memref<1x32x128xf32, #tpu.memory_space<vmem>> -> memref<32x128xf32, #tpu.memory_space<vmem>>
      %dma_start3A_1051 = tpu.memref_slice %arg7[%add3A_1044] : memref<704xi32, #tpu.memory_space<vmem>> -> memref<32xi32, #tpu.memory_space<vmem>>
      %dma_start3A_1052 = arith.constant 0 : i32
      %dma_start3A_1053 = arith.constant 0 : i32
      %dma_start3A_1054 = tpu.memref_slice %arg4[%dma_start3A_1052, %dma_start3A_1053] : memref<100000x128xf32, #tpu.memory_space<hbm>> -> memref<100000x128xf32, #tpu.memory_space<hbm>>
      %dma_start3A_1055 = tpu.memref_slice %arg11[%dma_start3A_1046] : memref<11x!tpu.dma_semaphore, #tpu.memory_space<semaphore_mem>> -> memref<1x!tpu.dma_semaphore, #tpu.memory_space<semaphore_mem>>
      %dma_start3A_1056 = tpu.memref_squeeze %dma_start3A_1055 : memref<1x!tpu.dma_semaphore, #tpu.memory_space<semaphore_mem>> -> memref<!tpu.dma_semaphore, #tpu.memory_space<semaphore_mem>>
      tpu.enqueue_indirect_dma source(%dma_start3A_1054 : memref<100000x128xf32, #tpu.memory_space<hbm>>) target(%dma_start3A_1050 : memref<32x128xf32, #tpu.memory_space<vmem>>) offsets(%dma_start3A_1051 : memref<32xi32, #tpu.memory_space<vmem>>) semaphore(%dma_start3A_1056 : memref<!tpu.dma_semaphore, #tpu.memory_space<semaphore_mem>>)
      %dma_wait3A_1057 = arith.constant 5 : i32
      %dma_wait3A_1058 = arith.constant 5 : i32
      %dma_wait3A_1059 = arith.constant 0 : i32
      %dma_wait3A_1060 = arith.constant 0 : i32
      %dma_wait3A_1061 = tpu.memref_slice %arg9[%dma_wait3A_1057, %dma_wait3A_1059, %dma_wait3A_1060] : memref<11x32x128xf32, #tpu.memory_space<vmem>> -> memref<1x32x128xf32, #tpu.memory_space<vmem>>
      %dma_wait3A_1062 = tpu.memref_squeeze %dma_wait3A_1061 : memref<1x32x128xf32, #tpu.memory_space<vmem>> -> memref<32x128xf32, #tpu.memory_space<vmem>>
      %dma_wait3A_1063 = arith.constant 0 : i32
      %dma_wait3A_1064 = tpu.memref_slice %arg8[%select_n3A_351, %dma_wait3A_1063] : memref<2x32xi32, #tpu.memory_space<vmem>> -> memref<1x32xi32, #tpu.memory_space<vmem>>
      %dma_wait3A_1065 = tpu.memref_squeeze %dma_wait3A_1064 : memref<1x32xi32, #tpu.memory_space<vmem>> -> memref<32xi32, #tpu.memory_space<vmem>>
      %dma_wait3A_1066 = arith.constant 0 : i32
      %dma_wait3A_1067 = arith.constant 0 : i32
      %dma_wait3A_1068 = tpu.memref_slice %arg10[%dma_wait3A_1066, %dma_wait3A_1067] : memref<1024x128xf32, #tpu.memory_space<vmem_shared>> -> memref<1024x128xf32, #tpu.memory_space<vmem_shared>>
      %dma_wait3A_1069 = tpu.memref_slice %arg12[%dma_wait3A_1058] : memref<11x!tpu.dma_semaphore, #tpu.memory_space<semaphore_mem>> -> memref<1x!tpu.dma_semaphore, #tpu.memory_space<semaphore_mem>>
      %dma_wait3A_1070 = tpu.memref_squeeze %dma_wait3A_1069 : memref<1x!tpu.dma_semaphore, #tpu.memory_space<semaphore_mem>> -> memref<!tpu.dma_semaphore, #tpu.memory_space<semaphore_mem>>
      tpu.wait_indirect_dma semaphore(%dma_wait3A_1070 : memref<!tpu.dma_semaphore, #tpu.memory_space<semaphore_mem>>) src(%dma_wait3A_1062 : memref<32x128xf32, #tpu.memory_space<vmem>>) dst(%dma_wait3A_1068 : memref<1024x128xf32, #tpu.memory_space<vmem_shared>>)
      %add3A_1071 = arith.constant 1 : i32
      %add3A_1072 = arith.addi %add3A_337, %add3A_1071 : i32
      %jit3A_1073 = arith.constant 2 : i32
      %eq3A_1074 = arith.constant 0 : i32
      %eq3A_1075 = arith.cmpi eq, %jit3A_1073, %eq3A_1074 : i32
      %jit3A_1076 = arith.constant 1 : i32
      %select_n3A_1077 = arith.select %eq3A_1075, %jit3A_1076, %jit3A_1073 : i32
      %rem3A_1078 = arith.remsi %add3A_1072, %select_n3A_1077 : i32
      %ne3A_1079 = arith.constant 0 : i32
      %ne3A_1080 = arith.cmpi ne, %rem3A_1078, %ne3A_1079 : i32
      %lt3A_1081 = arith.constant 0 : i32
      %lt3A_1082 = arith.cmpi slt, %rem3A_1078, %lt3A_1081 : i32
      %lt3A_1083 = arith.constant 0 : i32
      %lt3A_1084 = arith.cmpi slt, %select_n3A_1077, %lt3A_1083 : i32
      %ne3A_1085 = arith.xori %lt3A_1082, %lt3A_1084 : i1
      %and3A_1086 = arith.andi %ne3A_1085, %ne3A_1080 : i1
      %add3A_1087 = arith.addi %rem3A_1078, %select_n3A_1077 : i32
      %select_n3A_1088 = arith.select %and3A_1086, %add3A_1087, %rem3A_1078 : i32
      %mul3A_1089 = arith.constant 352 : i32
      %mul3A_1090 = arith.muli %select_n3A_1088, %mul3A_1089 : i32
      %add3A_1091 = arith.constant 160 : i32
      %add3A_1092 = arith.addi %mul3A_1090, %add3A_1091 : i32
      %dma_start3A_1093 = arith.constant 5 : i32
      %dma_start3A_1094 = arith.constant 5 : i32
      %dma_start3A_1095 = arith.constant 0 : i32
      %dma_start3A_1096 = arith.constant 0 : i32
      %dma_start3A_1097 = tpu.memref_slice %arg9[%dma_start3A_1093, %dma_start3A_1095, %dma_start3A_1096] : memref<11x32x128xf32, #tpu.memory_space<vmem>> -> memref<1x32x128xf32, #tpu.memory_space<vmem>>
      %dma_start3A_1098 = tpu.memref_squeeze %dma_start3A_1097 : memref<1x32x128xf32, #tpu.memory_space<vmem>> -> memref<32x128xf32, #tpu.memory_space<vmem>>
      %dma_start3A_1099 = tpu.memref_slice %arg7[%add3A_1092] : memref<704xi32, #tpu.memory_space<vmem>> -> memref<32xi32, #tpu.memory_space<vmem>>
      %dma_start3A_1100 = arith.constant 0 : i32
      %dma_start3A_1101 = arith.constant 0 : i32
      %dma_start3A_1102 = tpu.memref_slice %arg4[%dma_start3A_1100, %dma_start3A_1101] : memref<100000x128xf32, #tpu.memory_space<hbm>> -> memref<100000x128xf32, #tpu.memory_space<hbm>>
      %dma_start3A_1103 = tpu.memref_slice %arg11[%dma_start3A_1094] : memref<11x!tpu.dma_semaphore, #tpu.memory_space<semaphore_mem>> -> memref<1x!tpu.dma_semaphore, #tpu.memory_space<semaphore_mem>>
      %dma_start3A_1104 = tpu.memref_squeeze %dma_start3A_1103 : memref<1x!tpu.dma_semaphore, #tpu.memory_space<semaphore_mem>> -> memref<!tpu.dma_semaphore, #tpu.memory_space<semaphore_mem>>
      tpu.enqueue_indirect_dma source(%dma_start3A_1102 : memref<100000x128xf32, #tpu.memory_space<hbm>>) target(%dma_start3A_1098 : memref<32x128xf32, #tpu.memory_space<vmem>>) offsets(%dma_start3A_1099 : memref<32xi32, #tpu.memory_space<vmem>>) semaphore(%dma_start3A_1104 : memref<!tpu.dma_semaphore, #tpu.memory_space<semaphore_mem>>)
      %dma_wait3A_1105 = arith.constant 6 : i32
      %dma_wait3A_1106 = arith.constant 6 : i32
      %dma_wait3A_1107 = arith.constant 0 : i32
      %dma_wait3A_1108 = arith.constant 0 : i32
      %dma_wait3A_1109 = tpu.memref_slice %arg9[%dma_wait3A_1105, %dma_wait3A_1107, %dma_wait3A_1108] : memref<11x32x128xf32, #tpu.memory_space<vmem>> -> memref<1x32x128xf32, #tpu.memory_space<vmem>>
      %dma_wait3A_1110 = tpu.memref_squeeze %dma_wait3A_1109 : memref<1x32x128xf32, #tpu.memory_space<vmem>> -> memref<32x128xf32, #tpu.memory_space<vmem>>
      %dma_wait3A_1111 = arith.constant 0 : i32
      %dma_wait3A_1112 = tpu.memref_slice %arg8[%select_n3A_351, %dma_wait3A_1111] : memref<2x32xi32, #tpu.memory_space<vmem>> -> memref<1x32xi32, #tpu.memory_space<vmem>>
      %dma_wait3A_1113 = tpu.memref_squeeze %dma_wait3A_1112 : memref<1x32xi32, #tpu.memory_space<vmem>> -> memref<32xi32, #tpu.memory_space<vmem>>
      %dma_wait3A_1114 = arith.constant 0 : i32
      %dma_wait3A_1115 = arith.constant 0 : i32
      %dma_wait3A_1116 = tpu.memref_slice %arg10[%dma_wait3A_1114, %dma_wait3A_1115] : memref<1024x128xf32, #tpu.memory_space<vmem_shared>> -> memref<1024x128xf32, #tpu.memory_space<vmem_shared>>
      %dma_wait3A_1117 = tpu.memref_slice %arg12[%dma_wait3A_1106] : memref<11x!tpu.dma_semaphore, #tpu.memory_space<semaphore_mem>> -> memref<1x!tpu.dma_semaphore, #tpu.memory_space<semaphore_mem>>
      %dma_wait3A_1118 = tpu.memref_squeeze %dma_wait3A_1117 : memref<1x!tpu.dma_semaphore, #tpu.memory_space<semaphore_mem>> -> memref<!tpu.dma_semaphore, #tpu.memory_space<semaphore_mem>>
      tpu.wait_indirect_dma semaphore(%dma_wait3A_1118 : memref<!tpu.dma_semaphore, #tpu.memory_space<semaphore_mem>>) src(%dma_wait3A_1110 : memref<32x128xf32, #tpu.memory_space<vmem>>) dst(%dma_wait3A_1116 : memref<1024x128xf32, #tpu.memory_space<vmem_shared>>)
      %add3A_1119 = arith.constant 1 : i32
      %add3A_1120 = arith.addi %add3A_337, %add3A_1119 : i32
      %jit3A_1121 = arith.constant 2 : i32
      %eq3A_1122 = arith.constant 0 : i32
      %eq3A_1123 = arith.cmpi eq, %jit3A_1121, %eq3A_1122 : i32
      %jit3A_1124 = arith.constant 1 : i32
      %select_n3A_1125 = arith.select %eq3A_1123, %jit3A_1124, %jit3A_1121 : i32
      %rem3A_1126 = arith.remsi %add3A_1120, %select_n3A_1125 : i32
      %ne3A_1127 = arith.constant 0 : i32
      %ne3A_1128 = arith.cmpi ne, %rem3A_1126, %ne3A_1127 : i32
      %lt3A_1129 = arith.constant 0 : i32
      %lt3A_1130 = arith.cmpi slt, %rem3A_1126, %lt3A_1129 : i32
      %lt3A_1131 = arith.constant 0 : i32
      %lt3A_1132 = arith.cmpi slt, %select_n3A_1125, %lt3A_1131 : i32
      %ne3A_1133 = arith.xori %lt3A_1130, %lt3A_1132 : i1
      %and3A_1134 = arith.andi %ne3A_1133, %ne3A_1128 : i1
      %add3A_1135 = arith.addi %rem3A_1126, %select_n3A_1125 : i32
      %select_n3A_1136 = arith.select %and3A_1134, %add3A_1135, %rem3A_1126 : i32
      %mul3A_1137 = arith.constant 352 : i32
      %mul3A_1138 = arith.muli %select_n3A_1136, %mul3A_1137 : i32
      %add3A_1139 = arith.constant 192 : i32
      %add3A_1140 = arith.addi %mul3A_1138, %add3A_1139 : i32
      %dma_start3A_1141 = arith.constant 6 : i32
      %dma_start3A_1142 = arith.constant 6 : i32
      %dma_start3A_1143 = arith.constant 0 : i32
      %dma_start3A_1144 = arith.constant 0 : i32
      %dma_start3A_1145 = tpu.memref_slice %arg9[%dma_start3A_1141, %dma_start3A_1143, %dma_start3A_1144] : memref<11x32x128xf32, #tpu.memory_space<vmem>> -> memref<1x32x128xf32, #tpu.memory_space<vmem>>
      %dma_start3A_1146 = tpu.memref_squeeze %dma_start3A_1145 : memref<1x32x128xf32, #tpu.memory_space<vmem>> -> memref<32x128xf32, #tpu.memory_space<vmem>>
      %dma_start3A_1147 = tpu.memref_slice %arg7[%add3A_1140] : memref<704xi32, #tpu.memory_space<vmem>> -> memref<32xi32, #tpu.memory_space<vmem>>
      %dma_start3A_1148 = arith.constant 0 : i32
      %dma_start3A_1149 = arith.constant 0 : i32
      %dma_start3A_1150 = tpu.memref_slice %arg4[%dma_start3A_1148, %dma_start3A_1149] : memref<100000x128xf32, #tpu.memory_space<hbm>> -> memref<100000x128xf32, #tpu.memory_space<hbm>>
      %dma_start3A_1151 = tpu.memref_slice %arg11[%dma_start3A_1142] : memref<11x!tpu.dma_semaphore, #tpu.memory_space<semaphore_mem>> -> memref<1x!tpu.dma_semaphore, #tpu.memory_space<semaphore_mem>>
      %dma_start3A_1152 = tpu.memref_squeeze %dma_start3A_1151 : memref<1x!tpu.dma_semaphore, #tpu.memory_space<semaphore_mem>> -> memref<!tpu.dma_semaphore, #tpu.memory_space<semaphore_mem>>
      tpu.enqueue_indirect_dma source(%dma_start3A_1150 : memref<100000x128xf32, #tpu.memory_space<hbm>>) target(%dma_start3A_1146 : memref<32x128xf32, #tpu.memory_space<vmem>>) offsets(%dma_start3A_1147 : memref<32xi32, #tpu.memory_space<vmem>>) semaphore(%dma_start3A_1152 : memref<!tpu.dma_semaphore, #tpu.memory_space<semaphore_mem>>)
      %dma_wait3A_1153 = arith.constant 7 : i32
      %dma_wait3A_1154 = arith.constant 7 : i32
      %dma_wait3A_1155 = arith.constant 0 : i32
      %dma_wait3A_1156 = arith.constant 0 : i32
      %dma_wait3A_1157 = tpu.memref_slice %arg9[%dma_wait3A_1153, %dma_wait3A_1155, %dma_wait3A_1156] : memref<11x32x128xf32, #tpu.memory_space<vmem>> -> memref<1x32x128xf32, #tpu.memory_space<vmem>>
      %dma_wait3A_1158 = tpu.memref_squeeze %dma_wait3A_1157 : memref<1x32x128xf32, #tpu.memory_space<vmem>> -> memref<32x128xf32, #tpu.memory_space<vmem>>
      %dma_wait3A_1159 = arith.constant 0 : i32
      %dma_wait3A_1160 = tpu.memref_slice %arg8[%select_n3A_351, %dma_wait3A_1159] : memref<2x32xi32, #tpu.memory_space<vmem>> -> memref<1x32xi32, #tpu.memory_space<vmem>>
      %dma_wait3A_1161 = tpu.memref_squeeze %dma_wait3A_1160 : memref<1x32xi32, #tpu.memory_space<vmem>> -> memref<32xi32, #tpu.memory_space<vmem>>
      %dma_wait3A_1162 = arith.constant 0 : i32
      %dma_wait3A_1163 = arith.constant 0 : i32
      %dma_wait3A_1164 = tpu.memref_slice %arg10[%dma_wait3A_1162, %dma_wait3A_1163] : memref<1024x128xf32, #tpu.memory_space<vmem_shared>> -> memref<1024x128xf32, #tpu.memory_space<vmem_shared>>
      %dma_wait3A_1165 = tpu.memref_slice %arg12[%dma_wait3A_1154] : memref<11x!tpu.dma_semaphore, #tpu.memory_space<semaphore_mem>> -> memref<1x!tpu.dma_semaphore, #tpu.memory_space<semaphore_mem>>
      %dma_wait3A_1166 = tpu.memref_squeeze %dma_wait3A_1165 : memref<1x!tpu.dma_semaphore, #tpu.memory_space<semaphore_mem>> -> memref<!tpu.dma_semaphore, #tpu.memory_space<semaphore_mem>>
      tpu.wait_indirect_dma semaphore(%dma_wait3A_1166 : memref<!tpu.dma_semaphore, #tpu.memory_space<semaphore_mem>>) src(%dma_wait3A_1158 : memref<32x128xf32, #tpu.memory_space<vmem>>) dst(%dma_wait3A_1164 : memref<1024x128xf32, #tpu.memory_space<vmem_shared>>)
      %add3A_1167 = arith.constant 1 : i32
      %add3A_1168 = arith.addi %add3A_337, %add3A_1167 : i32
      %jit3A_1169 = arith.constant 2 : i32
      %eq3A_1170 = arith.constant 0 : i32
      %eq3A_1171 = arith.cmpi eq, %jit3A_1169, %eq3A_1170 : i32
      %jit3A_1172 = arith.constant 1 : i32
      %select_n3A_1173 = arith.select %eq3A_1171, %jit3A_1172, %jit3A_1169 : i32
      %rem3A_1174 = arith.remsi %add3A_1168, %select_n3A_1173 : i32
      %ne3A_1175 = arith.constant 0 : i32
      %ne3A_1176 = arith.cmpi ne, %rem3A_1174, %ne3A_1175 : i32
      %lt3A_1177 = arith.constant 0 : i32
      %lt3A_1178 = arith.cmpi slt, %rem3A_1174, %lt3A_1177 : i32
      %lt3A_1179 = arith.constant 0 : i32
      %lt3A_1180 = arith.cmpi slt, %select_n3A_1173, %lt3A_1179 : i32
      %ne3A_1181 = arith.xori %lt3A_1178, %lt3A_1180 : i1
      %and3A_1182 = arith.andi %ne3A_1181, %ne3A_1176 : i1
      %add3A_1183 = arith.addi %rem3A_1174, %select_n3A_1173 : i32
      %select_n3A_1184 = arith.select %and3A_1182, %add3A_1183, %rem3A_1174 : i32
      %mul3A_1185 = arith.constant 352 : i32
      %mul3A_1186 = arith.muli %select_n3A_1184, %mul3A_1185 : i32
      %add3A_1187 = arith.constant 224 : i32
      %add3A_1188 = arith.addi %mul3A_1186, %add3A_1187 : i32
      %dma_start3A_1189 = arith.constant 7 : i32
      %dma_start3A_1190 = arith.constant 7 : i32
      %dma_start3A_1191 = arith.constant 0 : i32
      %dma_start3A_1192 = arith.constant 0 : i32
      %dma_start3A_1193 = tpu.memref_slice %arg9[%dma_start3A_1189, %dma_start3A_1191, %dma_start3A_1192] : memref<11x32x128xf32, #tpu.memory_space<vmem>> -> memref<1x32x128xf32, #tpu.memory_space<vmem>>
      %dma_start3A_1194 = tpu.memref_squeeze %dma_start3A_1193 : memref<1x32x128xf32, #tpu.memory_space<vmem>> -> memref<32x128xf32, #tpu.memory_space<vmem>>
      %dma_start3A_1195 = tpu.memref_slice %arg7[%add3A_1188] : memref<704xi32, #tpu.memory_space<vmem>> -> memref<32xi32, #tpu.memory_space<vmem>>
      %dma_start3A_1196 = arith.constant 0 : i32
      %dma_start3A_1197 = arith.constant 0 : i32
      %dma_start3A_1198 = tpu.memref_slice %arg4[%dma_start3A_1196, %dma_start3A_1197] : memref<100000x128xf32, #tpu.memory_space<hbm>> -> memref<100000x128xf32, #tpu.memory_space<hbm>>
      %dma_start3A_1199 = tpu.memref_slice %arg11[%dma_start3A_1190] : memref<11x!tpu.dma_semaphore, #tpu.memory_space<semaphore_mem>> -> memref<1x!tpu.dma_semaphore, #tpu.memory_space<semaphore_mem>>
      %dma_start3A_1200 = tpu.memref_squeeze %dma_start3A_1199 : memref<1x!tpu.dma_semaphore, #tpu.memory_space<semaphore_mem>> -> memref<!tpu.dma_semaphore, #tpu.memory_space<semaphore_mem>>
      tpu.enqueue_indirect_dma source(%dma_start3A_1198 : memref<100000x128xf32, #tpu.memory_space<hbm>>) target(%dma_start3A_1194 : memref<32x128xf32, #tpu.memory_space<vmem>>) offsets(%dma_start3A_1195 : memref<32xi32, #tpu.memory_space<vmem>>) semaphore(%dma_start3A_1200 : memref<!tpu.dma_semaphore, #tpu.memory_space<semaphore_mem>>)
      %dma_wait3A_1201 = arith.constant 8 : i32
      %dma_wait3A_1202 = arith.constant 8 : i32
      %dma_wait3A_1203 = arith.constant 0 : i32
      %dma_wait3A_1204 = arith.constant 0 : i32
      %dma_wait3A_1205 = tpu.memref_slice %arg9[%dma_wait3A_1201, %dma_wait3A_1203, %dma_wait3A_1204] : memref<11x32x128xf32, #tpu.memory_space<vmem>> -> memref<1x32x128xf32, #tpu.memory_space<vmem>>
      %dma_wait3A_1206 = tpu.memref_squeeze %dma_wait3A_1205 : memref<1x32x128xf32, #tpu.memory_space<vmem>> -> memref<32x128xf32, #tpu.memory_space<vmem>>
      %dma_wait3A_1207 = arith.constant 0 : i32
      %dma_wait3A_1208 = tpu.memref_slice %arg8[%select_n3A_351, %dma_wait3A_1207] : memref<2x32xi32, #tpu.memory_space<vmem>> -> memref<1x32xi32, #tpu.memory_space<vmem>>
      %dma_wait3A_1209 = tpu.memref_squeeze %dma_wait3A_1208 : memref<1x32xi32, #tpu.memory_space<vmem>> -> memref<32xi32, #tpu.memory_space<vmem>>
      %dma_wait3A_1210 = arith.constant 0 : i32
      %dma_wait3A_1211 = arith.constant 0 : i32
      %dma_wait3A_1212 = tpu.memref_slice %arg10[%dma_wait3A_1210, %dma_wait3A_1211] : memref<1024x128xf32, #tpu.memory_space<vmem_shared>> -> memref<1024x128xf32, #tpu.memory_space<vmem_shared>>
      %dma_wait3A_1213 = tpu.memref_slice %arg12[%dma_wait3A_1202] : memref<11x!tpu.dma_semaphore, #tpu.memory_space<semaphore_mem>> -> memref<1x!tpu.dma_semaphore, #tpu.memory_space<semaphore_mem>>
      %dma_wait3A_1214 = tpu.memref_squeeze %dma_wait3A_1213 : memref<1x!tpu.dma_semaphore, #tpu.memory_space<semaphore_mem>> -> memref<!tpu.dma_semaphore, #tpu.memory_space<semaphore_mem>>
      tpu.wait_indirect_dma semaphore(%dma_wait3A_1214 : memref<!tpu.dma_semaphore, #tpu.memory_space<semaphore_mem>>) src(%dma_wait3A_1206 : memref<32x128xf32, #tpu.memory_space<vmem>>) dst(%dma_wait3A_1212 : memref<1024x128xf32, #tpu.memory_space<vmem_shared>>)
      %add3A_1215 = arith.constant 1 : i32
      %add3A_1216 = arith.addi %add3A_337, %add3A_1215 : i32
      %jit3A_1217 = arith.constant 2 : i32
      %eq3A_1218 = arith.constant 0 : i32
      %eq3A_1219 = arith.cmpi eq, %jit3A_1217, %eq3A_1218 : i32
      %jit3A_1220 = arith.constant 1 : i32
      %select_n3A_1221 = arith.select %eq3A_1219, %jit3A_1220, %jit3A_1217 : i32
      %rem3A_1222 = arith.remsi %add3A_1216, %select_n3A_1221 : i32
      %ne3A_1223 = arith.constant 0 : i32
      %ne3A_1224 = arith.cmpi ne, %rem3A_1222, %ne3A_1223 : i32
      %lt3A_1225 = arith.constant 0 : i32
      %lt3A_1226 = arith.cmpi slt, %rem3A_1222, %lt3A_1225 : i32
      %lt3A_1227 = arith.constant 0 : i32
      %lt3A_1228 = arith.cmpi slt, %select_n3A_1221, %lt3A_1227 : i32
      %ne3A_1229 = arith.xori %lt3A_1226, %lt3A_1228 : i1
      %and3A_1230 = arith.andi %ne3A_1229, %ne3A_1224 : i1
      %add3A_1231 = arith.addi %rem3A_1222, %select_n3A_1221 : i32
      %select_n3A_1232 = arith.select %and3A_1230, %add3A_1231, %rem3A_1222 : i32
      %mul3A_1233 = arith.constant 352 : i32
      %mul3A_1234 = arith.muli %select_n3A_1232, %mul3A_1233 : i32
      %add3A_1235 = arith.constant 256 : i32
      %add3A_1236 = arith.addi %mul3A_1234, %add3A_1235 : i32
      %dma_start3A_1237 = arith.constant 8 : i32
      %dma_start3A_1238 = arith.constant 8 : i32
      %dma_start3A_1239 = arith.constant 0 : i32
      %dma_start3A_1240 = arith.constant 0 : i32
      %dma_start3A_1241 = tpu.memref_slice %arg9[%dma_start3A_1237, %dma_start3A_1239, %dma_start3A_1240] : memref<11x32x128xf32, #tpu.memory_space<vmem>> -> memref<1x32x128xf32, #tpu.memory_space<vmem>>
      %dma_start3A_1242 = tpu.memref_squeeze %dma_start3A_1241 : memref<1x32x128xf32, #tpu.memory_space<vmem>> -> memref<32x128xf32, #tpu.memory_space<vmem>>
      %dma_start3A_1243 = tpu.memref_slice %arg7[%add3A_1236] : memref<704xi32, #tpu.memory_space<vmem>> -> memref<32xi32, #tpu.memory_space<vmem>>
      %dma_start3A_1244 = arith.constant 0 : i32
      %dma_start3A_1245 = arith.constant 0 : i32
      %dma_start3A_1246 = tpu.memref_slice %arg4[%dma_start3A_1244, %dma_start3A_1245] : memref<100000x128xf32, #tpu.memory_space<hbm>> -> memref<100000x128xf32, #tpu.memory_space<hbm>>
      %dma_start3A_1247 = tpu.memref_slice %arg11[%dma_start3A_1238] : memref<11x!tpu.dma_semaphore, #tpu.memory_space<semaphore_mem>> -> memref<1x!tpu.dma_semaphore, #tpu.memory_space<semaphore_mem>>
      %dma_start3A_1248 = tpu.memref_squeeze %dma_start3A_1247 : memref<1x!tpu.dma_semaphore, #tpu.memory_space<semaphore_mem>> -> memref<!tpu.dma_semaphore, #tpu.memory_space<semaphore_mem>>
      tpu.enqueue_indirect_dma source(%dma_start3A_1246 : memref<100000x128xf32, #tpu.memory_space<hbm>>) target(%dma_start3A_1242 : memref<32x128xf32, #tpu.memory_space<vmem>>) offsets(%dma_start3A_1243 : memref<32xi32, #tpu.memory_space<vmem>>) semaphore(%dma_start3A_1248 : memref<!tpu.dma_semaphore, #tpu.memory_space<semaphore_mem>>)
      %dma_wait3A_1249 = arith.constant 9 : i32
      %dma_wait3A_1250 = arith.constant 9 : i32
      %dma_wait3A_1251 = arith.constant 0 : i32
      %dma_wait3A_1252 = arith.constant 0 : i32
      %dma_wait3A_1253 = tpu.memref_slice %arg9[%dma_wait3A_1249, %dma_wait3A_1251, %dma_wait3A_1252] : memref<11x32x128xf32, #tpu.memory_space<vmem>> -> memref<1x32x128xf32, #tpu.memory_space<vmem>>
      %dma_wait3A_1254 = tpu.memref_squeeze %dma_wait3A_1253 : memref<1x32x128xf32, #tpu.memory_space<vmem>> -> memref<32x128xf32, #tpu.memory_space<vmem>>
      %dma_wait3A_1255 = arith.constant 0 : i32
      %dma_wait3A_1256 = tpu.memref_slice %arg8[%select_n3A_351, %dma_wait3A_1255] : memref<2x32xi32, #tpu.memory_space<vmem>> -> memref<1x32xi32, #tpu.memory_space<vmem>>
      %dma_wait3A_1257 = tpu.memref_squeeze %dma_wait3A_1256 : memref<1x32xi32, #tpu.memory_space<vmem>> -> memref<32xi32, #tpu.memory_space<vmem>>
      %dma_wait3A_1258 = arith.constant 0 : i32
      %dma_wait3A_1259 = arith.constant 0 : i32
      %dma_wait3A_1260 = tpu.memref_slice %arg10[%dma_wait3A_1258, %dma_wait3A_1259] : memref<1024x128xf32, #tpu.memory_space<vmem_shared>> -> memref<1024x128xf32, #tpu.memory_space<vmem_shared>>
      %dma_wait3A_1261 = tpu.memref_slice %arg12[%dma_wait3A_1250] : memref<11x!tpu.dma_semaphore, #tpu.memory_space<semaphore_mem>> -> memref<1x!tpu.dma_semaphore, #tpu.memory_space<semaphore_mem>>
      %dma_wait3A_1262 = tpu.memref_squeeze %dma_wait3A_1261 : memref<1x!tpu.dma_semaphore, #tpu.memory_space<semaphore_mem>> -> memref<!tpu.dma_semaphore, #tpu.memory_space<semaphore_mem>>
      tpu.wait_indirect_dma semaphore(%dma_wait3A_1262 : memref<!tpu.dma_semaphore, #tpu.memory_space<semaphore_mem>>) src(%dma_wait3A_1254 : memref<32x128xf32, #tpu.memory_space<vmem>>) dst(%dma_wait3A_1260 : memref<1024x128xf32, #tpu.memory_space<vmem_shared>>)
      %add3A_1263 = arith.constant 1 : i32
      %add3A_1264 = arith.addi %add3A_337, %add3A_1263 : i32
      %jit3A_1265 = arith.constant 2 : i32
      %eq3A_1266 = arith.constant 0 : i32
      %eq3A_1267 = arith.cmpi eq, %jit3A_1265, %eq3A_1266 : i32
      %jit3A_1268 = arith.constant 1 : i32
      %select_n3A_1269 = arith.select %eq3A_1267, %jit3A_1268, %jit3A_1265 : i32
      %rem3A_1270 = arith.remsi %add3A_1264, %select_n3A_1269 : i32
      %ne3A_1271 = arith.constant 0 : i32
      %ne3A_1272 = arith.cmpi ne, %rem3A_1270, %ne3A_1271 : i32
      %lt3A_1273 = arith.constant 0 : i32
      %lt3A_1274 = arith.cmpi slt, %rem3A_1270, %lt3A_1273 : i32
      %lt3A_1275 = arith.constant 0 : i32
      %lt3A_1276 = arith.cmpi slt, %select_n3A_1269, %lt3A_1275 : i32
      %ne3A_1277 = arith.xori %lt3A_1274, %lt3A_1276 : i1
      %and3A_1278 = arith.andi %ne3A_1277, %ne3A_1272 : i1
      %add3A_1279 = arith.addi %rem3A_1270, %select_n3A_1269 : i32
      %select_n3A_1280 = arith.select %and3A_1278, %add3A_1279, %rem3A_1270 : i32
      %mul3A_1281 = arith.constant 352 : i32
      %mul3A_1282 = arith.muli %select_n3A_1280, %mul3A_1281 : i32
      %add3A_1283 = arith.constant 288 : i32
      %add3A_1284 = arith.addi %mul3A_1282, %add3A_1283 : i32
      %dma_start3A_1285 = arith.constant 9 : i32
      %dma_start3A_1286 = arith.constant 9 : i32
      %dma_start3A_1287 = arith.constant 0 : i32
      %dma_start3A_1288 = arith.constant 0 : i32
      %dma_start3A_1289 = tpu.memref_slice %arg9[%dma_start3A_1285, %dma_start3A_1287, %dma_start3A_1288] : memref<11x32x128xf32, #tpu.memory_space<vmem>> -> memref<1x32x128xf32, #tpu.memory_space<vmem>>
      %dma_start3A_1290 = tpu.memref_squeeze %dma_start3A_1289 : memref<1x32x128xf32, #tpu.memory_space<vmem>> -> memref<32x128xf32, #tpu.memory_space<vmem>>
      %dma_start3A_1291 = tpu.memref_slice %arg7[%add3A_1284] : memref<704xi32, #tpu.memory_space<vmem>> -> memref<32xi32, #tpu.memory_space<vmem>>
      %dma_start3A_1292 = arith.constant 0 : i32
      %dma_start3A_1293 = arith.constant 0 : i32
      %dma_start3A_1294 = tpu.memref_slice %arg4[%dma_start3A_1292, %dma_start3A_1293] : memref<100000x128xf32, #tpu.memory_space<hbm>> -> memref<100000x128xf32, #tpu.memory_space<hbm>>
      %dma_start3A_1295 = tpu.memref_slice %arg11[%dma_start3A_1286] : memref<11x!tpu.dma_semaphore, #tpu.memory_space<semaphore_mem>> -> memref<1x!tpu.dma_semaphore, #tpu.memory_space<semaphore_mem>>
      %dma_start3A_1296 = tpu.memref_squeeze %dma_start3A_1295 : memref<1x!tpu.dma_semaphore, #tpu.memory_space<semaphore_mem>> -> memref<!tpu.dma_semaphore, #tpu.memory_space<semaphore_mem>>
      tpu.enqueue_indirect_dma source(%dma_start3A_1294 : memref<100000x128xf32, #tpu.memory_space<hbm>>) target(%dma_start3A_1290 : memref<32x128xf32, #tpu.memory_space<vmem>>) offsets(%dma_start3A_1291 : memref<32xi32, #tpu.memory_space<vmem>>) semaphore(%dma_start3A_1296 : memref<!tpu.dma_semaphore, #tpu.memory_space<semaphore_mem>>)
      %dma_wait3A_1297 = arith.constant 10 : i32
      %dma_wait3A_1298 = arith.constant 10 : i32
      %dma_wait3A_1299 = arith.constant 0 : i32
      %dma_wait3A_1300 = arith.constant 0 : i32
      %dma_wait3A_1301 = tpu.memref_slice %arg9[%dma_wait3A_1297, %dma_wait3A_1299, %dma_wait3A_1300] : memref<11x32x128xf32, #tpu.memory_space<vmem>> -> memref<1x32x128xf32, #tpu.memory_space<vmem>>
      %dma_wait3A_1302 = tpu.memref_squeeze %dma_wait3A_1301 : memref<1x32x128xf32, #tpu.memory_space<vmem>> -> memref<32x128xf32, #tpu.memory_space<vmem>>
      %dma_wait3A_1303 = arith.constant 0 : i32
      %dma_wait3A_1304 = tpu.memref_slice %arg8[%select_n3A_351, %dma_wait3A_1303] : memref<2x32xi32, #tpu.memory_space<vmem>> -> memref<1x32xi32, #tpu.memory_space<vmem>>
      %dma_wait3A_1305 = tpu.memref_squeeze %dma_wait3A_1304 : memref<1x32xi32, #tpu.memory_space<vmem>> -> memref<32xi32, #tpu.memory_space<vmem>>
      %dma_wait3A_1306 = arith.constant 0 : i32
      %dma_wait3A_1307 = arith.constant 0 : i32
      %dma_wait3A_1308 = tpu.memref_slice %arg10[%dma_wait3A_1306, %dma_wait3A_1307] : memref<1024x128xf32, #tpu.memory_space<vmem_shared>> -> memref<1024x128xf32, #tpu.memory_space<vmem_shared>>
      %dma_wait3A_1309 = tpu.memref_slice %arg12[%dma_wait3A_1298] : memref<11x!tpu.dma_semaphore, #tpu.memory_space<semaphore_mem>> -> memref<1x!tpu.dma_semaphore, #tpu.memory_space<semaphore_mem>>
      %dma_wait3A_1310 = tpu.memref_squeeze %dma_wait3A_1309 : memref<1x!tpu.dma_semaphore, #tpu.memory_space<semaphore_mem>> -> memref<!tpu.dma_semaphore, #tpu.memory_space<semaphore_mem>>
      tpu.wait_indirect_dma semaphore(%dma_wait3A_1310 : memref<!tpu.dma_semaphore, #tpu.memory_space<semaphore_mem>>) src(%dma_wait3A_1302 : memref<32x128xf32, #tpu.memory_space<vmem>>) dst(%dma_wait3A_1308 : memref<1024x128xf32, #tpu.memory_space<vmem_shared>>)
      %add3A_1311 = arith.constant 1 : i32
      %add3A_1312 = arith.addi %add3A_337, %add3A_1311 : i32
      %jit3A_1313 = arith.constant 2 : i32
      %eq3A_1314 = arith.constant 0 : i32
      %eq3A_1315 = arith.cmpi eq, %jit3A_1313, %eq3A_1314 : i32
      %jit3A_1316 = arith.constant 1 : i32
      %select_n3A_1317 = arith.select %eq3A_1315, %jit3A_1316, %jit3A_1313 : i32
      %rem3A_1318 = arith.remsi %add3A_1312, %select_n3A_1317 : i32
      %ne3A_1319 = arith.constant 0 : i32
      %ne3A_1320 = arith.cmpi ne, %rem3A_1318, %ne3A_1319 : i32
      %lt3A_1321 = arith.constant 0 : i32
      %lt3A_1322 = arith.cmpi slt, %rem3A_1318, %lt3A_1321 : i32
      %lt3A_1323 = arith.constant 0 : i32
      %lt3A_1324 = arith.cmpi slt, %select_n3A_1317, %lt3A_1323 : i32
      %ne3A_1325 = arith.xori %lt3A_1322, %lt3A_1324 : i1
      %and3A_1326 = arith.andi %ne3A_1325, %ne3A_1320 : i1
      %add3A_1327 = arith.addi %rem3A_1318, %select_n3A_1317 : i32
      %select_n3A_1328 = arith.select %and3A_1326, %add3A_1327, %rem3A_1318 : i32
      %mul3A_1329 = arith.constant 352 : i32
      %mul3A_1330 = arith.muli %select_n3A_1328, %mul3A_1329 : i32
      %add3A_1331 = arith.constant 320 : i32
      %add3A_1332 = arith.addi %mul3A_1330, %add3A_1331 : i32
      %dma_start3A_1333 = arith.constant 10 : i32
      %dma_start3A_1334 = arith.constant 10 : i32
      %dma_start3A_1335 = arith.constant 0 : i32
      %dma_start3A_1336 = arith.constant 0 : i32
      %dma_start3A_1337 = tpu.memref_slice %arg9[%dma_start3A_1333, %dma_start3A_1335, %dma_start3A_1336] : memref<11x32x128xf32, #tpu.memory_space<vmem>> -> memref<1x32x128xf32, #tpu.memory_space<vmem>>
      %dma_start3A_1338 = tpu.memref_squeeze %dma_start3A_1337 : memref<1x32x128xf32, #tpu.memory_space<vmem>> -> memref<32x128xf32, #tpu.memory_space<vmem>>
      %dma_start3A_1339 = tpu.memref_slice %arg7[%add3A_1332] : memref<704xi32, #tpu.memory_space<vmem>> -> memref<32xi32, #tpu.memory_space<vmem>>
      %dma_start3A_1340 = arith.constant 0 : i32
      %dma_start3A_1341 = arith.constant 0 : i32
      %dma_start3A_1342 = tpu.memref_slice %arg4[%dma_start3A_1340, %dma_start3A_1341] : memref<100000x128xf32, #tpu.memory_space<hbm>> -> memref<100000x128xf32, #tpu.memory_space<hbm>>
      %dma_start3A_1343 = tpu.memref_slice %arg11[%dma_start3A_1334] : memref<11x!tpu.dma_semaphore, #tpu.memory_space<semaphore_mem>> -> memref<1x!tpu.dma_semaphore, #tpu.memory_space<semaphore_mem>>
      %dma_start3A_1344 = tpu.memref_squeeze %dma_start3A_1343 : memref<1x!tpu.dma_semaphore, #tpu.memory_space<semaphore_mem>> -> memref<!tpu.dma_semaphore, #tpu.memory_space<semaphore_mem>>
      tpu.enqueue_indirect_dma source(%dma_start3A_1342 : memref<100000x128xf32, #tpu.memory_space<hbm>>) target(%dma_start3A_1338 : memref<32x128xf32, #tpu.memory_space<vmem>>) offsets(%dma_start3A_1339 : memref<32xi32, #tpu.memory_space<vmem>>) semaphore(%dma_start3A_1344 : memref<!tpu.dma_semaphore, #tpu.memory_space<semaphore_mem>>)
      %dma_wait3A_1345 = arith.constant 0 : i32
      %dma_wait3A_1346 = arith.constant 0 : i32
      %dma_wait3A_1347 = arith.constant 0 : i32
      %dma_wait3A_1348 = tpu.memref_slice %arg9[%dma_wait3A_1345, %dma_wait3A_1346, %dma_wait3A_1347] : memref<11x32x128xf32, #tpu.memory_space<vmem>> -> memref<1x32x128xf32, #tpu.memory_space<vmem>>
      %dma_wait3A_1349 = tpu.memref_squeeze %dma_wait3A_1348 : memref<1x32x128xf32, #tpu.memory_space<vmem>> -> memref<32x128xf32, #tpu.memory_space<vmem>>
      %dma_wait3A_1350 = arith.constant 0 : i32
      %dma_wait3A_1351 = tpu.memref_slice %arg5[%mul3A_342, %dma_wait3A_1350] : memref<50176x128xf32, #tpu.memory_space<hbm>> -> memref<32x128xf32, #tpu.memory_space<hbm>>
      %dma_wait3A_1352 = arith.constant 0 : i32
      %dma_wait3A_1353 = tpu.memref_slice %arg5[%mul3A_342, %dma_wait3A_1352] : memref<50176x128xf32, #tpu.memory_space<hbm>> -> memref<32x128xf32, #tpu.memory_space<hbm>>
      %dma_wait3A_1354 = arith.constant 0 : i32
      %dma_wait3A_1355 = arith.constant 0 : i32
      %dma_wait3A_1356 = tpu.memref_slice %arg9[%dma_wait3A_1345, %dma_wait3A_1354, %dma_wait3A_1355] : memref<11x32x128xf32, #tpu.memory_space<vmem>> -> memref<1x32x128xf32, #tpu.memory_space<vmem>>
      %dma_wait3A_1357 = tpu.memref_squeeze %dma_wait3A_1356 : memref<1x32x128xf32, #tpu.memory_space<vmem>> -> memref<32x128xf32, #tpu.memory_space<vmem>>
      tpu.wait_dma2 semaphore(%arg14 : memref<!tpu.dma_semaphore, #tpu.memory_space<semaphore_mem>>) src(%dma_wait3A_1357 : memref<32x128xf32, #tpu.memory_space<vmem>>) dst(%dma_wait3A_1353 : memref<32x128xf32, #tpu.memory_space<hbm>>)
      %add3A_1358 = arith.constant 1 : i32
      %add3A_1359 = arith.addi %add3A_337, %add3A_1358 : i32
      %jit3A_1360 = arith.constant 2 : i32
      %eq3A_1361 = arith.constant 0 : i32
      %eq3A_1362 = arith.cmpi eq, %jit3A_1360, %eq3A_1361 : i32
      %jit3A_1363 = arith.constant 1 : i32
      %select_n3A_1364 = arith.select %eq3A_1362, %jit3A_1363, %jit3A_1360 : i32
      %rem3A_1365 = arith.remsi %add3A_1359, %select_n3A_1364 : i32
      %ne3A_1366 = arith.constant 0 : i32
      %ne3A_1367 = arith.cmpi ne, %rem3A_1365, %ne3A_1366 : i32
      %lt3A_1368 = arith.constant 0 : i32
      %lt3A_1369 = arith.cmpi slt, %rem3A_1365, %lt3A_1368 : i32
      %lt3A_1370 = arith.constant 0 : i32
      %lt3A_1371 = arith.cmpi slt, %select_n3A_1364, %lt3A_1370 : i32
      %ne3A_1372 = arith.xori %lt3A_1369, %lt3A_1371 : i1
      %and3A_1373 = arith.andi %ne3A_1372, %ne3A_1367 : i1
      %add3A_1374 = arith.addi %rem3A_1365, %select_n3A_1364 : i32
      %select_n3A_1375 = arith.select %and3A_1373, %add3A_1374, %rem3A_1365 : i32
      %mul3A_1376 = arith.constant 352 : i32
      %mul3A_1377 = arith.muli %select_n3A_1375, %mul3A_1376 : i32
      %add3A_1378 = arith.constant 0 : i32
      %add3A_1379 = arith.addi %mul3A_1377, %add3A_1378 : i32
      %dma_start3A_1380 = arith.constant 0 : i32
      %dma_start3A_1381 = arith.constant 0 : i32
      %dma_start3A_1382 = arith.constant 0 : i32
      %dma_start3A_1383 = arith.constant 0 : i32
      %dma_start3A_1384 = tpu.memref_slice %arg9[%dma_start3A_1380, %dma_start3A_1382, %dma_start3A_1383] : memref<11x32x128xf32, #tpu.memory_space<vmem>> -> memref<1x32x128xf32, #tpu.memory_space<vmem>>
      %dma_start3A_1385 = tpu.memref_squeeze %dma_start3A_1384 : memref<1x32x128xf32, #tpu.memory_space<vmem>> -> memref<32x128xf32, #tpu.memory_space<vmem>>
      %dma_start3A_1386 = tpu.memref_slice %arg7[%add3A_1379] : memref<704xi32, #tpu.memory_space<vmem>> -> memref<32xi32, #tpu.memory_space<vmem>>
      %dma_start3A_1387 = arith.constant 0 : i32
      %dma_start3A_1388 = arith.constant 0 : i32
      %dma_start3A_1389 = tpu.memref_slice %arg4[%dma_start3A_1387, %dma_start3A_1388] : memref<100000x128xf32, #tpu.memory_space<hbm>> -> memref<100000x128xf32, #tpu.memory_space<hbm>>
      %dma_start3A_1390 = tpu.memref_slice %arg11[%dma_start3A_1381] : memref<11x!tpu.dma_semaphore, #tpu.memory_space<semaphore_mem>> -> memref<1x!tpu.dma_semaphore, #tpu.memory_space<semaphore_mem>>
      %dma_start3A_1391 = tpu.memref_squeeze %dma_start3A_1390 : memref<1x!tpu.dma_semaphore, #tpu.memory_space<semaphore_mem>> -> memref<!tpu.dma_semaphore, #tpu.memory_space<semaphore_mem>>
      tpu.enqueue_indirect_dma source(%dma_start3A_1389 : memref<100000x128xf32, #tpu.memory_space<hbm>>) target(%dma_start3A_1385 : memref<32x128xf32, #tpu.memory_space<vmem>>) offsets(%dma_start3A_1386 : memref<32xi32, #tpu.memory_space<vmem>>) semaphore(%dma_start3A_1391 : memref<!tpu.dma_semaphore, #tpu.memory_space<semaphore_mem>>)
      %add3A_1392 = arith.constant 1 : i32
      %add3A_1393 = arith.addi %add3A_337, %add3A_1392 : i32
      %jit3A_1394 = arith.constant 2 : i32
      %eq3A_1395 = arith.constant 0 : i32
      %eq3A_1396 = arith.cmpi eq, %jit3A_1394, %eq3A_1395 : i32
      %jit3A_1397 = arith.constant 1 : i32
      %select_n3A_1398 = arith.select %eq3A_1396, %jit3A_1397, %jit3A_1394 : i32
      %rem3A_1399 = arith.remsi %add3A_1393, %select_n3A_1398 : i32
      %ne3A_1400 = arith.constant 0 : i32
      %ne3A_1401 = arith.cmpi ne, %rem3A_1399, %ne3A_1400 : i32
      %lt3A_1402 = arith.constant 0 : i32
      %lt3A_1403 = arith.cmpi slt, %rem3A_1399, %lt3A_1402 : i32
      %lt3A_1404 = arith.constant 0 : i32
      %lt3A_1405 = arith.cmpi slt, %select_n3A_1398, %lt3A_1404 : i32
      %ne3A_1406 = arith.xori %lt3A_1403, %lt3A_1405 : i1
      %and3A_1407 = arith.andi %ne3A_1406, %ne3A_1401 : i1
      %add3A_1408 = arith.addi %rem3A_1399, %select_n3A_1398 : i32
      %select_n3A_1409 = arith.select %and3A_1407, %add3A_1408, %rem3A_1399 : i32
      %mul3A_1410 = arith.constant 352 : i32
      %mul3A_1411 = arith.muli %select_n3A_1409, %mul3A_1410 : i32
      %add3A_1412 = arith.constant 32 : i32
      %add3A_1413 = arith.addi %mul3A_1411, %add3A_1412 : i32
      %dma_start3A_1414 = arith.constant 1 : i32
      %dma_start3A_1415 = arith.constant 1 : i32
      %dma_start3A_1416 = arith.constant 0 : i32
      %dma_start3A_1417 = arith.constant 0 : i32
      %dma_start3A_1418 = tpu.memref_slice %arg9[%dma_start3A_1414, %dma_start3A_1416, %dma_start3A_1417] : memref<11x32x128xf32, #tpu.memory_space<vmem>> -> memref<1x32x128xf32, #tpu.memory_space<vmem>>
      %dma_start3A_1419 = tpu.memref_squeeze %dma_start3A_1418 : memref<1x32x128xf32, #tpu.memory_space<vmem>> -> memref<32x128xf32, #tpu.memory_space<vmem>>
      %dma_start3A_1420 = tpu.memref_slice %arg7[%add3A_1413] : memref<704xi32, #tpu.memory_space<vmem>> -> memref<32xi32, #tpu.memory_space<vmem>>
      %dma_start3A_1421 = arith.constant 0 : i32
      %dma_start3A_1422 = arith.constant 0 : i32
      %dma_start3A_1423 = tpu.memref_slice %arg4[%dma_start3A_1421, %dma_start3A_1422] : memref<100000x128xf32, #tpu.memory_space<hbm>> -> memref<100000x128xf32, #tpu.memory_space<hbm>>
      %dma_start3A_1424 = tpu.memref_slice %arg11[%dma_start3A_1415] : memref<11x!tpu.dma_semaphore, #tpu.memory_space<semaphore_mem>> -> memref<1x!tpu.dma_semaphore, #tpu.memory_space<semaphore_mem>>
      %dma_start3A_1425 = tpu.memref_squeeze %dma_start3A_1424 : memref<1x!tpu.dma_semaphore, #tpu.memory_space<semaphore_mem>> -> memref<!tpu.dma_semaphore, #tpu.memory_space<semaphore_mem>>
      tpu.enqueue_indirect_dma source(%dma_start3A_1423 : memref<100000x128xf32, #tpu.memory_space<hbm>>) target(%dma_start3A_1419 : memref<32x128xf32, #tpu.memory_space<vmem>>) offsets(%dma_start3A_1420 : memref<32xi32, #tpu.memory_space<vmem>>) semaphore(%dma_start3A_1425 : memref<!tpu.dma_semaphore, #tpu.memory_space<semaphore_mem>>)
      %sub3A_1426 = arith.constant 1 : i32
      %sub3A_1427 = arith.subi %add3A_337, %sub3A_1426 : i32
      %max3A = arith.constant 0 : i32
      %max3A_1428 = arith.maxsi %sub3A_1427, %max3A : i32
      %mul3A_1429 = arith.constant 2 : i32
      %mul3A_1430 = arith.muli %arg1, %mul3A_1429 : i32
      %jit3A_1431 = arith.constant 2 : i32
      %eq3A_1432 = arith.constant 0 : i32
      %eq3A_1433 = arith.cmpi eq, %jit3A_1431, %eq3A_1432 : i32
      %jit3A_1434 = arith.constant 1 : i32
      %select_n3A_1435 = arith.select %eq3A_1433, %jit3A_1434, %jit3A_1431 : i32
      %rem3A_1436 = arith.remsi %max3A_1428, %select_n3A_1435 : i32
      %ne3A_1437 = arith.constant 0 : i32
      %ne3A_1438 = arith.cmpi ne, %rem3A_1436, %ne3A_1437 : i32
      %lt3A_1439 = arith.constant 0 : i32
      %lt3A_1440 = arith.cmpi slt, %rem3A_1436, %lt3A_1439 : i32
      %lt3A_1441 = arith.constant 0 : i32
      %lt3A_1442 = arith.cmpi slt, %select_n3A_1435, %lt3A_1441 : i32
      %ne3A_1443 = arith.xori %lt3A_1440, %lt3A_1442 : i1
      %and3A_1444 = arith.andi %ne3A_1443, %ne3A_1438 : i1
      %add3A_1445 = arith.addi %rem3A_1436, %select_n3A_1435 : i32
      %select_n3A_1446 = arith.select %and3A_1444, %add3A_1445, %rem3A_1436 : i32
      %add3A_1447 = arith.addi %mul3A_1430, %select_n3A_1446 : i32
      %mul3A_1448 = arith.constant 32 : i32
      %mul3A_1449 = arith.muli %add3A_1447, %mul3A_1448 : i32
      %mul3A_1450 = arith.constant 49 : i32
      %mul3A_1451 = arith.muli %add3A, %mul3A_1450 : i32
      %add3A_1452 = arith.addi %mul3A_1451, %max3A_1428 : i32
      %mul3A_1453 = arith.constant 32 : i32
      %mul3A_1454 = arith.muli %add3A_1452, %mul3A_1453 : i32
      "tpu.region"() ({
        %run_scoped3A_1455 = tpu.sem_alloc : memref<!tpu.dma_semaphore, #tpu.memory_space<semaphore_mem>>
        %dma_start3A_1456 = arith.constant 0 : i32
        %dma_start3A_1457 = tpu.memref_slice %arg6[%mul3A_1454, %dma_start3A_1456] : memref<50176x128xf32, #tpu.memory_space<hbm>> -> memref<32x128xf32, #tpu.memory_space<hbm>>
        %dma_start3A_1458 = arith.constant 0 : i32
        %dma_start3A_1459 = tpu.memref_slice %arg10[%mul3A_1449, %dma_start3A_1458] : memref<1024x128xf32, #tpu.memory_space<vmem_shared>> -> memref<32x128xf32, #tpu.memory_space<vmem_shared>>
        tpu.enqueue_dma source(%dma_start3A_1459 : memref<32x128xf32, #tpu.memory_space<vmem_shared>>) target(%dma_start3A_1457 : memref<32x128xf32, #tpu.memory_space<hbm>>) target_semaphore(%run_scoped3A_1455 : memref<!tpu.dma_semaphore, #tpu.memory_space<semaphore_mem>>)
        %dma_wait3A_1460 = arith.constant 0 : i32
        %dma_wait3A_1461 = tpu.memref_slice %arg6[%mul3A_1454, %dma_wait3A_1460] : memref<50176x128xf32, #tpu.memory_space<hbm>> -> memref<32x128xf32, #tpu.memory_space<hbm>>
        %dma_wait3A_1462 = arith.constant 0 : i32
        %dma_wait3A_1463 = tpu.memref_slice %arg10[%mul3A_1449, %dma_wait3A_1462] : memref<1024x128xf32, #tpu.memory_space<vmem_shared>> -> memref<32x128xf32, #tpu.memory_space<vmem_shared>>
        tpu.wait_dma2 semaphore(%run_scoped3A_1455 : memref<!tpu.dma_semaphore, #tpu.memory_space<semaphore_mem>>) src(%dma_wait3A_1463 : memref<32x128xf32, #tpu.memory_space<vmem_shared>>) dst(%dma_wait3A_1461 : memref<32x128xf32, #tpu.memory_space<hbm>>)
        tpu.yield
      }) : () -> ()
    }
    %scan3A_176 = arith.constant 49 : i32
    %mul3A_177 = arith.constant 2 : i32
    %mul3A_178 = arith.muli %arg1, %mul3A_177 : i32
    %add3A_179 = arith.constant 0 : i32
    %add3A_180 = arith.addi %mul3A_178, %add3A_179 : i32
    %mul3A_181 = arith.constant 32 : i32
    %mul3A_182 = arith.muli %add3A_180, %mul3A_181 : i32
    %mul3A_183 = arith.constant 49 : i32
    %mul3A_184 = arith.muli %add3A, %mul3A_183 : i32
    %add3A_185 = arith.constant 49 : i32
    %add3A_186 = arith.addi %mul3A_184, %add3A_185 : i32
    %sub3A = arith.constant 1 : i32
    %sub3A_187 = arith.subi %add3A_186, %sub3A : i32
    %mul3A_188 = arith.constant 32 : i32
    %mul3A_189 = arith.muli %sub3A_187, %mul3A_188 : i32
    "tpu.region"() ({
      %run_scoped3A_333 = tpu.sem_alloc : memref<!tpu.dma_semaphore, #tpu.memory_space<semaphore_mem>>
      %dma_start3A_334 = arith.constant 0 : i32
      %dma_start3A_335 = tpu.memref_slice %arg6[%mul3A_189, %dma_start3A_334] : memref<50176x128xf32, #tpu.memory_space<hbm>> -> memref<32x128xf32, #tpu.memory_space<hbm>>
      %dma_start3A_336 = arith.constant 0 : i32
      %dma_start3A_337 = tpu.memref_slice %arg10[%mul3A_182, %dma_start3A_336] : memref<1024x128xf32, #tpu.memory_space<vmem_shared>> -> memref<32x128xf32, #tpu.memory_space<vmem_shared>>
      tpu.enqueue_dma source(%dma_start3A_337 : memref<32x128xf32, #tpu.memory_space<vmem_shared>>) target(%dma_start3A_335 : memref<32x128xf32, #tpu.memory_space<hbm>>) target_semaphore(%run_scoped3A_333 : memref<!tpu.dma_semaphore, #tpu.memory_space<semaphore_mem>>)
      %dma_wait3A_338 = arith.constant 0 : i32
      %dma_wait3A_339 = tpu.memref_slice %arg6[%mul3A_189, %dma_wait3A_338] : memref<50176x128xf32, #tpu.memory_space<hbm>> -> memref<32x128xf32, #tpu.memory_space<hbm>>
      %dma_wait3A_340 = arith.constant 0 : i32
      %dma_wait3A_341 = tpu.memref_slice %arg10[%mul3A_182, %dma_wait3A_340] : memref<1024x128xf32, #tpu.memory_space<vmem_shared>> -> memref<32x128xf32, #tpu.memory_space<vmem_shared>>
      tpu.wait_dma2 semaphore(%run_scoped3A_333 : memref<!tpu.dma_semaphore, #tpu.memory_space<semaphore_mem>>) src(%dma_wait3A_341 : memref<32x128xf32, #tpu.memory_space<vmem_shared>>) dst(%dma_wait3A_339 : memref<32x128xf32, #tpu.memory_space<hbm>>)
      tpu.yield
    }) : () -> ()
    %dma_wait3A_190 = arith.constant 0 : i32
    %dma_wait3A_191 = arith.constant 0 : i32
    %dma_wait3A_192 = arith.constant 0 : i32
    %dma_wait3A_193 = arith.constant 0 : i32
    %dma_wait3A_194 = tpu.memref_slice %arg9[%dma_wait3A_190, %dma_wait3A_192, %dma_wait3A_193] : memref<11x32x128xf32, #tpu.memory_space<vmem>> -> memref<1x32x128xf32, #tpu.memory_space<vmem>>
    %dma_wait3A_195 = tpu.memref_squeeze %dma_wait3A_194 : memref<1x32x128xf32, #tpu.memory_space<vmem>> -> memref<32x128xf32, #tpu.memory_space<vmem>>
    %dma_wait3A_196 = arith.constant 352 : i32
    %dma_wait3A_197 = tpu.memref_slice %arg7[%dma_wait3A_196] : memref<704xi32, #tpu.memory_space<vmem>> -> memref<32xi32, #tpu.memory_space<vmem>>
    %dma_wait3A_198 = arith.constant 0 : i32
    %dma_wait3A_199 = arith.constant 0 : i32
    %dma_wait3A_200 = tpu.memref_slice %arg4[%dma_wait3A_198, %dma_wait3A_199] : memref<100000x128xf32, #tpu.memory_space<hbm>> -> memref<100000x128xf32, #tpu.memory_space<hbm>>
    %dma_wait3A_201 = tpu.memref_slice %arg11[%dma_wait3A_191] : memref<11x!tpu.dma_semaphore, #tpu.memory_space<semaphore_mem>> -> memref<1x!tpu.dma_semaphore, #tpu.memory_space<semaphore_mem>>
    %dma_wait3A_202 = tpu.memref_squeeze %dma_wait3A_201 : memref<1x!tpu.dma_semaphore, #tpu.memory_space<semaphore_mem>> -> memref<!tpu.dma_semaphore, #tpu.memory_space<semaphore_mem>>
    tpu.wait_indirect_dma semaphore(%dma_wait3A_202 : memref<!tpu.dma_semaphore, #tpu.memory_space<semaphore_mem>>) src(%dma_wait3A_200 : memref<100000x128xf32, #tpu.memory_space<hbm>>) dst(%dma_wait3A_195 : memref<32x128xf32, #tpu.memory_space<vmem>>)
    %dma_wait3A_203 = arith.constant 1 : i32
    %dma_wait3A_204 = arith.constant 1 : i32
    %dma_wait3A_205 = arith.constant 0 : i32
    %dma_wait3A_206 = arith.constant 0 : i32
    %dma_wait3A_207 = tpu.memref_slice %arg9[%dma_wait3A_203, %dma_wait3A_205, %dma_wait3A_206] : memref<11x32x128xf32, #tpu.memory_space<vmem>> -> memref<1x32x128xf32, #tpu.memory_space<vmem>>
    %dma_wait3A_208 = tpu.memref_squeeze %dma_wait3A_207 : memref<1x32x128xf32, #tpu.memory_space<vmem>> -> memref<32x128xf32, #tpu.memory_space<vmem>>
    %dma_wait3A_209 = arith.constant 384 : i32
    %dma_wait3A_210 = tpu.memref_slice %arg7[%dma_wait3A_209] : memref<704xi32, #tpu.memory_space<vmem>> -> memref<32xi32, #tpu.memory_space<vmem>>
    %dma_wait3A_211 = arith.constant 0 : i32
    %dma_wait3A_212 = arith.constant 0 : i32
    %dma_wait3A_213 = tpu.memref_slice %arg4[%dma_wait3A_211, %dma_wait3A_212] : memref<100000x128xf32, #tpu.memory_space<hbm>> -> memref<100000x128xf32, #tpu.memory_space<hbm>>
    %dma_wait3A_214 = tpu.memref_slice %arg11[%dma_wait3A_204] : memref<11x!tpu.dma_semaphore, #tpu.memory_space<semaphore_mem>> -> memref<1x!tpu.dma_semaphore, #tpu.memory_space<semaphore_mem>>
    %dma_wait3A_215 = tpu.memref_squeeze %dma_wait3A_214 : memref<1x!tpu.dma_semaphore, #tpu.memory_space<semaphore_mem>> -> memref<!tpu.dma_semaphore, #tpu.memory_space<semaphore_mem>>
    tpu.wait_indirect_dma semaphore(%dma_wait3A_215 : memref<!tpu.dma_semaphore, #tpu.memory_space<semaphore_mem>>) src(%dma_wait3A_213 : memref<100000x128xf32, #tpu.memory_space<hbm>>) dst(%dma_wait3A_208 : memref<32x128xf32, #tpu.memory_space<vmem>>)
    %dma_wait3A_216 = arith.constant 2 : i32
    %dma_wait3A_217 = arith.constant 2 : i32
    %dma_wait3A_218 = arith.constant 0 : i32
    %dma_wait3A_219 = arith.constant 0 : i32
    %dma_wait3A_220 = tpu.memref_slice %arg9[%dma_wait3A_216, %dma_wait3A_218, %dma_wait3A_219] : memref<11x32x128xf32, #tpu.memory_space<vmem>> -> memref<1x32x128xf32, #tpu.memory_space<vmem>>
    %dma_wait3A_221 = tpu.memref_squeeze %dma_wait3A_220 : memref<1x32x128xf32, #tpu.memory_space<vmem>> -> memref<32x128xf32, #tpu.memory_space<vmem>>
    %dma_wait3A_222 = arith.constant 416 : i32
    %dma_wait3A_223 = tpu.memref_slice %arg7[%dma_wait3A_222] : memref<704xi32, #tpu.memory_space<vmem>> -> memref<32xi32, #tpu.memory_space<vmem>>
    %dma_wait3A_224 = arith.constant 0 : i32
    %dma_wait3A_225 = arith.constant 0 : i32
    %dma_wait3A_226 = tpu.memref_slice %arg4[%dma_wait3A_224, %dma_wait3A_225] : memref<100000x128xf32, #tpu.memory_space<hbm>> -> memref<100000x128xf32, #tpu.memory_space<hbm>>
    %dma_wait3A_227 = tpu.memref_slice %arg11[%dma_wait3A_217] : memref<11x!tpu.dma_semaphore, #tpu.memory_space<semaphore_mem>> -> memref<1x!tpu.dma_semaphore, #tpu.memory_space<semaphore_mem>>
    %dma_wait3A_228 = tpu.memref_squeeze %dma_wait3A_227 : memref<1x!tpu.dma_semaphore, #tpu.memory_space<semaphore_mem>> -> memref<!tpu.dma_semaphore, #tpu.memory_space<semaphore_mem>>
    tpu.wait_indirect_dma semaphore(%dma_wait3A_228 : memref<!tpu.dma_semaphore, #tpu.memory_space<semaphore_mem>>) src(%dma_wait3A_226 : memref<100000x128xf32, #tpu.memory_space<hbm>>) dst(%dma_wait3A_221 : memref<32x128xf32, #tpu.memory_space<vmem>>)
    %dma_wait3A_229 = arith.constant 3 : i32
    %dma_wait3A_230 = arith.constant 3 : i32
    %dma_wait3A_231 = arith.constant 0 : i32
    %dma_wait3A_232 = arith.constant 0 : i32
    %dma_wait3A_233 = tpu.memref_slice %arg9[%dma_wait3A_229, %dma_wait3A_231, %dma_wait3A_232] : memref<11x32x128xf32, #tpu.memory_space<vmem>> -> memref<1x32x128xf32, #tpu.memory_space<vmem>>
    %dma_wait3A_234 = tpu.memref_squeeze %dma_wait3A_233 : memref<1x32x128xf32, #tpu.memory_space<vmem>> -> memref<32x128xf32, #tpu.memory_space<vmem>>
    %dma_wait3A_235 = arith.constant 448 : i32
    %dma_wait3A_236 = tpu.memref_slice %arg7[%dma_wait3A_235] : memref<704xi32, #tpu.memory_space<vmem>> -> memref<32xi32, #tpu.memory_space<vmem>>
    %dma_wait3A_237 = arith.constant 0 : i32
    %dma_wait3A_238 = arith.constant 0 : i32
    %dma_wait3A_239 = tpu.memref_slice %arg4[%dma_wait3A_237, %dma_wait3A_238] : memref<100000x128xf32, #tpu.memory_space<hbm>> -> memref<100000x128xf32, #tpu.memory_space<hbm>>
    %dma_wait3A_240 = tpu.memref_slice %arg11[%dma_wait3A_230] : memref<11x!tpu.dma_semaphore, #tpu.memory_space<semaphore_mem>> -> memref<1x!tpu.dma_semaphore, #tpu.memory_space<semaphore_mem>>
    %dma_wait3A_241 = tpu.memref_squeeze %dma_wait3A_240 : memref<1x!tpu.dma_semaphore, #tpu.memory_space<semaphore_mem>> -> memref<!tpu.dma_semaphore, #tpu.memory_space<semaphore_mem>>
    tpu.wait_indirect_dma semaphore(%dma_wait3A_241 : memref<!tpu.dma_semaphore, #tpu.memory_space<semaphore_mem>>) src(%dma_wait3A_239 : memref<100000x128xf32, #tpu.memory_space<hbm>>) dst(%dma_wait3A_234 : memref<32x128xf32, #tpu.memory_space<vmem>>)
    %dma_wait3A_242 = arith.constant 4 : i32
    %dma_wait3A_243 = arith.constant 4 : i32
    %dma_wait3A_244 = arith.constant 0 : i32
    %dma_wait3A_245 = arith.constant 0 : i32
    %dma_wait3A_246 = tpu.memref_slice %arg9[%dma_wait3A_242, %dma_wait3A_244, %dma_wait3A_245] : memref<11x32x128xf32, #tpu.memory_space<vmem>> -> memref<1x32x128xf32, #tpu.memory_space<vmem>>
    %dma_wait3A_247 = tpu.memref_squeeze %dma_wait3A_246 : memref<1x32x128xf32, #tpu.memory_space<vmem>> -> memref<32x128xf32, #tpu.memory_space<vmem>>
    %dma_wait3A_248 = arith.constant 480 : i32
    %dma_wait3A_249 = tpu.memref_slice %arg7[%dma_wait3A_248] : memref<704xi32, #tpu.memory_space<vmem>> -> memref<32xi32, #tpu.memory_space<vmem>>
    %dma_wait3A_250 = arith.constant 0 : i32
    %dma_wait3A_251 = arith.constant 0 : i32
    %dma_wait3A_252 = tpu.memref_slice %arg4[%dma_wait3A_250, %dma_wait3A_251] : memref<100000x128xf32, #tpu.memory_space<hbm>> -> memref<100000x128xf32, #tpu.memory_space<hbm>>
    %dma_wait3A_253 = tpu.memref_slice %arg11[%dma_wait3A_243] : memref<11x!tpu.dma_semaphore, #tpu.memory_space<semaphore_mem>> -> memref<1x!tpu.dma_semaphore, #tpu.memory_space<semaphore_mem>>
    %dma_wait3A_254 = tpu.memref_squeeze %dma_wait3A_253 : memref<1x!tpu.dma_semaphore, #tpu.memory_space<semaphore_mem>> -> memref<!tpu.dma_semaphore, #tpu.memory_space<semaphore_mem>>
    tpu.wait_indirect_dma semaphore(%dma_wait3A_254 : memref<!tpu.dma_semaphore, #tpu.memory_space<semaphore_mem>>) src(%dma_wait3A_252 : memref<100000x128xf32, #tpu.memory_space<hbm>>) dst(%dma_wait3A_247 : memref<32x128xf32, #tpu.memory_space<vmem>>)
    %dma_wait3A_255 = arith.constant 5 : i32
    %dma_wait3A_256 = arith.constant 5 : i32
    %dma_wait3A_257 = arith.constant 0 : i32
    %dma_wait3A_258 = arith.constant 0 : i32
    %dma_wait3A_259 = tpu.memref_slice %arg9[%dma_wait3A_255, %dma_wait3A_257, %dma_wait3A_258] : memref<11x32x128xf32, #tpu.memory_space<vmem>> -> memref<1x32x128xf32, #tpu.memory_space<vmem>>
    %dma_wait3A_260 = tpu.memref_squeeze %dma_wait3A_259 : memref<1x32x128xf32, #tpu.memory_space<vmem>> -> memref<32x128xf32, #tpu.memory_space<vmem>>
    %dma_wait3A_261 = arith.constant 512 : i32
    %dma_wait3A_262 = tpu.memref_slice %arg7[%dma_wait3A_261] : memref<704xi32, #tpu.memory_space<vmem>> -> memref<32xi32, #tpu.memory_space<vmem>>
    %dma_wait3A_263 = arith.constant 0 : i32
    %dma_wait3A_264 = arith.constant 0 : i32
    %dma_wait3A_265 = tpu.memref_slice %arg4[%dma_wait3A_263, %dma_wait3A_264] : memref<100000x128xf32, #tpu.memory_space<hbm>> -> memref<100000x128xf32, #tpu.memory_space<hbm>>
    %dma_wait3A_266 = tpu.memref_slice %arg11[%dma_wait3A_256] : memref<11x!tpu.dma_semaphore, #tpu.memory_space<semaphore_mem>> -> memref<1x!tpu.dma_semaphore, #tpu.memory_space<semaphore_mem>>
    %dma_wait3A_267 = tpu.memref_squeeze %dma_wait3A_266 : memref<1x!tpu.dma_semaphore, #tpu.memory_space<semaphore_mem>> -> memref<!tpu.dma_semaphore, #tpu.memory_space<semaphore_mem>>
    tpu.wait_indirect_dma semaphore(%dma_wait3A_267 : memref<!tpu.dma_semaphore, #tpu.memory_space<semaphore_mem>>) src(%dma_wait3A_265 : memref<100000x128xf32, #tpu.memory_space<hbm>>) dst(%dma_wait3A_260 : memref<32x128xf32, #tpu.memory_space<vmem>>)
    %dma_wait3A_268 = arith.constant 6 : i32
    %dma_wait3A_269 = arith.constant 6 : i32
    %dma_wait3A_270 = arith.constant 0 : i32
    %dma_wait3A_271 = arith.constant 0 : i32
    %dma_wait3A_272 = tpu.memref_slice %arg9[%dma_wait3A_268, %dma_wait3A_270, %dma_wait3A_271] : memref<11x32x128xf32, #tpu.memory_space<vmem>> -> memref<1x32x128xf32, #tpu.memory_space<vmem>>
    %dma_wait3A_273 = tpu.memref_squeeze %dma_wait3A_272 : memref<1x32x128xf32, #tpu.memory_space<vmem>> -> memref<32x128xf32, #tpu.memory_space<vmem>>
    %dma_wait3A_274 = arith.constant 544 : i32
    %dma_wait3A_275 = tpu.memref_slice %arg7[%dma_wait3A_274] : memref<704xi32, #tpu.memory_space<vmem>> -> memref<32xi32, #tpu.memory_space<vmem>>
    %dma_wait3A_276 = arith.constant 0 : i32
    %dma_wait3A_277 = arith.constant 0 : i32
    %dma_wait3A_278 = tpu.memref_slice %arg4[%dma_wait3A_276, %dma_wait3A_277] : memref<100000x128xf32, #tpu.memory_space<hbm>> -> memref<100000x128xf32, #tpu.memory_space<hbm>>
    %dma_wait3A_279 = tpu.memref_slice %arg11[%dma_wait3A_269] : memref<11x!tpu.dma_semaphore, #tpu.memory_space<semaphore_mem>> -> memref<1x!tpu.dma_semaphore, #tpu.memory_space<semaphore_mem>>
    %dma_wait3A_280 = tpu.memref_squeeze %dma_wait3A_279 : memref<1x!tpu.dma_semaphore, #tpu.memory_space<semaphore_mem>> -> memref<!tpu.dma_semaphore, #tpu.memory_space<semaphore_mem>>
    tpu.wait_indirect_dma semaphore(%dma_wait3A_280 : memref<!tpu.dma_semaphore, #tpu.memory_space<semaphore_mem>>) src(%dma_wait3A_278 : memref<100000x128xf32, #tpu.memory_space<hbm>>) dst(%dma_wait3A_273 : memref<32x128xf32, #tpu.memory_space<vmem>>)
    %dma_wait3A_281 = arith.constant 7 : i32
    %dma_wait3A_282 = arith.constant 7 : i32
    %dma_wait3A_283 = arith.constant 0 : i32
    %dma_wait3A_284 = arith.constant 0 : i32
    %dma_wait3A_285 = tpu.memref_slice %arg9[%dma_wait3A_281, %dma_wait3A_283, %dma_wait3A_284] : memref<11x32x128xf32, #tpu.memory_space<vmem>> -> memref<1x32x128xf32, #tpu.memory_space<vmem>>
    %dma_wait3A_286 = tpu.memref_squeeze %dma_wait3A_285 : memref<1x32x128xf32, #tpu.memory_space<vmem>> -> memref<32x128xf32, #tpu.memory_space<vmem>>
    %dma_wait3A_287 = arith.constant 576 : i32
    %dma_wait3A_288 = tpu.memref_slice %arg7[%dma_wait3A_287] : memref<704xi32, #tpu.memory_space<vmem>> -> memref<32xi32, #tpu.memory_space<vmem>>
    %dma_wait3A_289 = arith.constant 0 : i32
    %dma_wait3A_290 = arith.constant 0 : i32
    %dma_wait3A_291 = tpu.memref_slice %arg4[%dma_wait3A_289, %dma_wait3A_290] : memref<100000x128xf32, #tpu.memory_space<hbm>> -> memref<100000x128xf32, #tpu.memory_space<hbm>>
    %dma_wait3A_292 = tpu.memref_slice %arg11[%dma_wait3A_282] : memref<11x!tpu.dma_semaphore, #tpu.memory_space<semaphore_mem>> -> memref<1x!tpu.dma_semaphore, #tpu.memory_space<semaphore_mem>>
    %dma_wait3A_293 = tpu.memref_squeeze %dma_wait3A_292 : memref<1x!tpu.dma_semaphore, #tpu.memory_space<semaphore_mem>> -> memref<!tpu.dma_semaphore, #tpu.memory_space<semaphore_mem>>
    tpu.wait_indirect_dma semaphore(%dma_wait3A_293 : memref<!tpu.dma_semaphore, #tpu.memory_space<semaphore_mem>>) src(%dma_wait3A_291 : memref<100000x128xf32, #tpu.memory_space<hbm>>) dst(%dma_wait3A_286 : memref<32x128xf32, #tpu.memory_space<vmem>>)
    %dma_wait3A_294 = arith.constant 8 : i32
    %dma_wait3A_295 = arith.constant 8 : i32
    %dma_wait3A_296 = arith.constant 0 : i32
    %dma_wait3A_297 = arith.constant 0 : i32
    %dma_wait3A_298 = tpu.memref_slice %arg9[%dma_wait3A_294, %dma_wait3A_296, %dma_wait3A_297] : memref<11x32x128xf32, #tpu.memory_space<vmem>> -> memref<1x32x128xf32, #tpu.memory_space<vmem>>
    %dma_wait3A_299 = tpu.memref_squeeze %dma_wait3A_298 : memref<1x32x128xf32, #tpu.memory_space<vmem>> -> memref<32x128xf32, #tpu.memory_space<vmem>>
    %dma_wait3A_300 = arith.constant 608 : i32
    %dma_wait3A_301 = tpu.memref_slice %arg7[%dma_wait3A_300] : memref<704xi32, #tpu.memory_space<vmem>> -> memref<32xi32, #tpu.memory_space<vmem>>
    %dma_wait3A_302 = arith.constant 0 : i32
    %dma_wait3A_303 = arith.constant 0 : i32
    %dma_wait3A_304 = tpu.memref_slice %arg4[%dma_wait3A_302, %dma_wait3A_303] : memref<100000x128xf32, #tpu.memory_space<hbm>> -> memref<100000x128xf32, #tpu.memory_space<hbm>>
    %dma_wait3A_305 = tpu.memref_slice %arg11[%dma_wait3A_295] : memref<11x!tpu.dma_semaphore, #tpu.memory_space<semaphore_mem>> -> memref<1x!tpu.dma_semaphore, #tpu.memory_space<semaphore_mem>>
    %dma_wait3A_306 = tpu.memref_squeeze %dma_wait3A_305 : memref<1x!tpu.dma_semaphore, #tpu.memory_space<semaphore_mem>> -> memref<!tpu.dma_semaphore, #tpu.memory_space<semaphore_mem>>
    tpu.wait_indirect_dma semaphore(%dma_wait3A_306 : memref<!tpu.dma_semaphore, #tpu.memory_space<semaphore_mem>>) src(%dma_wait3A_304 : memref<100000x128xf32, #tpu.memory_space<hbm>>) dst(%dma_wait3A_299 : memref<32x128xf32, #tpu.memory_space<vmem>>)
    %dma_wait3A_307 = arith.constant 9 : i32
    %dma_wait3A_308 = arith.constant 9 : i32
    %dma_wait3A_309 = arith.constant 0 : i32
    %dma_wait3A_310 = arith.constant 0 : i32
    %dma_wait3A_311 = tpu.memref_slice %arg9[%dma_wait3A_307, %dma_wait3A_309, %dma_wait3A_310] : memref<11x32x128xf32, #tpu.memory_space<vmem>> -> memref<1x32x128xf32, #tpu.memory_space<vmem>>
    %dma_wait3A_312 = tpu.memref_squeeze %dma_wait3A_311 : memref<1x32x128xf32, #tpu.memory_space<vmem>> -> memref<32x128xf32, #tpu.memory_space<vmem>>
    %dma_wait3A_313 = arith.constant 640 : i32
    %dma_wait3A_314 = tpu.memref_slice %arg7[%dma_wait3A_313] : memref<704xi32, #tpu.memory_space<vmem>> -> memref<32xi32, #tpu.memory_space<vmem>>
    %dma_wait3A_315 = arith.constant 0 : i32
    %dma_wait3A_316 = arith.constant 0 : i32
    %dma_wait3A_317 = tpu.memref_slice %arg4[%dma_wait3A_315, %dma_wait3A_316] : memref<100000x128xf32, #tpu.memory_space<hbm>> -> memref<100000x128xf32, #tpu.memory_space<hbm>>
    %dma_wait3A_318 = tpu.memref_slice %arg11[%dma_wait3A_308] : memref<11x!tpu.dma_semaphore, #tpu.memory_space<semaphore_mem>> -> memref<1x!tpu.dma_semaphore, #tpu.memory_space<semaphore_mem>>
    %dma_wait3A_319 = tpu.memref_squeeze %dma_wait3A_318 : memref<1x!tpu.dma_semaphore, #tpu.memory_space<semaphore_mem>> -> memref<!tpu.dma_semaphore, #tpu.memory_space<semaphore_mem>>
    tpu.wait_indirect_dma semaphore(%dma_wait3A_319 : memref<!tpu.dma_semaphore, #tpu.memory_space<semaphore_mem>>) src(%dma_wait3A_317 : memref<100000x128xf32, #tpu.memory_space<hbm>>) dst(%dma_wait3A_312 : memref<32x128xf32, #tpu.memory_space<vmem>>)
    %dma_wait3A_320 = arith.constant 10 : i32
    %dma_wait3A_321 = arith.constant 10 : i32
    %dma_wait3A_322 = arith.constant 0 : i32
    %dma_wait3A_323 = arith.constant 0 : i32
    %dma_wait3A_324 = tpu.memref_slice %arg9[%dma_wait3A_320, %dma_wait3A_322, %dma_wait3A_323] : memref<11x32x128xf32, #tpu.memory_space<vmem>> -> memref<1x32x128xf32, #tpu.memory_space<vmem>>
    %dma_wait3A_325 = tpu.memref_squeeze %dma_wait3A_324 : memref<1x32x128xf32, #tpu.memory_space<vmem>> -> memref<32x128xf32, #tpu.memory_space<vmem>>
    %dma_wait3A_326 = arith.constant 672 : i32
    %dma_wait3A_327 = tpu.memref_slice %arg7[%dma_wait3A_326] : memref<704xi32, #tpu.memory_space<vmem>> -> memref<32xi32, #tpu.memory_space<vmem>>
    %dma_wait3A_328 = arith.constant 0 : i32
    %dma_wait3A_329 = arith.constant 0 : i32
    %dma_wait3A_330 = tpu.memref_slice %arg4[%dma_wait3A_328, %dma_wait3A_329] : memref<100000x128xf32, #tpu.memory_space<hbm>> -> memref<100000x128xf32, #tpu.memory_space<hbm>>
    %dma_wait3A_331 = tpu.memref_slice %arg11[%dma_wait3A_321] : memref<11x!tpu.dma_semaphore, #tpu.memory_space<semaphore_mem>> -> memref<1x!tpu.dma_semaphore, #tpu.memory_space<semaphore_mem>>
    %dma_wait3A_332 = tpu.memref_squeeze %dma_wait3A_331 : memref<1x!tpu.dma_semaphore, #tpu.memory_space<semaphore_mem>> -> memref<!tpu.dma_semaphore, #tpu.memory_space<semaphore_mem>>
    tpu.wait_indirect_dma semaphore(%dma_wait3A_332 : memref<!tpu.dma_semaphore, #tpu.memory_space<semaphore_mem>>) src(%dma_wait3A_330 : memref<100000x128xf32, #tpu.memory_space<hbm>>) dst(%dma_wait3A_325 : memref<32x128xf32, #tpu.memory_space<vmem>>)
    return
  }
}

module attributes {stable_mosaic.version = 14 : i64} {
  func.func @tc_k(%arg0: i32, %arg1: memref<2048x128xf32, #tpu.memory_space<vmem>>, %arg2: memref<2048x128xf32, #tpu.memory_space<vmem>>, %arg3: memref<128x256xf32, #tpu.memory_space<vmem>>, %arg4: memref<128x2048xf32, #tpu.memory_space<vmem>>) attributes {dimension_semantics = [#tpu.dimension_semantics<arbitrary>], iteration_bounds = array<i64: 24>, scalar_prefetch = 0 : i64, scratch_operands = 0 : i64, tpu.core_type = #tpu.core_type<tc>, window_params = [{transform_indices = @transform_0, window_bounds = array<i64: 2048, 128>}, {transform_indices = @transform_1, window_bounds = array<i64: 2048, 128>}, {pipeline_mode = #tpu.pipeline_mode<synchronous>, transform_indices = @transform_2, window_bounds = array<i64: 128, 256>}, {transform_indices = @transform_3, window_bounds = array<i64: 128, 2048>}]} {
    %get3A = arith.constant 0 : index
    %get3A_0 = arith.constant 0 : index
    %get3A_1 = vector.load %arg3[%get3A, %get3A_0] : memref<128x256xf32, #tpu.memory_space<vmem>>, vector<128x128xf32>
    %get3A_2 = arith.constant 0 : index
    %get3A_3 = arith.constant 128 : index
    %get3A_4 = vector.load %arg3[%get3A_2, %get3A_3] : memref<128x256xf32, #tpu.memory_space<vmem>>, vector<128x128xf32>
    %get3A_5 = arith.constant 0 : index
    %get3A_6 = arith.constant 0 : index
    %get3A_7 = vector.load %arg1[%get3A_5, %get3A_6] : memref<2048x128xf32, #tpu.memory_space<vmem>>, vector<2048x128xf32>
    %dot_general3A = arith.constant dense<0.000000e+00> : vector<128x2048xf32>
    %dot_general3A_8 = tpu.matmul %get3A_1, %get3A_7, %dot_general3A {dimension_numbers = #tpu.dot_dimension_numbers<[1], [1], [0], [0], [0, 0, 1, 0], [], []>, transpose_lhs_hint = false} : vector<128x128xf32>, vector<2048x128xf32>, vector<128x2048xf32> -> vector<128x2048xf32>
    %get3A_9 = arith.constant 0 : index
    %get3A_10 = arith.constant 0 : index
    %get3A_11 = vector.load %arg2[%get3A_9, %get3A_10] : memref<2048x128xf32, #tpu.memory_space<vmem>>, vector<2048x128xf32>
    %dot_general3A_12 = arith.constant dense<0.000000e+00> : vector<128x2048xf32>
    %dot_general3A_13 = tpu.matmul %get3A_4, %get3A_11, %dot_general3A_12 {dimension_numbers = #tpu.dot_dimension_numbers<[1], [1], [0], [0], [0, 0, 1, 0], [], []>, transpose_lhs_hint = false} : vector<128x128xf32>, vector<2048x128xf32>, vector<128x2048xf32> -> vector<128x2048xf32>
    %mul3A = arith.constant 1.000000e-01 : f32
    %mul3A_14 = vector.broadcast %mul3A : f32 to vector<128x2048xf32>
    %mul3A_15 = arith.mulf %mul3A_14, %dot_general3A_13 : vector<128x2048xf32>
    %add3A = arith.addf %dot_general3A_8, %mul3A_15 : vector<128x2048xf32>
    %max3A = arith.constant 0.000000e+00 : f32
    %max3A_16 = vector.broadcast %max3A : f32 to vector<128x2048xf32>
    %max3A_17 = arith.maximumf %add3A, %max3A_16 : vector<128x2048xf32>
    %swap3A = arith.constant 0 : index
    %swap3A_18 = arith.constant 0 : index
    %swap3A_19 = vector.load %arg4[%swap3A, %swap3A_18] : memref<128x2048xf32, #tpu.memory_space<vmem>>, vector<128x2048xf32>
    tpu.vector_store %arg4[%swap3A, %swap3A_18], %max3A_17 {strides = array<i32>} : memref<128x2048xf32, #tpu.memory_space<vmem>>, vector<128x2048xf32>,
    return
  }
  func.func @transform_0(%arg0: i32) -> (i32, i32) {
    %c0_i32 = arith.constant 0 : i32
    %c0_i32_0 = arith.constant 0 : i32
    return %arg0, %c0_i32 : i32, i32
  }
  func.func @transform_1(%arg0: i32) -> (i32, i32) {
    %c0_i32 = arith.constant 0 : i32
    %c0_i32_0 = arith.constant 0 : i32
    return %arg0, %c0_i32 : i32, i32
  }
  func.func @transform_2(%arg0: i32) -> (i32, i32) {
    %c0_i32 = arith.constant 0 : i32
    %c0_i32_0 = arith.constant 0 : i32
    %c0_i32_1 = arith.constant 0 : i32
    return %c0_i32, %c0_i32_0 : i32, i32
  }
  func.func @transform_3(%arg0: i32) -> (i32, i32) {
    %c0_i32 = arith.constant 0 : i32
    %c0_i32_0 = arith.constant 0 : i32
    return %c0_i32, %arg0 : i32, i32
  }
}

</mosaic_0001>

<sc_bundles>
// kernel: kernel.4.cloned.1.call-start
scs
__scs_entry_jumppad:
0x0: {  	(pc) =	sbr.rel $0x88, $3  }
0x1: {  	(tag) =	ssettag $0x0;
	lr =	simm.s32 $0x1  }
0x2: {  	[smem:$0x3F9D] =	sst lr;
	_ =	strace $0xD0000000  }
0x3: {  	_ = 	snop  }
0x4: {  	_ = 	snop  }
0x5: {  	_ = 	snop  }
0x6: {  	_ = 	snop  }
0x7: {  	_ = 	snop  }
__scs_overlays_trampoline_lowered:
0x8: {  	[smem:$0x3FAC] =	sst s0  }
0x9: {  	[smem:$0x3FAD] =	sst s1  }
0xa: {  	[smem:$0x3FAE] =	sst s2  }
0xb: {  	[smem:$0x3FAF] =	sst s3  }
0xc: {  	[smem:$0x3FB0] =	sst s4  }
0xd: {  	[smem:$0x3FB1] =	sst s5  }
0xe: {  	[smem:$0x3FB2] =	sst s6  }
0xf: {  	[smem:$0x3FB3] =	sst s7  }
0x10: {  	[smem:$0x3FB4] =	sst s8  }
0x11: {  	[smem:$0x3FB5] =	sst s9;
	s0 =	simm.s32 @!p0 $0x0  }
0x12: {  	s1 =	sld [smem:$0x3F9B];
	s0 =	simm.s32 @p0 $0x1  }
0x13: {  	[smem:$0x3FB6] =	sst s0;
	s0 =	simm.s32 @!p1 $0x0  }
0x14: {  	s2 =	sld [smem:$0x3F9A];
	s0 =	simm.s32 @p1 $0x1  }
0x15: {  	[smem:$0x3FB7] =	sst s0;
	s0 =	simm.s32 @!p2 $0x0  }
0x16: {  	s3 =	sld [smem:$0x3FDB];
	s0 =	simm.s32 @p2 $0x1  }
0x17: {  	s4 =	simm.s32 $0x1BF5;
	[smem:$0x3FB9] =	sst s0  }
0x18: {  	s0 =	sld [smem:$0x3F9C];
	_ =	swait.ge [sflag:s4], $0x0  }
0x19: {  	s7 =	sld [smem:$0x3F9D]  }
0x1a: {  	s8 =	sadd.s32 $0xFFFFE003, lr  }
0x1b: {  	s9 =	sadd.s32 $0xFFFFFEF7, lr;
	s5 =	simm.s32 $0xFFFFFFFF;
	p2 =	slt.u32 s8, $0xFFFFF086  }
0x1c: {  	p1 =	slt.u32 s9, $0xF7A;
	s5 =	simm.s32 @!p2 $0x0  }
0x1d: {  	s5 =	simm.s32 @p1 $0x1;
	p0 =	seq.s32 s7, s2  }
0x1e: {  	s7 =	smul.u32 @!p0 $0xF7A, s2;
	p2 =	seq.s32 @!p0 s5, $0x0  }
0x1f: {  	s9 =	smul.u32 $0xF7A, s1;
	s8 =	simm.s32 @!p0 $0x1BF5;
	p2 =	por !p2, p0  }
0x20: {  	[sflag:s8] =	ssyncset.s32 @!p0 $0xFFFFF086;
	s6 =	sadd.s32 @!p0 s3, s7;
	s7 =	simm.s32 @!p0 $0x108  }
0x21: {  	s3 =	sadd.s32 s3, s9;
	s6 =	sadd.s32 @!p0 $0x88, s6;
	s7 =	simm.s32 @p2 $0x1082  }
0x22: {  	[simem:s7], [sflag:s8] =	dma.local @!p0 [hbm:s6], $0xF7A  }
0x23: {  	s9 =	sor.u32 $0xD0000000, s2;
	s6 =	simm.s32 $0x108;
	_ =	swait.ge @!p0 [sflag:s8], $0x0  }
0x24: {  	s3 =	sadd.s32 $0x88, s3;
	s6 =	simm.s32 @!p1 $0x1082;
	[sflag:s4] =	ssyncset.s32 $0xFFFFF086  }
0x25: {  	[simem:s6], [sflag:s4] =	dma.local [hbm:s3], $0xF7A  }
0x26: {  	[smem:$0x3F9D] =	sst s1;
	(tag) =	ssettag s2;
	_ =	strace s9  }
0x27: {  	s1 =	sld [smem:$0x3FAD]  }
0x28: {  	s2 =	sld [smem:$0x3FAE]  }
0x29: {  	s4 =	sld [smem:$0x3FB0]  }
0x2a: {  	p0 =	seq.s32 s5, $0x0;
	s5 =	sld [smem:$0x3FB1]  }
0x2b: {  	s6 =	sld [smem:$0x3FB2]  }
0x2c: {  	s7 =	sld [smem:$0x3FB3]  }
0x2d: {  	s3 =	simm.s32 $0x108;
	s8 =	sld [smem:$0x3FB4]  }
0x2e: {  	s3 =	simm.s32 @!p0 $0x1082;
	s9 =	sld [smem:$0x3FB5]  }
0x2f: {  	lr =	sadd.s32 s0, s3;
	s0 =	sld [smem:$0x3FAC]  }
0x30: {  	s3 =	sld [smem:$0x3FAF]  }
0x31: {  	[smem:$0x3FB8] =	sst s10  }
0x32: {  	s10 =	sld [smem:$0x3FB6];
	_ =	sdelay $0x3  }
0x33: {  	p0 =	seq.s32 s10, $0x1;
	s10 =	sld [smem:$0x3FB8];
	_ =	sdelay $0x3  }
0x34: {  	[smem:$0x3FB8] =	sst s10  }
0x35: {  	s10 =	sld [smem:$0x3FB7];
	_ =	sdelay $0x3  }
0x36: {  	p1 =	seq.s32 s10, $0x1;
	s10 =	sld [smem:$0x3FB8];
	_ =	sdelay $0x3  }
0x37: {  	[smem:$0x3FB8] =	sst s10  }
0x38: {  	s10 =	sld [smem:$0x3FB9]  }
0x39: {  	_ = 	snop;
	(pc) =	sbr.ind lr, $3  }
0x3a: {  	_ = 	snop  }
0x3b: {  	_ = 	snop  }
0x3c: {  	p2 =	seq.s32 s10, $0x1;
	s10 =	sld [smem:$0x3FB8]  }
0x3d: {  	_ =	shalt  }
0x3e: {  	_ =	shalt  }
0x3f: {  	_ =	shalt  }
0x40: {  	_ =	shalt  }
0x41: {  	_ =	shalt  }
0x42: {  	_ =	shalt  }
0x43: {  	_ =	shalt  }
0x44: {  	_ =	shalt  }
0x45: {  	_ =	shalt  }
0x46: {  	_ =	shalt  }
0x47: {  	_ =	shalt  }
0x48: {  	_ =	shalt  }
0x49: {  	_ =	shalt  }
0x4a: {  	_ =	shalt  }
0x4b: {  	_ =	shalt  }
0x4c: {  	_ =	shalt  }
0x4d: {  	_ =	shalt  }
0x4e: {  	_ =	shalt  }
0x4f: {  	_ =	shalt  }
0x50: {  	_ =	shalt  }
0x51: {  	_ =	shalt  }
0x52: {  	_ =	shalt  }
0x53: {  	_ =	shalt  }
0x54: {  	_ =	shalt  }
0x55: {  	_ =	shalt  }
0x56: {  	_ =	shalt  }
0x57: {  	_ =	shalt  }
0x58: {  	_ =	shalt  }
0x59: {  	_ =	shalt  }
0x5a: {  	_ =	shalt  }
0x5b: {  	_ =	shalt  }
0x5c: {  	_ =	shalt  }
0x5d: {  	_ =	shalt  }
0x5e: {  	_ =	shalt  }
0x5f: {  	_ =	shalt  }
0x60: {  	_ =	shalt  }
0x61: {  	_ =	shalt  }
0x62: {  	_ =	shalt  }
0x63: {  	_ =	shalt  }
0x64: {  	_ =	shalt  }
0x65: {  	_ =	shalt  }
0x66: {  	_ =	shalt  }
0x67: {  	_ =	shalt  }
0x68: {  	_ =	shalt  }
0x69: {  	_ =	shalt  }
0x6a: {  	_ =	shalt  }
0x6b: {  	_ =	shalt  }
0x6c: {  	_ =	shalt  }
0x6d: {  	_ =	shalt  }
0x6e: {  	_ =	shalt  }
0x6f: {  	_ =	shalt  }
0x70: {  	_ =	shalt  }
0x71: {  	_ =	shalt  }
0x72: {  	_ =	shalt  }
0x73: {  	_ =	shalt  }
0x74: {  	_ =	shalt  }
0x75: {  	_ =	shalt  }
0x76: {  	_ =	shalt  }
0x77: {  	_ =	shalt  }
0x78: {  	_ =	shalt  }
0x79: {  	_ =	shalt  }
0x7a: {  	_ =	shalt  }
0x7b: {  	_ =	shalt  }
0x7c: {  	_ =	shalt  }
0x7d: {  	_ =	shalt  }
0x7e: {  	_ =	shalt  }
0x7f: {  	_ =	shalt  }
0x80: {  	_ =	shalt  }
0x81: {  	_ =	shalt  }
0x82: {  	_ =	shalt  }
0x83: {  	_ =	shalt  }
0x84: {  	_ =	shalt  }
0x85: {  	_ =	shalt  }
0x86: {  	_ =	shalt  }
0x87: {  	_ =	shalt  }
.Lfunc_end0:
.L_simem_size_0:
called_computation_lowered:
.L_overlay_start_0:
0x88: {  	s2 =	sld [smem:$0x3FD9]  }
0x89: {  	s3 =	sld [smem:$0x3FFE];
	_ =	sdelay $0x1  }
0x8a: {  	s1 =	srdreg.scid  }
0x8b: {  	s0 =	sand.u32 $0x1, s1  }
0x8c: {  	s17 =	sshll.u32 s0, $0xA;
	s2 =	sadd.s32 s3, s2  }
0x8d: {  	s2 =	sadd.s32 s2, s17  }
0x8e: {  	[smem:$0x3FC4] =	sst s2  }
0x8f: {  	_ = 	snop  }
0x90: {  	s2 =	sld [smem:$0x3FC7]  }
0x91: {  	s18 =	sld [smem:$0x3FD0];
	(tm) =	ssettm $0x1  }
0x92: {  	s4 =	sld [smem:$0x3FFB];
	_ =	sdelay $0x3  }
0x93: {  	_ =	strace s4  }
0x94: {  	s4 =	sld [smem:$0x3FFC];
	_ =	sdelay $0x3  }
0x95: {  	_ =	strace s4  }
0x96: {  	s4 =	sld [smem:$0x3FFD];
	_ =	sdelay $0x3  }
0x97: {  	_ =	strace s4  }
0x98: {  	_ =	strace $0x8FFFFFFF  }
0x99: {  	s19 =	sld [smem:$0x3FDB];
	_ =	sdelay $0x1  }
0x9a: {  	s5 =	simm.s32 $_scs_section_size  }
0x9b: {  	s6 =	simm.s32 $_size__tile_overlayer_lowered;
	s7 =	simm.s32 $_tile_overlayer_lowered  }
0x9c: {  	s22 =	simm.s32 $0x1BFF;
	s21 =	sshll.u32 s7, $0x1;
	s4 =	sadd.s32 s5, s19  }
0x9d: {  	s8 =	simm.s32 $0x0;
	s20 =	sshll.u32 s6, $0x1;
	s6 =	sadd.s32 s21, s4  }
0x9e: {  	[timem:s8], [sflag:s22] =	dma.local [hbm:s6], s20  }
0x9f: {  	_ =	swait.ge [sflag:s22], s20  }
0xa0: {  	s5 =	ssub.s32 $0x0, s20;
	[sflag:s22] =	ssyncset.done $0x0  }
0xa1: {  	[sflag:s22] =	ssyncadd.s32 s5;
	_ =	sdelay $0x1  }
0xa2: {  	s23 =	simm.s32 $0x1B8B  }
0xa3: {  	_ =	swait.ge [sflag:s23], $0x1  }
0xa4: {  	[sflag:s23] =	ssyncset.done $0x0  }
0xa5: {  	s25 =	simm.s32 $0x1B8E;
	s24 =	sld [smem:$0x3FFE];
	[sflag:s23] =	ssyncadd.s32 $0xFFFFFFFF  }
0xa6: {  	s26 =	simm.s32 $execute0_lowered;
	[smem:$0x3FD2] =	sst s25  }
0xa7: {  	s6 =	sshll.u32 s26, $0x1;
	_ =	strace $0x80000046;
	[dreg:$0x1] =	wrdreg $0xFFFFFFFF  }
0xa8: {  	s28 =	simm.s32 $_size_execute0_lowered;
	s4 =	sadd.s32 s4, s6;
	[dreg:$0x0] =	wrdreg $0x0  }
0xa9: {  	s6 =	sshll.u32 s28, $0x1;
	[dreg:$0x2] =	wrdreg s4  }
0xaa: {  	[dreg:$0x3] =	wrdreg s6  }
0xab: {  	[dreg:$0x4] =	wrdreg $0xC0  }
0xac: {  	_ =	task [dreg:s8], $0x5FFFF  }
0xad: {  	[dreg:$0x1] =	wrdreg $0xFFFFFFFF  }
0xae: {  	[dreg:$0x0] =	wrdreg $0x60  }
0xaf: {  	[dreg:$0x2] =	wrdreg s18  }
0xb0: {  	[dreg:$0x3] =	wrdreg s24  }
0xb1: {  	[dreg:$0x4] =	wrdreg s2  }
0xb2: {  	[dreg:$0x5] =	wrdreg $0xB4000  }
0xb3: {  	[dreg:$0x6] =	wrdreg $0x9  }
0xb4: {  	_ =	task.clear_ibuf [dreg:s8], $0x7FFFF;
	_ =	strace $0x90000046  }
0xb5: {  	s29 =	simm.s32 $0x9;
	_ =	strace $0x80000048  }
0xb6: {  	_ =	swait.ge [sflag:s29], $0x1  }
0xb7: {  	[sflag:s29] =	ssyncadd.s32 $0xFFFFFFFF  }
0xb8: {  	_ =	strace $0x90000048  }
0xb9: {  	_ =	sfence  }
0xba: {  	s30 =	sld [smem:$0x0];
	_ =	sdelay $0x2  }
0xbb: {  	s31 =	sshll.u32 s1, $0xD;
	s1 =	sshrl.u32 s1, $0x2  }
0xbc: {  	s3 =	sand.u32 $0x4000, s31;
	s1 =	sadd.s32 s1, s30  }
0xbd: {  	s0 =	sor.u32 s3, s0;
	s1 =	sshll.u32 s1, $0x11  }
0xbe: {  	s0 =	sor.u32 s1, s0  }
0xbf: {  	s0 =	sadd.s32 $0x8F2B, s0  }
0xc0: {  	[sflag:s0] =	ssyncadd.remote.s32 $0x1  }
0xc1: {  	_ =	sfence.sel $0xFFFF  }
0xc2: {  	[dreg:$0x0] =	wrdreg $0xFFFFFFFF;
	(pc) =	sbr.abs _section_cstart, $3  }
0xc3: {  	[dreg:$0x1] =	wrdreg $0xFFFFFFFF  }
0xc4: {  	_ =	task.clear_ibuf [dreg:s8], $0x2FFFF;
	_ =	strace $0x9FFFFFFF  }
0xc5: {  	(tm) =	ssettm $0x7FFFFFFF  }
tec
execute0_lowered:
.L_overlay_start_1:
0x0: {  	(tag) =	ssettag $0x1  }
0x1: {  	s0 =	rddreg [dreg:$0x0]  }
0x2: {  	s1 =	rddreg [dreg:$0x1]  }
0x3: {  	s2 =	rddreg [dreg:$0x2]  }
0x4: {  	s3 =	rddreg [dreg:$0x3]  }
0x5: {  	s12 =	stileid.u32;
	s4 =	srdreg.scid  }
0x6: {  	s5 =	simm.s32 $0x0;
	s28 =	simm.s32 $0x160;
	s29 =	simm.s32 $0x14  }
0x7: {  	s31 =	simm.s32 $0x15;
	s4 =	sand.u32 $0x1, s4;
	s6 =	smul.u32 $0xC400, s12  }
0x8: {  	[smem:$0x7FF] =	sst s5;
	s15 =	sshll.u32 s12, $0x3;
	s5 =	sshll.u32 s12, $0x1  }
0x9: {  	s13 =	sadd.s32 $0xC5000, s1;
	s22 =	smul.u32 $0x10D8, s12;
	s24 =	sshll.u32 s12, $0xD  }
0xa: {  	s7 =	smul.u32 $0x6200, s4;
	_ =	strace $0x80000047;
	s8 =	sadd.s32 s15, s1  }
0xb: {  	s16 =	ssub.s32 $0x2, s4;
	s17 =	sor.u32 s4, s5;
	[dreg:$0x6] =	wrdreg s13  }
0xc: {  	s4 =	smul.u32 $0x86C, s4;
	s25 =	sadd.s32 s24, s3;
	[dreg:$0x5] =	wrdreg s28  }
0xd: {  	s15 =	simm.s32 $0x16;
	s10 =	sshrl.u32 s16, $0x1;
	s20 =	sadd.s32 $0xE00, s8  }
0xe: {  	s11 =	smul.u32 $0x86C, s17;
	s21 =	sadd.s32 $0xE04, s8;
	[dreg:$0x8] =	wrdreg s20  }
0xf: {  	s19 =	smul.u32 $0x31000, s17;
	s30 =	sshrl.u32 s25, $0x3;
	[dreg:$0x9] =	wrdreg s21  }
0x10: {  	s9 =	sadd.s32 s7, s6;
	s18 =	ssub.s32 s16, s10;
	[dreg:$0xf] =	wrdreg s30  }
0x11: {  	[dreg:$0x7] =	wrdreg s9;
	s9 =	sadd.s32 s9, s1;
	s23 =	sadd.s32 s0, s11  }
0x12: {  	s6 =	sshrl.u32 s19, $0x3;
	s0 =	sadd.s32 s22, s0;
	s1 =	smax.u32 s18, $0x1  }
0x13: {  	s19 =	simm.s32 $0x20;
	s22 =	simm.s32 $0x18;
	[dreg:$0xa] =	wrdreg s23  }
0x14: {  	s6 =	sadd.s32 s13, s6;
	[dreg:$0xc] =	wrdreg s1;
	s26 =	sadd.s32 $0x1000, s9  }
0x15: {  	s0 =	sadd.s32 s4, s0;
	s6 =	sadd.s32 $0x6000, s6;
	[dreg:$0xe] =	wrdreg s26  }
0x16: {  	s23 =	simm.s32 $0x12;
	s0 =	sadd.s32 $0x2C, s0;
	[dreg:$0xb] =	wrdreg s6  }
0x17: {  	s1 =	simm.s32 $0x0;
	s26 =	simm.s32 $0x13;
	[dreg:$0xd] =	wrdreg s0  }
.LBB2_1:
0x18: {  	[dreg:$0x10] =	wrdreg s1;
	s8 =	simm.s32 $0x0  }
0x19: {  	s0 =	rddreg [dreg:$0x8];
	s21 =	simm.s32 $0x300;
	s24 =	simm.s32 $0x19  }
0x1a: {  	[tilespmem:s21], [sflag:$0x19] =	stream.linear.gather [hbm4b:s0+s8], $0x20, $0x38;
	[tilespmem:$0xD400] =	vst v63  }
0x1b: {  	_ =	swait.ge [sflag:s24], $0x20  }
0x1c: {  	[sflag:s24] =	ssyncset.done $0x0  }
0x1d: {  	s9 =	simm.s32 $0x380;
	s25 =	rddreg [dreg:$0x9];
	[sflag:s24] =	ssyncadd.s32 $0xFFFFFFE0  }
0x1e: {  	[tilespmem:s9], [sflag:$0x19] =	stream.linear.gather [hbm4b:s25+s8], $0x20, $0x38;
	[tilespmem:$0xD400] =	vst v63  }
0x1f: {  	_ =	swait.ge [sflag:s24], $0x20  }
0x20: {  	[sflag:s24] =	ssyncset.done $0x0  }
0x21: {  	s9 =	simm.s32 $0x17;
	s4 =	rddreg [dreg:$0xa];
	[sflag:s24] =	ssyncadd.s32 $0xFFFFFFE0  }
0x22: {  	[tilespmem:s8], [sflag:$0x17] =	stream.linear.gather [hbm4b:s4+s8], $0x160, $0x38;
	[tilespmem:$0xD400] =	vst v63  }
0x23: {  	_ =	swait.ge [sflag:s9], $0x160  }
0x24: {  	[sflag:s9] =	ssyncset.done $0x0  }
0x25: {  	s10 =	simm.s32 $0x400;
	[sflag:s9] =	ssyncadd.s32 $0xFFFFFEA0  }
0x26: {  	[tilespmem:s10], [sflag:$0x1] =	stream.indirect.gather [hbm4b:s2+s19], $0x80, s8, s19, $0xb8;
	[tilespmem:$0xD400] =	vst v63  }
0x27: {  	s11 =	simm.s32 $0x1400  }
0x28: {  	[tilespmem:s11], [sflag:$0x2] =	stream.indirect.gather [hbm4b:s2+s19], $0x80, s19, s19, $0xb8;
	[tilespmem:$0xD400] =	vst v63  }
0x29: {  	s6 =	simm.s32 $0x40;
	s12 =	simm.s32 $0x2400  }
0x2a: {  	[tilespmem:s12], [sflag:$0x3] =	stream.indirect.gather [hbm4b:s2+s19], $0x80, s6, s19, $0xb8;
	[tilespmem:$0xD400] =	vst v63  }
0x2b: {  	s7 =	simm.s32 $0x60;
	s17 =	simm.s32 $0x3400  }
0x2c: {  	[tilespmem:s17], [sflag:$0x4] =	stream.indirect.gather [hbm4b:s2+s19], $0x80, s7, s19, $0xb8;
	[tilespmem:$0xD400] =	vst v63  }
0x2d: {  	s13 =	simm.s32 $0x80;
	s18 =	simm.s32 $0x4400  }
0x2e: {  	[tilespmem:s18], [sflag:$0x5] =	stream.indirect.gather [hbm4b:s2+s19], $0x80, s13, s19, $0xb8;
	[tilespmem:$0xD400] =	vst v63  }
0x2f: {  	s14 =	simm.s32 $0xA0;
	s25 =	simm.s32 $0x5400  }
0x30: {  	[tilespmem:s25], [sflag:$0x6] =	stream.indirect.gather [hbm4b:s2+s19], $0x80, s14, s19, $0xb8;
	[tilespmem:$0xD400] =	vst v63  }
0x31: {  	s16 =	simm.s32 $0xC0;
	s28 =	simm.s32 $0x6400  }
0x32: {  	[tilespmem:s28], [sflag:$0x7] =	stream.indirect.gather [hbm4b:s2+s19], $0x80, s16, s19, $0xb8;
	[tilespmem:$0xD400] =	vst v63  }
0x33: {  	s20 =	simm.s32 $0xE0;
	s6 =	simm.s32 $0x7400  }
0x34: {  	[tilespmem:s6], [sflag:$0x8] =	stream.indirect.gather [hbm4b:s2+s19], $0x80, s20, s19, $0xb8;
	[tilespmem:$0xD400] =	vst v63  }
0x35: {  	s21 =	simm.s32 $0x100;
	s13 =	simm.s32 $0x8400  }
0x36: {  	[tilespmem:s13], [sflag:$0x9] =	stream.indirect.gather [hbm4b:s2+s19], $0x80, s21, s19, $0xb8;
	[tilespmem:$0xD400] =	vst v63  }
0x37: {  	s24 =	simm.s32 $0x120;
	s14 =	simm.s32 $0x9400  }
0x38: {  	[tilespmem:s14], [sflag:$0xA] =	stream.indirect.gather [hbm4b:s2+s19], $0x80, s24, s19, $0xb8;
	[tilespmem:$0xD400] =	vst v63  }
0x39: {  	s1 =	simm.s32 $0x140;
	s24 =	simm.s32 $0x1  }
0x3a: {  	s4 =	simm.s32 $0xA400;
	s20 =	simm.s32 $0x0;
	s7 =	sand.u32 $0x1, s24  }
0x3b: {  	[tilespmem:s4], [sflag:$0xB] =	stream.indirect.gather [hbm4b:s2+s19], $0x80, s1, s19, $0xb8;
	[tilespmem:$0xD400] =	vst v63  }
0x3c: {  	s16 =	rddreg [dreg:$0x5];
	s21 =	sand.u32 $0x1, s20;
	p0 =	seq.s32 s7, $0x1  }
0x3d: {  	s20 =	rddreg [dreg:$0xd];
	s7 =	simm.s32 $0x2;
	s16 =	simm.s32 @!p0 $0x0  }
0x3e: {  	[tilespmem:s16], [sflag:$0x17] =	stream.linear.gather [hbm4b:s20+s8], $0x160, $0x38;
	[tilespmem:$0xD400] =	vst v63  }
0x3f: {  	s1 =	sor.u32 s5, s21;
	_ =	swait.ge [sflag:s7], $0x1000  }
0x40: {  	s1 =	sshll.u32 s1, $0xC;
	[sflag:s7] =	ssyncset.done $0x0  }
0x41: {  	s1 =	sadd.s32 s1, s3;
	[sflag:s7] =	ssyncadd.s32 $0xFFFFF000  }
0x42: {  	[spmem:s1] =	stream.linear.scatter [tilespmem:s11], [sflag:$0xD], $0x1000, $0x38;
	[tilespmem:$0xD400] =	vst v63  }
0x43: {  	_ =	swait.ge [sflag:s24], $0x1000  }
0x44: {  	[sflag:s24] =	ssyncset.done $0x0  }
0x45: {  	s7 =	simm.s32 $0xD;
	[sflag:s24] =	ssyncadd.s32 $0xFFFFF000;
	s24 =	rddreg [dreg:$0xe]  }
0x46: {  	[hbm4b:s24+s8] =	stream.linear.scatter [tilespmem:s10], [sflag:$0x18], $0x1000, $0x38;
	[tilespmem:$0xD400] =	vst v63  }
0x47: {  	_ =	swait.ge [sflag:s7], $0x1000  }
0x48: {  	[sflag:s7] =	ssyncset.done $0x0  }
0x49: {  	[sflag:s7] =	ssyncadd.s32 $0xFFFFF000  }
0x4a: {  	_ =	swait.ge [sflag:s9], $0x160  }
0x4b: {  	[sflag:s9] =	ssyncset.done $0x0  }
0x4c: {  	[sflag:s9] =	ssyncadd.s32 $0xFFFFFEA0;
	s9 =	simm.s32 $0x3  }
0x4d: {  	_ =	swait.ge [sflag:s9], $0x1000  }
0x4e: {  	s0 =	sshll.u32 s21, $0x7;
	[sflag:s9] =	ssyncset.done $0x0  }
0x4f: {  	s0 =	sor.u32 $0x300, s0;
	s10 =	simm.s32 $0x4;
	[sflag:s9] =	ssyncadd.s32 $0xFFFFF000  }
0x50: {  	[spmem:s3] =	stream.indirect.scatter.add.f32 [tilespmem:s12], [sflag:$0xE], $0x80, s0, s19, $0xb8;
	[tilespmem:$0xD400] =	vst v63  }
0x51: {  	_ =	swait.ge [sflag:s10], $0x1000  }
0x52: {  	[sflag:s10] =	ssyncset.done $0x0  }
0x53: {  	s11 =	simm.s32 $0x5;
	[sflag:s10] =	ssyncadd.s32 $0xFFFFF000  }
0x54: {  	[spmem:s3] =	stream.indirect.scatter.add.f32 [tilespmem:s17], [sflag:$0xF], $0x80, s0, s19, $0xb8;
	[tilespmem:$0xD400] =	vst v63  }
0x55: {  	_ =	swait.ge [sflag:s11], $0x1000  }
0x56: {  	[sflag:s11] =	ssyncset.done $0x0  }
0x57: {  	s21 =	simm.s32 $0x6;
	[sflag:s11] =	ssyncadd.s32 $0xFFFFF000  }
0x58: {  	[spmem:s3] =	stream.indirect.scatter.add.f32 [tilespmem:s18], [sflag:$0x10], $0x80, s0, s19, $0xb8;
	[tilespmem:$0xD400] =	vst v63  }
0x59: {  	_ =	swait.ge [sflag:s21], $0x1000  }
0x5a: {  	[sflag:s21] =	ssyncset.done $0x0  }
0x5b: {  	s7 =	simm.s32 $0x7;
	[sflag:s21] =	ssyncadd.s32 $0xFFFFF000  }
0x5c: {  	[spmem:s3] =	stream.indirect.scatter.add.f32 [tilespmem:s25], [sflag:$0x11], $0x80, s0, s19, $0xb8;
	[tilespmem:$0xD400] =	vst v63  }
0x5d: {  	_ =	swait.ge [sflag:s7], $0x1000  }
0x5e: {  	[sflag:s7] =	ssyncset.done $0x0  }
0x5f: {  	s9 =	simm.s32 $0x8;
	[sflag:s7] =	ssyncadd.s32 $0xFFFFF000  }
0x60: {  	[spmem:s3] =	stream.indirect.scatter.add.f32 [tilespmem:s28], [sflag:$0x12], $0x80, s0, s19, $0xb8;
	[tilespmem:$0xD400] =	vst v63  }
0x61: {  	_ =	swait.ge [sflag:s9], $0x1000  }
0x62: {  	[sflag:s9] =	ssyncset.done $0x0  }
0x63: {  	s10 =	simm.s32 $0x9;
	[sflag:s9] =	ssyncadd.s32 $0xFFFFF000  }
0x64: {  	[spmem:s3] =	stream.indirect.scatter.add.f32 [tilespmem:s6], [sflag:$0x13], $0x80, s0, s19, $0xb8;
	[tilespmem:$0xD400] =	vst v63  }
0x65: {  	_ =	swait.ge [sflag:s10], $0x1000  }
0x66: {  	[sflag:s10] =	ssyncset.done $0x0  }
0x67: {  	s11 =	simm.s32 $0xA;
	[sflag:s10] =	ssyncadd.s32 $0xFFFFF000  }
0x68: {  	[spmem:s3] =	stream.indirect.scatter.add.f32 [tilespmem:s13], [sflag:$0x14], $0x80, s0, s19, $0xb8;
	[tilespmem:$0xD400] =	vst v63  }
0x69: {  	_ =	swait.ge [sflag:s11], $0x1000  }
0x6a: {  	[sflag:s11] =	ssyncset.done $0x0  }
0x6b: {  	s21 =	simm.s32 $0xB;
	[sflag:s11] =	ssyncadd.s32 $0xFFFFF000  }
0x6c: {  	[spmem:s3] =	stream.indirect.scatter.add.f32 [tilespmem:s14], [sflag:$0x15], $0x80, s0, s19, $0xb8;
	[tilespmem:$0xD400] =	vst v63  }
0x6d: {  	_ =	swait.ge [sflag:s21], $0x1000  }
0x6e: {  	[sflag:s21] =	ssyncset.done $0x0  }
0x6f: {  	s7 =	simm.s32 $0xE;
	[sflag:s21] =	ssyncadd.s32 $0xFFFFF000  }
0x70: {  	[spmem:s3] =	stream.indirect.scatter.add.f32 [tilespmem:s4], [sflag:$0x16], $0x80, s0, s19, $0xb8;
	[tilespmem:$0xD400] =	vst v63  }
0x71: {  	_ =	swait.ge [sflag:s7], $0x1000  }
0x72: {  	[sflag:s7] =	ssyncset.done $0x0  }
0x73: {  	s9 =	sadd.s32 $0x40, s16;
	s10 =	simm.s32 $0xF;
	[sflag:s7] =	ssyncadd.s32 $0xFFFFF000  }
0x74: {  	[tilespmem:s12], [sflag:$0x3] =	stream.indirect.gather [hbm4b:s2+s19], $0x80, s9, s19, $0xb8;
	[tilespmem:$0xD400] =	vst v63  }
0x75: {  	_ =	swait.ge [sflag:s10], $0x1000  }
0x76: {  	[sflag:s10] =	ssyncset.done $0x0  }
0x77: {  	s11 =	sadd.s32 $0x60, s16;
	s12 =	simm.s32 $0x10;
	[sflag:s10] =	ssyncadd.s32 $0xFFFFF000  }
0x78: {  	[tilespmem:s17], [sflag:$0x4] =	stream.indirect.gather [hbm4b:s2+s19], $0x80, s11, s19, $0xb8;
	[tilespmem:$0xD400] =	vst v63  }
0x79: {  	_ =	swait.ge [sflag:s12], $0x1000  }
0x7a: {  	[sflag:s12] =	ssyncset.done $0x0  }
0x7b: {  	s17 =	sor.u32 $0x80, s16;
	[sflag:s12] =	ssyncadd.s32 $0xFFFFF000  }
0x7c: {  	[tilespmem:s18], [sflag:$0x5] =	stream.indirect.gather [hbm4b:s2+s19], $0x80, s17, s19, $0xb8;
	[tilespmem:$0xD400] =	vst v63  }
0x7d: {  	s18 =	simm.s32 $0x11  }
0x7e: {  	_ =	swait.ge [sflag:s18], $0x1000  }
0x7f: {  	[sflag:s18] =	ssyncset.done $0x0  }
0x80: {  	s21 =	sadd.s32 $0xA0, s16;
	[sflag:s18] =	ssyncadd.s32 $0xFFFFF000  }
0x81: {  	[tilespmem:s25], [sflag:$0x6] =	stream.indirect.gather [hbm4b:s2+s19], $0x80, s21, s19, $0xb8;
	[tilespmem:$0xD400] =	vst v63  }
0x82: {  	_ =	swait.ge [sflag:s23], $0x1000  }
0x83: {  	[sflag:s23] =	ssyncset.done $0x0  }
0x84: {  	s7 =	sadd.s32 $0xC0, s16;
	[sflag:s23] =	ssyncadd.s32 $0xFFFFF000  }
0x85: {  	[tilespmem:s28], [sflag:$0x7] =	stream.indirect.gather [hbm4b:s2+s19], $0x80, s7, s19, $0xb8;
	[tilespmem:$0xD400] =	vst v63  }
0x86: {  	_ =	swait.ge [sflag:s26], $0x1000  }
0x87: {  	[sflag:s26] =	ssyncset.done $0x0  }
0x88: {  	s30 =	simm.s32 $0x3;
	s9 =	sadd.s32 $0xE0, s16;
	[sflag:s26] =	ssyncadd.s32 $0xFFFFF000  }
0x89: {  	[tilespmem:s6], [sflag:$0x8] =	stream.indirect.gather [hbm4b:s2+s19], $0x80, s9, s19, $0xb8;
	[tilespmem:$0xD400] =	vst v63  }
0x8a: {  	s1 =	sadd.s32 $0x20, s16;
	s8 =	smin.u32 s8, $0x1;
	_ =	swait.ge [sflag:s29], $0x1000  }
0x8b: {  	s10 =	sadd.s32 $0x100, s16;
	s11 =	sadd.s32 $0x120, s16;
	[sflag:s29] =	ssyncset.done $0x0  }
0x8c: {  	s12 =	sadd.s32 $0x140, s16;
	s17 =	stileid.u32;
	[sflag:s29] =	ssyncadd.s32 $0xFFFFF000  }
0x8d: {  	[tilespmem:s13], [sflag:$0x9] =	stream.indirect.gather [hbm4b:s2+s19], $0x80, s10, s19, $0xb8;
	[tilespmem:$0xD400] =	vst v63  }
0x8e: {  	s18 =	simm.s32 $0x2;
	s21 =	sshll.u32 s17, $0x6;
	_ =	swait.ge [sflag:s31], $0x1000  }
0x8f: {  	s17 =	sadd.s32 $0x2C, s20;
	s21 =	sor.u32 $0x1C19, s21;
	[sflag:s31] =	ssyncset.done $0x0  }
0x90: {  	s13 =	sshll.u32 s8, $0x9;
	s8 =	ssub.s32 $0x0, s8;
	[sflag:s31] =	ssyncadd.s32 $0xFFFFF000  }
0x91: {  	[tilespmem:s14], [sflag:$0xA] =	stream.indirect.gather [hbm4b:s2+s19], $0x80, s11, s19, $0xb8;
	[tilespmem:$0xD400] =	vst v63  }
0x92: {  	s28 =	sadd.s32 $0x200, s24;
	s8 =	sand.u32 $0x1, s8;
	_ =	swait.ge [sflag:s15], $0x1000  }
0x93: {  	s24 =	simm.s32 $0x1;
	s8 =	sor.u32 s5, s8;
	[sflag:s15] =	ssyncset.done $0x0  }
0x94: {  	s8 =	sshll.u32 s8, $0xC;
	s14 =	rddreg [dreg:$0x7];
	[sflag:s15] =	ssyncadd.s32 $0xFFFFF000  }
0x95: {  	[tilespmem:s4], [sflag:$0xB] =	stream.indirect.gather [hbm4b:s2+s19], $0x80, s12, s19, $0xb8;
	[tilespmem:$0xD400] =	vst v63  }
0x96: {  	s9 =	sadd.s32 s8, s3;
	s0 =	ssub.s32 s14, s13;
	_ =	swait.ge [sflag:s22], $0x1000  }
0x97: {  	s0 =	sand.u32 $0x1FFFFE00, s0;
	s25 =	rddreg [dreg:$0x6];
	[sflag:s22] =	ssyncset.done $0x0  }
0x98: {  	s8 =	sadd.s32 s25, s0;
	s0 =	sadd.s32 $0x200, s14;
	[sflag:s22] =	ssyncadd.s32 $0xFFFFF000  }
.LBB2_2:
0x99: {  	s12 =	simm.s32 $0x400;
	s14 =	sadd.s32 $0xFFFFFFFF, s18;
	s9 =	sshrl.u32 s9, $0x3  }
0x9a: {  	[tilespmem:s12], [sflag:$0x1] =	stream.indirect.gather [hbm4b:s2+s19], $0x80, s16, s19, $0xb8;
	[tilespmem:$0xD400] =	vst v63  }
0x9b: {  	s25 =	simm.s32 $0x1400;
	s11 =	simm.s32 $0x19;
	s6 =	sand.u32 $0x1, s18  }
0x9c: {  	[tilespmem:s25], [sflag:$0x2] =	stream.indirect.gather [hbm4b:s2+s19], $0x80, s1, s19, $0xb8;
	[tilespmem:$0xD400] =	vst v63  }
0x9d: {  	[hbm:s8], [sflag:s21] =	dma.local [spmem:s9], $0x200  }
0x9e: {  	s4 =	simm.s32 $0x2;
	s20 =	sand.u32 $0x1, s14;
	_ =	swait.ge [sflag:s11], $0x200  }
0x9f: {  	p1 =	seq.s32 s6, $0x1;
	s16 =	rddreg [dreg:$0x5];
	[sflag:s11] =	ssyncset.done $0x0  }
0xa0: {  	[sflag:s11] =	ssyncadd.s32 $0xFFFFFE00;
	s16 =	simm.s32 @!p1 $0x0;
	s11 =	simm.s32 $0x0  }
0xa1: {  	[tilespmem:s16], [sflag:$0x17] =	stream.linear.gather [hbm4b:s17+s11], $0x160, $0x38;
	[tilespmem:$0xD400] =	vst v63  }
0xa2: {  	s7 =	sor.u32 s5, s20;
	_ =	swait.ge [sflag:s4], $0x1000  }
0xa3: {  	s9 =	sshll.u32 s7, $0xC;
	[sflag:s4] =	ssyncset.done $0x0  }
0xa4: {  	s13 =	simm.s32 $0x1;
	s9 =	sadd.s32 s9, s3;
	[sflag:s4] =	ssyncadd.s32 $0xFFFFF000  }
0xa5: {  	[spmem:s9] =	stream.linear.scatter [tilespmem:s25], [sflag:$0xD], $0x1000, $0x38;
	[tilespmem:$0xD400] =	vst v63  }
0xa6: {  	_ =	swait.ge [sflag:s13], $0x1000  }
0xa7: {  	[sflag:s13] =	ssyncset.done $0x0  }
0xa8: {  	s14 =	simm.s32 $0xD;
	[sflag:s13] =	ssyncadd.s32 $0xFFFFF000  }
0xa9: {  	[hbm4b:s28+s11] =	stream.linear.scatter [tilespmem:s12], [sflag:$0x18], $0x1000, $0x38;
	[tilespmem:$0xD400] =	vst v63  }
0xaa: {  	_ =	swait.ge [sflag:s14], $0x1000  }
0xab: {  	[sflag:s14] =	ssyncset.done $0x0  }
0xac: {  	s8 =	sshll.u32 s20, $0x7;
	s20 =	simm.s32 $0x17;
	[sflag:s14] =	ssyncadd.s32 $0xFFFFF000  }
0xad: {  	_ =	swait.ge [sflag:s20], $0x160  }
0xae: {  	[sflag:s20] =	ssyncset.done $0x0  }
0xaf: {  	s25 =	simm.s32 $0x3;
	[sflag:s20] =	ssyncadd.s32 $0xFFFFFEA0  }
0xb0: {  	s10 =	smov.u32 s30;
	_ =	swait.ge [sflag:s25], $0x1000  }
0xb1: {  	s18 =	smov.u32 s10;
	s10 =	simm.s32 $0x2400;
	[sflag:s25] =	ssyncset.done $0x0  }
0xb2: {  	s6 =	simm.s32 $0x4;
	s8 =	sor.u32 $0x300, s8;
	[sflag:s25] =	ssyncadd.s32 $0xFFFFF000  }
0xb3: {  	[spmem:s3] =	stream.indirect.scatter.add.f32 [tilespmem:s10], [sflag:$0xE], $0x80, s8, s19, $0xb8;
	[tilespmem:$0xD400] =	vst v63  }
0xb4: {  	_ =	swait.ge [sflag:s6], $0x1000  }
0xb5: {  	[sflag:s6] =	ssyncset.done $0x0  }
0xb6: {  	s7 =	simm.s32 $0x5;
	s11 =	simm.s32 $0x3400;
	[sflag:s6] =	ssyncadd.s32 $0xFFFFF000  }
0xb7: {  	[spmem:s3] =	stream.indirect.scatter.add.f32 [tilespmem:s11], [sflag:$0xF], $0x80, s8, s19, $0xb8;
	[tilespmem:$0xD400] =	vst v63  }
0xb8: {  	_ =	swait.ge [sflag:s7], $0x1000  }
0xb9: {  	[sflag:s7] =	ssyncset.done $0x0  }
0xba: {  	s9 =	simm.s32 $0x6;
	s12 =	simm.s32 $0x4400;
	[sflag:s7] =	ssyncadd.s32 $0xFFFFF000  }
0xbb: {  	[spmem:s3] =	stream.indirect.scatter.add.f32 [tilespmem:s12], [sflag:$0x10], $0x80, s8, s19, $0xb8;
	[tilespmem:$0xD400] =	vst v63  }
0xbc: {  	_ =	swait.ge [sflag:s9], $0x1000  }
0xbd: {  	[sflag:s9] =	ssyncset.done $0x0  }
0xbe: {  	s13 =	simm.s32 $0x7;
	s25 =	simm.s32 $0x5400;
	[sflag:s9] =	ssyncadd.s32 $0xFFFFF000  }
0xbf: {  	[spmem:s3] =	stream.indirect.scatter.add.f32 [tilespmem:s25], [sflag:$0x11], $0x80, s8, s19, $0xb8;
	[tilespmem:$0xD400] =	vst v63  }
0xc0: {  	_ =	swait.ge [sflag:s13], $0x1000  }
0xc1: {  	[sflag:s13] =	ssyncset.done $0x0  }
0xc2: {  	s14 =	simm.s32 $0x8;
	s6 =	simm.s32 $0x6400;
	[sflag:s13] =	ssyncadd.s32 $0xFFFFF000  }
0xc3: {  	[spmem:s3] =	stream.indirect.scatter.add.f32 [tilespmem:s6], [sflag:$0x12], $0x80, s8, s19, $0xb8;
	[tilespmem:$0xD400] =	vst v63  }
0xc4: {  	_ =	swait.ge [sflag:s14], $0x1000  }
0xc5: {  	[sflag:s14] =	ssyncset.done $0x0  }
0xc6: {  	s20 =	simm.s32 $0x9;
	s13 =	simm.s32 $0x7400;
	[sflag:s14] =	ssyncadd.s32 $0xFFFFF000  }
0xc7: {  	[spmem:s3] =	stream.indirect.scatter.add.f32 [tilespmem:s13], [sflag:$0x13], $0x80, s8, s19, $0xb8;
	[tilespmem:$0xD400] =	vst v63  }
0xc8: {  	_ =	swait.ge [sflag:s20], $0x1000  }
0xc9: {  	[sflag:s20] =	ssyncset.done $0x0  }
0xca: {  	s7 =	simm.s32 $0xA;
	s14 =	simm.s32 $0x8400;
	[sflag:s20] =	ssyncadd.s32 $0xFFFFF000  }
0xcb: {  	[spmem:s3] =	stream.indirect.scatter.add.f32 [tilespmem:s14], [sflag:$0x14], $0x80, s8, s19, $0xb8;
	[tilespmem:$0xD400] =	vst v63  }
0xcc: {  	_ =	swait.ge [sflag:s7], $0x1000  }
0xcd: {  	[sflag:s7] =	ssyncset.done $0x0  }
0xce: {  	s4 =	simm.s32 $0x9400;
	[sflag:s7] =	ssyncadd.s32 $0xFFFFF000;
	s7 =	simm.s32 $0xB  }
0xcf: {  	[spmem:s3] =	stream.indirect.scatter.add.f32 [tilespmem:s4], [sflag:$0x15], $0x80, s8, s19, $0xb8;
	[tilespmem:$0xD400] =	vst v63  }
0xd0: {  	_ =	swait.ge [sflag:s7], $0x1000  }
0xd1: {  	[sflag:s7] =	ssyncset.done $0x0  }
0xd2: {  	s20 =	simm.s32 $0xE;
	[sflag:s7] =	ssyncadd.s32 $0xFFFFF000;
	s7 =	simm.s32 $0xA400  }
0xd3: {  	[spmem:s3] =	stream.indirect.scatter.add.f32 [tilespmem:s7], [sflag:$0x16], $0x80, s8, s19, $0xb8;
	[tilespmem:$0xD400] =	vst v63  }
0xd4: {  	_ =	swait.ge [sflag:s20], $0x1000  }
0xd5: {  	[sflag:s20] =	ssyncset.done $0x0  }
0xd6: {  	s9 =	sadd.s32 $0x40, s16;
	[sflag:s20] =	ssyncadd.s32 $0xFFFFF000  }
0xd7: {  	[tilespmem:s10], [sflag:$0x3] =	stream.indirect.gather [hbm4b:s2+s19], $0x80, s9, s19, $0xb8;
	[tilespmem:$0xD400] =	vst v63  }
0xd8: {  	s9 =	simm.s32 $0xF  }
0xd9: {  	_ =	swait.ge [sflag:s9], $0x1000  }
0xda: {  	[sflag:s9] =	ssyncset.done $0x0  }
0xdb: {  	s8 =	sadd.s32 $0x60, s16;
	[sflag:s9] =	ssyncadd.s32 $0xFFFFF000  }
0xdc: {  	[tilespmem:s11], [sflag:$0x4] =	stream.indirect.gather [hbm4b:s2+s19], $0x80, s8, s19, $0xb8;
	[tilespmem:$0xD400] =	vst v63  }
0xdd: {  	s8 =	simm.s32 $0x10  }
0xde: {  	_ =	swait.ge [sflag:s8], $0x1000  }
0xdf: {  	[sflag:s8] =	ssyncset.done $0x0  }
0xe0: {  	s20 =	sor.u32 $0x80, s16;
	[sflag:s8] =	ssyncadd.s32 $0xFFFFF000  }
0xe1: {  	[tilespmem:s12], [sflag:$0x5] =	stream.indirect.gather [hbm4b:s2+s19], $0x80, s20, s19, $0xb8;
	[tilespmem:$0xD400] =	vst v63  }
0xe2: {  	s12 =	simm.s32 $0x11  }
0xe3: {  	_ =	swait.ge [sflag:s12], $0x1000  }
0xe4: {  	[sflag:s12] =	ssyncset.done $0x0  }
0xe5: {  	s11 =	sadd.s32 $0xA0, s16;
	[sflag:s12] =	ssyncadd.s32 $0xFFFFF000  }
0xe6: {  	[tilespmem:s25], [sflag:$0x6] =	stream.indirect.gather [hbm4b:s2+s19], $0x80, s11, s19, $0xb8;
	[tilespmem:$0xD400] =	vst v63  }
0xe7: {  	_ =	swait.ge [sflag:s23], $0x1000  }
0xe8: {  	[sflag:s23] =	ssyncset.done $0x0  }
0xe9: {  	s20 =	sadd.s32 $0xC0, s16;
	[sflag:s23] =	ssyncadd.s32 $0xFFFFF000  }
0xea: {  	[tilespmem:s6], [sflag:$0x7] =	stream.indirect.gather [hbm4b:s2+s19], $0x80, s20, s19, $0xb8;
	[tilespmem:$0xD400] =	vst v63  }
0xeb: {  	_ =	swait.ge [sflag:s26], $0x1000  }
0xec: {  	[sflag:s26] =	ssyncset.done $0x0  }
0xed: {  	s25 =	sadd.s32 $0xE0, s16;
	[sflag:s26] =	ssyncadd.s32 $0xFFFFF000  }
0xee: {  	[tilespmem:s13], [sflag:$0x8] =	stream.indirect.gather [hbm4b:s2+s19], $0x80, s25, s19, $0xb8;
	[tilespmem:$0xD400] =	vst v63  }
0xef: {  	_ =	swait.ge [sflag:s29], $0x1000  }
0xf0: {  	p0 =	sne.s32 s30, $0x31;
	s30 =	sadd.s32 $0x1, s30;
	[sflag:s29] =	ssyncset.done $0x0  }
0xf1: {  	s1 =	sadd.s32 $0x20, s16;
	s6 =	sadd.s32 $0x100, s16;
	[sflag:s29] =	ssyncadd.s32 $0xFFFFF000  }
0xf2: {  	[tilespmem:s14], [sflag:$0x9] =	stream.indirect.gather [hbm4b:s2+s19], $0x80, s6, s19, $0xb8;
	[tilespmem:$0xD400] =	vst v63  }
0xf3: {  	s17 =	sadd.s32 $0x2C, s17;
	s28 =	sadd.s32 $0x200, s28;
	_ =	swait.ge [sflag:s31], $0x1000  }
0xf4: {  	s10 =	sadd.s32 $0x120, s16;
	s11 =	smin.u32 s24, $0x1;
	[sflag:s31] =	ssyncset.done $0x0  }
0xf5: {  	s12 =	sadd.s32 $0x140, s16;
	s13 =	sshll.u32 s11, $0x9;
	[sflag:s31] =	ssyncadd.s32 $0xFFFFF000  }
0xf6: {  	[tilespmem:s4], [sflag:$0xA] =	stream.indirect.gather [hbm4b:s2+s19], $0x80, s10, s19, $0xb8;
	[tilespmem:$0xD400] =	vst v63  }
0xf7: {  	s20 =	ssub.s32 s0, s13;
	s0 =	sadd.s32 $0x200, s0;
	_ =	swait.ge [sflag:s15], $0x1000  }
0xf8: {  	s14 =	ssub.s32 s24, s11;
	s11 =	sand.u32 $0x1FFFFE00, s20;
	[sflag:s15] =	ssyncset.done $0x0  }
.Ltmp0:
0xf9: {  	s8 =	sand.u32 $0x1, s14;
	[sflag:s15] =	ssyncadd.s32 $0xFFFFF000;
	(pc) =	sbr.rel @p0 .LBB2_2-.Ltmp0, $4  }
0xfa: {  	[tilespmem:s7], [sflag:$0xB] =	stream.indirect.gather [hbm4b:s2+s19], $0x80, s12, s19, $0xb8;
	[tilespmem:$0xD400] =	vst v63  }
0xfb: {  	s24 =	sadd.s32 $0x1, s24;
	s8 =	sor.u32 s5, s8;
	_ =	swait.ge [sflag:s22], $0x1000  }
0xfc: {  	s8 =	sshll.u32 s8, $0xC;
	s25 =	rddreg [dreg:$0x6];
	[sflag:s22] =	ssyncset.done $0x0  }
0xfd: {  	s9 =	sadd.s32 s8, s3;
	s8 =	sadd.s32 s25, s11;
	[sflag:s22] =	ssyncadd.s32 $0xFFFFF000  }
0xfe: {  	s4 =	simm.s32 $0x400  }
0xff: {  	[tilespmem:s4], [sflag:$0x1] =	stream.indirect.gather [hbm4b:s2+s19], $0x80, s16, s19, $0xb8;
	[tilespmem:$0xD400] =	vst v63  }
0x100: {  	s10 =	simm.s32 $0x1400;
	s11 =	sshrl.u32 s9, $0x3  }
0x101: {  	[tilespmem:s10], [sflag:$0x2] =	stream.indirect.gather [hbm4b:s2+s19], $0x80, s1, s19, $0xb8;
	[tilespmem:$0xD400] =	vst v63  }
0x102: {  	[hbm:s8], [sflag:s21] =	dma.local [spmem:s11], $0x200  }
0x103: {  	s12 =	sand.u32 $0x1, s18;
	s13 =	sadd.s32 $0xFFFFFFFF, s18;
	s11 =	simm.s32 $0x19  }
0x104: {  	p0 =	seq.s32 s12, $0x1;
	s16 =	simm.s32 $0x2;
	_ =	swait.ge [sflag:s11], $0x200  }
0x105: {  	s10 =	simm.s32 $0x0;
	s1 =	rddreg [dreg:$0x5];
	[sflag:s11] =	ssyncset.done $0x0  }
0x106: {  	s8 =	sand.u32 $0x1, s13;
	[sflag:s11] =	ssyncadd.s32 $0xFFFFFE00;
	s1 =	simm.s32 @!p0 $0x0  }
0x107: {  	[tilespmem:s1], [sflag:$0x17] =	stream.linear.gather [hbm4b:s17+s10], $0x160, $0x38;
	[tilespmem:$0xD400] =	vst v63  }
0x108: {  	s14 =	sor.u32 s5, s8;
	_ =	swait.ge [sflag:s16], $0x1000  }
0x109: {  	s6 =	simm.s32 $0x1400;
	s9 =	sshll.u32 s14, $0xC;
	[sflag:s16] =	ssyncset.done $0x0  }
0x10a: {  	s25 =	simm.s32 $0x1;
	s9 =	sadd.s32 s9, s3;
	[sflag:s16] =	ssyncadd.s32 $0xFFFFF000  }
0x10b: {  	[spmem:s9] =	stream.linear.scatter [tilespmem:s6], [sflag:$0xD], $0x1000, $0x38;
	[tilespmem:$0xD400] =	vst v63  }
0x10c: {  	_ =	swait.ge [sflag:s25], $0x1000  }
0x10d: {  	[sflag:s25] =	ssyncset.done $0x0  }
0x10e: {  	s7 =	simm.s32 $0x400;
	s17 =	simm.s32 $0xD;
	[sflag:s25] =	ssyncadd.s32 $0xFFFFF000  }
0x10f: {  	[hbm4b:s28+s10] =	stream.linear.scatter [tilespmem:s7], [sflag:$0x18], $0x1000, $0x38;
	[tilespmem:$0xD400] =	vst v63  }
0x110: {  	_ =	swait.ge [sflag:s17], $0x1000  }
0x111: {  	[sflag:s17] =	ssyncset.done $0x0  }
0x112: {  	s18 =	simm.s32 $0x17;
	[sflag:s17] =	ssyncadd.s32 $0xFFFFF000  }
0x113: {  	_ =	swait.ge [sflag:s18], $0x160  }
0x114: {  	[sflag:s18] =	ssyncset.done $0x0  }
0x115: {  	s28 =	simm.s32 $0x3;
	[sflag:s18] =	ssyncadd.s32 $0xFFFFFEA0  }
0x116: {  	s8 =	sshll.u32 s8, $0x7;
	_ =	swait.ge [sflag:s28], $0x1000  }
0x117: {  	s8 =	sor.u32 $0x300, s8;
	[sflag:s28] =	ssyncset.done $0x0  }
0x118: {  	s14 =	simm.s32 $0x4;
	s16 =	simm.s32 $0x2400;
	[sflag:s28] =	ssyncadd.s32 $0xFFFFF000  }
0x119: {  	[spmem:s3] =	stream.indirect.scatter.add.f32 [tilespmem:s16], [sflag:$0xE], $0x80, s8, s19, $0xb8;
	[tilespmem:$0xD400] =	vst v63  }
0x11a: {  	_ =	swait.ge [sflag:s14], $0x1000  }
0x11b: {  	[sflag:s14] =	ssyncset.done $0x0  }
0x11c: {  	s13 =	simm.s32 $0x5;
	s17 =	simm.s32 $0x3400;
	[sflag:s14] =	ssyncadd.s32 $0xFFFFF000  }
0x11d: {  	[spmem:s3] =	stream.indirect.scatter.add.f32 [tilespmem:s17], [sflag:$0xF], $0x80, s8, s19, $0xb8;
	[tilespmem:$0xD400] =	vst v63  }
0x11e: {  	_ =	swait.ge [sflag:s13], $0x1000  }
0x11f: {  	[sflag:s13] =	ssyncset.done $0x0  }
0x120: {  	s12 =	simm.s32 $0x6;
	s18 =	simm.s32 $0x4400;
	[sflag:s13] =	ssyncadd.s32 $0xFFFFF000  }
0x121: {  	[spmem:s3] =	stream.indirect.scatter.add.f32 [tilespmem:s18], [sflag:$0x10], $0x80, s8, s19, $0xb8;
	[tilespmem:$0xD400] =	vst v63  }
0x122: {  	_ =	swait.ge [sflag:s12], $0x1000  }
0x123: {  	[sflag:s12] =	ssyncset.done $0x0  }
0x124: {  	s30 =	simm.s32 $0x5400;
	s10 =	simm.s32 $0x7;
	[sflag:s12] =	ssyncadd.s32 $0xFFFFF000  }
0x125: {  	[spmem:s3] =	stream.indirect.scatter.add.f32 [tilespmem:s30], [sflag:$0x11], $0x80, s8, s19, $0xb8;
	[tilespmem:$0xD400] =	vst v63  }
0x126: {  	_ =	swait.ge [sflag:s10], $0x1000  }
0x127: {  	[sflag:s10] =	ssyncset.done $0x0  }
0x128: {  	s20 =	simm.s32 $0x6400;
	s9 =	simm.s32 $0x8;
	[sflag:s10] =	ssyncadd.s32 $0xFFFFF000  }
0x129: {  	[spmem:s3] =	stream.indirect.scatter.add.f32 [tilespmem:s20], [sflag:$0x12], $0x80, s8, s19, $0xb8;
	[tilespmem:$0xD400] =	vst v63  }
0x12a: {  	_ =	swait.ge [sflag:s9], $0x1000  }
0x12b: {  	[sflag:s9] =	ssyncset.done $0x0  }
0x12c: {  	s6 =	simm.s32 $0x7400;
	[sflag:s9] =	ssyncadd.s32 $0xFFFFF000  }
0x12d: {  	[spmem:s3] =	stream.indirect.scatter.add.f32 [tilespmem:s6], [sflag:$0x13], $0x80, s8, s19, $0xb8;
	[tilespmem:$0xD400] =	vst v63  }
0x12e: {  	s6 =	simm.s32 $0x9  }
0x12f: {  	_ =	swait.ge [sflag:s6], $0x1000  }
0x130: {  	[sflag:s6] =	ssyncset.done $0x0  }
0x131: {  	s4 =	simm.s32 $0xA;
	s7 =	simm.s32 $0x8400;
	[sflag:s6] =	ssyncadd.s32 $0xFFFFF000  }
0x132: {  	[spmem:s3] =	stream.indirect.scatter.add.f32 [tilespmem:s7], [sflag:$0x14], $0x80, s8, s19, $0xb8;
	[tilespmem:$0xD400] =	vst v63  }
0x133: {  	_ =	swait.ge [sflag:s4], $0x1000  }
0x134: {  	[sflag:s4] =	ssyncset.done $0x0  }
0x135: {  	s20 =	simm.s32 $0x9400;
	s7 =	simm.s32 $0xB;
	[sflag:s4] =	ssyncadd.s32 $0xFFFFF000  }
0x136: {  	[spmem:s3] =	stream.indirect.scatter.add.f32 [tilespmem:s20], [sflag:$0x15], $0x80, s8, s19, $0xb8;
	[tilespmem:$0xD400] =	vst v63  }
0x137: {  	_ =	swait.ge [sflag:s7], $0x1000  }
0x138: {  	[sflag:s7] =	ssyncset.done $0x0  }
0x139: {  	s20 =	simm.s32 $0xA400;
	[sflag:s7] =	ssyncadd.s32 $0xFFFFF000  }
0x13a: {  	[spmem:s3] =	stream.indirect.scatter.add.f32 [tilespmem:s20], [sflag:$0x16], $0x80, s8, s19, $0xb8;
	[tilespmem:$0xD400] =	vst v63  }
0x13b: {  	s20 =	simm.s32 $0xE  }
0x13c: {  	_ =	swait.ge [sflag:s20], $0x1000  }
0x13d: {  	[sflag:s20] =	ssyncset.done $0x0  }
0x13e: {  	s8 =	sadd.s32 $0x40, s1;
	[sflag:s20] =	ssyncadd.s32 $0xFFFFF000  }
0x13f: {  	[tilespmem:s16], [sflag:$0x3] =	stream.indirect.gather [hbm4b:s2+s19], $0x80, s8, s19, $0xb8;
	[tilespmem:$0xD400] =	vst v63  }
0x140: {  	s8 =	simm.s32 $0xF  }
0x141: {  	_ =	swait.ge [sflag:s8], $0x1000  }
0x142: {  	[sflag:s8] =	ssyncset.done $0x0  }
0x143: {  	s20 =	sadd.s32 $0x60, s1;
	[sflag:s8] =	ssyncadd.s32 $0xFFFFF000;
	s8 =	simm.s32 $0x10  }
0x144: {  	[tilespmem:s17], [sflag:$0x4] =	stream.indirect.gather [hbm4b:s2+s19], $0x80, s20, s19, $0xb8;
	[tilespmem:$0xD400] =	vst v63  }
0x145: {  	_ =	swait.ge [sflag:s8], $0x1000  }
0x146: {  	[sflag:s8] =	ssyncset.done $0x0  }
0x147: {  	s17 =	sor.u32 $0x80, s1;
	[sflag:s8] =	ssyncadd.s32 $0xFFFFF000  }
0x148: {  	[tilespmem:s18], [sflag:$0x5] =	stream.indirect.gather [hbm4b:s2+s19], $0x80, s17, s19, $0xb8;
	[tilespmem:$0xD400] =	vst v63  }
0x149: {  	s18 =	simm.s32 $0x11  }
0x14a: {  	_ =	swait.ge [sflag:s18], $0x1000  }
0x14b: {  	[sflag:s18] =	ssyncset.done $0x0  }
0x14c: {  	s20 =	sadd.s32 $0xA0, s1;
	[sflag:s18] =	ssyncadd.s32 $0xFFFFF000  }
0x14d: {  	[tilespmem:s30], [sflag:$0x6] =	stream.indirect.gather [hbm4b:s2+s19], $0x80, s20, s19, $0xb8;
	[tilespmem:$0xD400] =	vst v63  }
0x14e: {  	_ =	swait.ge [sflag:s23], $0x1000  }
0x14f: {  	[sflag:s23] =	ssyncset.done $0x0  }
0x150: {  	s17 =	sadd.s32 $0xC0, s1;
	s18 =	simm.s32 $0x6400;
	[sflag:s23] =	ssyncadd.s32 $0xFFFFF000  }
0x151: {  	[tilespmem:s18], [sflag:$0x7] =	stream.indirect.gather [hbm4b:s2+s19], $0x80, s17, s19, $0xb8;
	[tilespmem:$0xD400] =	vst v63  }
0x152: {  	_ =	swait.ge [sflag:s26], $0x1000  }
0x153: {  	[sflag:s26] =	ssyncset.done $0x0  }
0x154: {  	s20 =	sadd.s32 $0xE0, s1;
	s30 =	simm.s32 $0x7400;
	[sflag:s26] =	ssyncadd.s32 $0xFFFFF000  }
0x155: {  	[tilespmem:s30], [sflag:$0x8] =	stream.indirect.gather [hbm4b:s2+s19], $0x80, s20, s19, $0xb8;
	[tilespmem:$0xD400] =	vst v63  }
0x156: {  	_ =	swait.ge [sflag:s29], $0x1000  }
0x157: {  	[sflag:s29] =	ssyncset.done $0x0  }
0x158: {  	s17 =	sadd.s32 $0x100, s1;
	s18 =	simm.s32 $0x8400;
	[sflag:s29] =	ssyncadd.s32 $0xFFFFF000  }
0x159: {  	[tilespmem:s18], [sflag:$0x9] =	stream.indirect.gather [hbm4b:s2+s19], $0x80, s17, s19, $0xb8;
	[tilespmem:$0xD400] =	vst v63  }
0x15a: {  	_ =	swait.ge [sflag:s31], $0x1000  }
0x15b: {  	[sflag:s31] =	ssyncset.done $0x0  }
0x15c: {  	s20 =	sadd.s32 $0x120, s1;
	s30 =	simm.s32 $0x9400;
	[sflag:s31] =	ssyncadd.s32 $0xFFFFF000  }
0x15d: {  	[tilespmem:s30], [sflag:$0xA] =	stream.indirect.gather [hbm4b:s2+s19], $0x80, s20, s19, $0xb8;
	[tilespmem:$0xD400] =	vst v63  }
0x15e: {  	_ =	swait.ge [sflag:s15], $0x1000  }
0x15f: {  	[sflag:s15] =	ssyncset.done $0x0  }
0x160: {  	s16 =	sadd.s32 $0x140, s1;
	s17 =	simm.s32 $0xA400;
	[sflag:s15] =	ssyncadd.s32 $0xFFFFF000  }
0x161: {  	[tilespmem:s17], [sflag:$0xB] =	stream.indirect.gather [hbm4b:s2+s19], $0x80, s16, s19, $0xb8;
	[tilespmem:$0xD400] =	vst v63  }
0x162: {  	_ =	swait.ge [sflag:s22], $0x1000  }
0x163: {  	s30 =	smin.u32 s24, $0x1;
	[sflag:s22] =	ssyncset.done $0x0  }
0x164: {  	s18 =	simm.s32 $0x400;
	s16 =	ssub.s32 s24, s30;
	[sflag:s22] =	ssyncadd.s32 $0xFFFFF000  }
0x165: {  	[tilespmem:s18], [sflag:$0x1] =	stream.indirect.gather [hbm4b:s2+s19], $0x80, s1, s19, $0xb8;
	[tilespmem:$0xD400] =	vst v63  }
0x166: {  	s20 =	simm.s32 $0x1400;
	s8 =	sand.u32 $0x1, s16;
	s1 =	sadd.s32 $0x20, s1  }
0x167: {  	[tilespmem:s20], [sflag:$0x2] =	stream.indirect.gather [hbm4b:s2+s19], $0x80, s1, s19, $0xb8;
	[tilespmem:$0xD400] =	vst v63  }
0x168: {  	s8 =	sor.u32 s5, s8;
	s1 =	sshll.u32 s30, $0x9  }
0x169: {  	s17 =	sshll.u32 s8, $0xC;
	s0 =	ssub.s32 s0, s1  }
0x16a: {  	s18 =	rddreg [dreg:$0x6];
	s1 =	sadd.s32 s17, s3;
	s0 =	sand.u32 $0x1FFFFE00, s0  }
0x16b: {  	s1 =	sshrl.u32 s1, $0x3;
	s0 =	sadd.s32 s18, s0  }
0x16c: {  	[hbm:s0], [sflag:s21] =	dma.local [spmem:s1], $0x200  }
0x16d: {  	_ =	swait.ge [sflag:s11], $0x200  }
0x16e: {  	[sflag:s11] =	ssyncset.done $0x0;
	s20 =	rddreg [dreg:$0xb]  }
0x16f: {  	s24 =	rddreg [dreg:$0xf];
	[sflag:s11] =	ssyncadd.s32 $0xFFFFFE00  }
0x170: {  	[hbm:s20], [sflag:s21] =	dma.local [spmem:s24], $0x200  }
0x171: {  	_ =	swait.ge [sflag:s11], $0x200  }
0x172: {  	[sflag:s11] =	ssyncset.done $0x0  }
0x173: {  	[sflag:s11] =	ssyncadd.s32 $0xFFFFFE00  }
0x174: {  	_ =	swait.ge [sflag:s25], $0x1000  }
0x175: {  	[sflag:s25] =	ssyncset.done $0x0  }
0x176: {  	[sflag:s25] =	ssyncadd.s32 $0xFFFFF000;
	s25 =	simm.s32 $0x2  }
0x177: {  	_ =	swait.ge [sflag:s25], $0x1000  }
0x178: {  	[sflag:s25] =	ssyncset.done $0x0  }
0x179: {  	[sflag:s25] =	ssyncadd.s32 $0xFFFFF000  }
0x17a: {  	_ =	swait.ge [sflag:s28], $0x1000  }
0x17b: {  	[sflag:s28] =	ssyncset.done $0x0  }
0x17c: {  	[sflag:s28] =	ssyncadd.s32 $0xFFFFF000  }
0x17d: {  	_ =	swait.ge [sflag:s14], $0x1000  }
0x17e: {  	[sflag:s14] =	ssyncset.done $0x0  }
0x17f: {  	[sflag:s14] =	ssyncadd.s32 $0xFFFFF000  }
0x180: {  	_ =	swait.ge [sflag:s13], $0x1000  }
0x181: {  	[sflag:s13] =	ssyncset.done $0x0  }
0x182: {  	[sflag:s13] =	ssyncadd.s32 $0xFFFFF000  }
0x183: {  	_ =	swait.ge [sflag:s12], $0x1000  }
0x184: {  	[sflag:s12] =	ssyncset.done $0x0  }
0x185: {  	[sflag:s12] =	ssyncadd.s32 $0xFFFFF000  }
0x186: {  	_ =	swait.ge [sflag:s10], $0x1000  }
0x187: {  	[sflag:s10] =	ssyncset.done $0x0  }
0x188: {  	[sflag:s10] =	ssyncadd.s32 $0xFFFFF000  }
0x189: {  	_ =	swait.ge [sflag:s9], $0x1000  }
0x18a: {  	[sflag:s9] =	ssyncset.done $0x0  }
0x18b: {  	[sflag:s9] =	ssyncadd.s32 $0xFFFFF000  }
0x18c: {  	_ =	swait.ge [sflag:s6], $0x1000  }
0x18d: {  	[sflag:s6] =	ssyncset.done $0x0  }
0x18e: {  	[sflag:s6] =	ssyncadd.s32 $0xFFFFF000  }
0x18f: {  	_ =	swait.ge [sflag:s4], $0x1000  }
0x190: {  	[sflag:s4] =	ssyncset.done $0x0  }
0x191: {  	[sflag:s4] =	ssyncadd.s32 $0xFFFFF000  }
0x192: {  	_ =	swait.ge [sflag:s7], $0x1000  }
0x193: {  	s28 =	rddreg [dreg:$0x10]  }
0x194: {  	s30 =	rddreg [dreg:$0xc];
	s1 =	sadd.s32 $0x1, s28  }
0x195: {  	p0 =	sne.s32 s1, s30  }
.Ltmp1:
0x196: {  	_ = 	snop;
	(pc) =	sbr.rel @p0 .LBB2_1-.Ltmp1, $3  }
0x197: {  	_ =	sdelay $0x1  }
0x198: {  	[sflag:s7] =	ssyncset.done $0x0  }
0x199: {  	[sflag:s7] =	ssyncadd.s32 $0xFFFFF000  }
0x19a: {  	_ =	sfence.sel $0x180000  }
0x19b: {  	[bflag:$0x0] =	sbarrier.arrive $0xFFFF  }
0x19c: {  	_ =	strace $0x90000047  }
0x19d: {  	s0 =	stileid.u32;
	[bflag:$0x2] =	sbarrier.arrive $0xFFFF  }
0x19e: {  	p0 =	sne.s32 s0, $0x0;
	s0 =	rddreg [dreg:$0x4]  }
0x19f: {  	s0 =	sadd.s32 @!p0 $0x100000, s0  }
0x1a0: {  	[sflag:s0] =	ssyncadd.tile.s32 @!p0 $0x1;
	_ =	shalt  }
.Lfunc_end2:
_tile_overlayer_lowered:
.L_overlay_start_2:
0x1a1: {  	(tag) =	ssettag $0x2  }
0x1a2: {  	s0 =	rddreg [dreg:$0x0];
	s2 =	stileid.u32  }
0x1a3: {  	s1 =	rddreg [dreg:$0x1];
	p0 =	sne.s32 s2, $0x0  }
0x1a4: {  	s3 =	rddreg [dreg:$0x2];
	[bflag:$0x3] =	sbarrier.arrive $0xFFFF;
	s2 =	simm.s32 @!p0 $0x1C19  }
0x1a5: {  	[timem:s3], [sflag:s2] =	dma.local @!p0 [hbm:s0], s1  }
0x1a6: {  	s0 =	simm.s32 @!p0 $0x19  }
0x1a7: {  	_ =	swait.ge @!p0 [sflag:s0], s1  }
0x1a8: {  	s1 =	ssub.s32 @!p0 $0x0, s1;
	[sflag:s0] =	ssyncset.done @!p0 $0x0  }
0x1a9: {  	[sflag:s0] =	ssyncadd.s32 @!p0 s1  }
0x1aa: {  	[bflag:$0x3] =	sbarrier.arrive $0xFFFF  }
0x1ab: {  	_ =	shalt  }

</sc_bundles>
